<compile_context>
chip_gen: v7x
topology: tpu7x:2x2x1
jax: 0.10.2.dev20260603
libtpu: 0.0.44.dev20260713+nightly
codegen_flags: <defaults>
</compile_context>

<pallas_src>
import functools

import jax
import jax.numpy as jnp
from jax import lax
from jax.experimental import pallas as pl
from jax.experimental.pallas import tpu as pltpu
from jax.experimental.pallas import tpu_sc as plsc

BB = 2
NN = 4096
KNN = 32
E = BB * NN * KNN
EBATCH = NN * KNN
TE = 8192
PTS = TE // KNN
RT = 256
EPS = 1e-5
F32 = jnp.float32



def _knn_body(pr_ref, pat_ref, nb_ref):
    b = pl.program_id(0)
    pr = pr_ref[0]
    pat = pat_ref[0]
    d2r = jnp.sum(pr * pr, axis=1, keepdims=True)
    d2a = jnp.sum(pat * pat, axis=0, keepdims=True)
    e = lax.dot_general(pr.astype(jnp.bfloat16), pat.astype(jnp.bfloat16),
                        (((1,), (0,)), ((), ())),
                        preferred_element_type=F32)
    d = (d2r + d2a) - 2.0 * e
    iota = lax.broadcasted_iota(jnp.int32, (RT, NN), 1)
    kio = lax.broadcasted_iota(jnp.int32, (RT, KNN), 1)

    def round_(r, carry):
        d, nb = carry
        m = jnp.min(d, axis=1, keepdims=True)
        idx = jnp.min(jnp.where(d == m, iota, jnp.int32(NN)), axis=1,
                      keepdims=True)
        nb = jnp.where(kio == r, idx, nb)
        return jnp.where(iota == idx, jnp.float32(jnp.inf), d), nb

    _, nb = lax.fori_loop(0, KNN, round_,
                          (d, jnp.zeros((RT, KNN), jnp.int32)))
    nb_ref[0] = nb + b * NN


def _knn(pc, pcT, interpret=False):
    return pl.pallas_call(
        _knn_body,
        grid=(BB, NN // RT),
        in_specs=[
            pl.BlockSpec((1, RT, 3), lambda b, t: (b, t, 0)),
            pl.BlockSpec((1, 3, NN), lambda b, t: (b, 0, 0)),
        ],
        out_specs=pl.BlockSpec((1, RT, KNN), lambda b, t: (b, t, 0)),
        out_shape=jax.ShapeDtypeStruct((BB, NN, KNN), jnp.int32),
        interpret=interpret,
    )(pc, pcT)



def _sc_gather(table, idx2):
    mesh = plsc.VectorSubcoreMesh(core_axis_name="c", subcore_axis_name="s")

    @functools.partial(
        pl.kernel,
        out_type=jax.ShapeDtypeStruct((E, 128), table.dtype),
        mesh=mesh,
    )
    def k(table_hbm, i_hbm, o_hbm):
        def body(i_vmem, o_vmem):
            pltpu.sync_copy(table_hbm.at[i_vmem.at[0]], o_vmem)

        pltpu.emit_pipeline(
            body,
            grid=(E // 128,),
            in_specs=[pl.BlockSpec((1, 128), lambda i: (0, i))],
            out_specs=[pl.BlockSpec((128, 128), lambda i: (i, 0))],
            core_axis_name=("c", "s"),
            dimension_semantics=(pltpu.PARALLEL,),
        )(i_hbm, o_hbm)

    return k(table, idx2)



BF16 = jnp.bfloat16


def _dotT(w, a):
    return lax.dot_general(w.astype(BF16), a.astype(BF16),
                           (((0,), (0,)), ((), ())),
                           preferred_element_type=F32)


def _lrelu(x):
    return jnp.where(x >= 0, x, 0.1 * x)


def _acc_stats(t, y, st_ref):
    @pl.when(t == 0)
    def _():
        st_ref[...] = jnp.zeros(st_ref.shape, st_ref.dtype)

    st_ref[0, :, 0:1] += jnp.sum(y, axis=1, keepdims=True)
    st_ref[0, :, 1:2] += jnp.sum(y * y, axis=1, keepdims=True)


def _l1p1_body(g_ref, pc_ref, w_ref, y_ref, ef_ref, st_ref):
    t = pl.program_id(1)
    g = g_ref[0]
    pct = pc_ref[0]
    ef3 = g[:, 0:3].reshape(PTS, KNN, 3) - pct[:, None, :]
    ef = ef3.reshape(TE, 3)
    efT = lax.transpose(ef, (1, 0))
    y = _dotT(w_ref[0:3, :], lax.transpose(g[:, 3:6], (1, 0))) \
        + _dotT(w_ref[3:6, :], efT)
    ef_ref[0] = jnp.concatenate([efT, jnp.zeros((5, TE), F32)], axis=0)
    y_ref[0] = y
    _acc_stats(t, y, st_ref)


def _l1p1(g0, pc, w, h, interpret=False):
    return pl.pallas_call(
        _l1p1_body,
        grid=(BB, EBATCH // TE),
        in_specs=[
            pl.BlockSpec((1, TE, 128), lambda b, t: (b, t, 0)),
            pl.BlockSpec((1, PTS, 3), lambda b, t: (b, t, 0)),
            pl.BlockSpec(w.shape, lambda b, t: (0, 0)),
        ],
        out_specs=[
            pl.BlockSpec((1, h, TE), lambda b, t: (b, 0, t)),
            pl.BlockSpec((1, 8, TE), lambda b, t: (b, 0, t)),
            pl.BlockSpec((1, h, 8), lambda b, t: (b, 0, 0)),
        ],
        out_shape=[
            jax.ShapeDtypeStruct((BB, h, EBATCH), F32),
            jax.ShapeDtypeStruct((BB, 8, EBATCH), F32),
            jax.ShapeDtypeStruct((BB, h, 8), F32),
        ],
        interpret=interpret,
    )(g0, pc, w)


def _p1_body(cin, g_ref, sc_ref, ef_ref, w_ref, y_ref, st_ref):
    t = pl.program_id(1)
    g = g_ref[0][:, 0:cin]
    a = _lrelu(g * sc_ref[0, 0:1, :] + sc_ref[0, 1:2, :])
    efT = ef_ref[0][0:3]
    y = _dotT(w_ref[0:cin, :], lax.transpose(a, (1, 0))) \
        + _dotT(w_ref[cin:cin + 3, :], efT)
    y_ref[0] = y
    _acc_stats(t, y, st_ref)


def _p1(g, consts_em, ef, w, cin, h, interpret=False):
    return pl.pallas_call(
        functools.partial(_p1_body, cin),
        grid=(BB, EBATCH // TE),
        in_specs=[
            pl.BlockSpec((1, TE, 128), lambda b, t: (b, t, 0)),
            pl.BlockSpec((1, 8, cin), lambda b, t: (b, 0, 0)),
            pl.BlockSpec((1, 8, TE), lambda b, t: (b, 0, t)),
            pl.BlockSpec(w.shape, lambda b, t: (0, 0)),
        ],
        out_specs=[
            pl.BlockSpec((1, h, TE), lambda b, t: (b, 0, t)),
            pl.BlockSpec((1, h, 8), lambda b, t: (b, 0, 0)),
        ],
        out_shape=[
            jax.ShapeDtypeStruct((BB, h, EBATCH), F32),
            jax.ShapeDtypeStruct((BB, h, 8), F32),
        ],
        interpret=interpret,
    )(g, consts_em, ef, w)


def _mid_body(pool, cout, odt, y_ref, sc_ref, w_ref, o_ref, st_ref):
    t = pl.program_id(1)
    z = y_ref[0]
    a = _lrelu(z * sc_ref[0][:, 0:1] + sc_ref[0][:, 1:2])
    if pool:
        y = lax.dot_general(a.astype(BF16), w_ref[...].astype(BF16),
                            (((0,), (0,)), ((), ())),
                            preferred_element_type=F32)
        @pl.when(t == 0)
        def _():
            st_ref[...] = jnp.zeros(st_ref.shape, st_ref.dtype)

        st_ref[0, 0:1, :] += jnp.sum(y, axis=0, keepdims=True)
        st_ref[0, 1:2, :] += jnp.sum(y * y, axis=0, keepdims=True)
        yp = jnp.max(y.reshape(PTS, KNN, cout), axis=1)
        if cout < 128:
            yp = jnp.concatenate(
                [yp, jnp.zeros((PTS, 128 - cout), F32)], axis=1)
        o_ref[0] = yp
    else:
        y = _dotT(w_ref[...], a)
        _acc_stats(t, y, st_ref)
        o_ref[0] = y


def _mid(y, consts_cm, w, cin, cout, pool, odt=BF16, interpret=False):
    if pool:
        odt = F32
        o_spec = pl.BlockSpec((1, PTS, 128), lambda b, t: (b, t, 0))
        o_shape = jax.ShapeDtypeStruct((BB, NN, 128), odt)
        st_spec = pl.BlockSpec((1, 8, cout), lambda b, t: (b, 0, 0))
        st_shape = jax.ShapeDtypeStruct((BB, 8, cout), F32)
    else:
        o_spec = pl.BlockSpec((1, cout, TE), lambda b, t: (b, 0, t))
        o_shape = jax.ShapeDtypeStruct((BB, cout, EBATCH), F32)
        st_spec = pl.BlockSpec((1, cout, 8), lambda b, t: (b, 0, 0))
        st_shape = jax.ShapeDtypeStruct((BB, cout, 8), F32)
    return pl.pallas_call(
        functools.partial(_mid_body, pool, cout, odt),
        grid=(BB, EBATCH // TE),
        in_specs=[
            pl.BlockSpec((1, cin, TE), lambda b, t: (b, 0, t)),
            pl.BlockSpec((1, cin, 8), lambda b, t: (b, 0, 0)),
            pl.BlockSpec(w.shape, lambda b, t: (0, 0)),
        ],
        out_specs=[o_spec, st_spec],
        out_shape=[o_shape, st_shape],
        interpret=interpret,
    )(y, consts_cm, w)


def _ep_body(p_ref, sc_ref, o_ref):
    a = _lrelu(p_ref[0] * sc_ref[0, 0:1, :] + sc_ref[0, 1:2, :])
    o_ref[0] = lax.transpose(a, (1, 0))


def _epilogue(p, consts_em, interpret=False):
    return pl.pallas_call(
        _ep_body,
        grid=(BB, NN // 512),
        in_specs=[
            pl.BlockSpec((1, 512, 128), lambda b, t: (b, t, 0)),
            pl.BlockSpec((1, 8, 128), lambda b, t: (b, 0, 0)),
        ],
        out_specs=pl.BlockSpec((1, 128, 512), lambda b, t: (b, 0, t)),
        out_shape=jax.ShapeDtypeStruct((BB, 128, NN), F32),
        interpret=interpret,
    )(p, consts_em)


def _consts(st, g, b):
    s1 = st[:, :, 0]
    s2 = st[:, :, 1]
    cnt = float(EBATCH)
    mean = s1 / cnt
    var = s2 / cnt - mean * mean
    scale = g[None, :] * lax.rsqrt(var + EPS)
    shift = b[None, :] - mean * scale
    z = jnp.zeros_like(scale)
    em = jnp.stack([scale, shift, z, z, z, z, z, z], axis=1)
    cm = jnp.stack([scale, shift, z, z, z, z, z, z], axis=2)
    return em, cm



def _forward(args, gather_fn, interpret=False):
    (pc, fea,
     c1_W1, c1_g1, c1_b1, c1_W2, c1_g2, c1_b2, c1_W3, c1_g3, c1_b3,
     c2_W1, c2_g1, c2_b1, c2_W2, c2_g2, c2_b2, c2_W3, c2_g3, c2_b3,
     c3_W1, c3_g1, c3_b1, c3_W2, c3_g2, c3_b2, c3_W3, c3_g3, c3_b3) = args

    pcT = jnp.swapaxes(pc, 1, 2)
    nb = _knn(pc, pcT, interpret=interpret)
    idx2 = nb.reshape(1, E)

    tab0 = jnp.concatenate(
        [pc.reshape(BB * NN, 3), fea.reshape(BB * NN, 3),
         jnp.zeros((BB * NN, 122), F32)], axis=1)
    g0 = gather_fn(tab0, idx2).reshape(BB, EBATCH, 128)
    y, ef, st = _l1p1(g0, pc, c1_W1, 16, interpret=interpret)
    _, cm = _consts(st, c1_g1, c1_b1)
    y, st2 = _mid(y, cm, c1_W2, 16, 16, False, interpret=interpret)
    _, cm = _consts(st2, c1_g2, c1_b2)
    p1, st3 = _mid(y, cm, c1_W3, 16, 32, True, interpret=interpret)
    em1, _ = _consts(jnp.swapaxes(st3, 1, 2), c1_g3, c1_b3)

    g1 = gather_fn(p1.reshape(BB * NN, 128), idx2).reshape(BB, EBATCH, 128)
    y, st = _p1(g1, em1, ef, c2_W1, 32, 32, interpret=interpret)
    _, cm = _consts(st, c2_g1, c2_b1)
    y, st2 = _mid(y, cm, c2_W2, 32, 32, False, interpret=interpret)
    _, cm = _consts(st2, c2_g2, c2_b2)
    p2, st3 = _mid(y, cm, c2_W3, 32, 64, True, interpret=interpret)
    em2, _ = _consts(jnp.swapaxes(st3, 1, 2), c2_g3, c2_b3)

    g2 = gather_fn(p2.reshape(BB * NN, 128), idx2).reshape(BB, EBATCH, 128)
    y, st = _p1(g2, em2, ef, c3_W1, 64, 64, interpret=interpret)
    _, cm = _consts(st, c3_g1, c3_b1)
    y, st2 = _mid(y, cm, c3_W2, 64, 64, False, interpret=interpret)
    _, cm = _consts(st2, c3_g2, c3_b2)
    p3, st3 = _mid(y, cm, c3_W3, 64, 128, True, odt=F32, interpret=interpret)
    em3, _ = _consts(jnp.swapaxes(st3, 1, 2), c3_g3, c3_b3)

    return _epilogue(p3, em3, interpret=interpret)


def kernel(*args):
    return _forward(args, _sc_gather)

# --- scband reference (transcript-rebuilt; emitter-appended) ---
"""Pipeline reference for scband-dmr-flot-encoder-67327907332135 (READ-ONLY COPY).

The authoritative reference and input builder live on the scoring server;
editing this copy changes nothing except your own understanding.
"""

import jax, jax.numpy as jnp
import numpy as np

K = 32

def construct_graph(pc, k):
    # pc: [B, N, 3]; FLOT-style kNN graph via full pairwise distance matrix
    d2 = jnp.sum(pc ** 2, axis=-1, keepdims=True)
    dist = d2 + jnp.swapaxes(d2, 1, 2) - 2.0 * jnp.einsum('bnd,bmd->bnm', pc, pc)
    neighbors = jnp.argsort(dist, axis=-1)[..., :k]  # [B, N, k]
    B, N, _ = pc.shape
    nb = neighbors.reshape(B, N * k)
    idx = jnp.repeat(jnp.arange(N), k)
    gathered = jnp.take_along_axis(pc, nb[..., None], axis=1)  # [B, N*k, 3]
    edge_feats = (gathered - pc[:, idx, :]).reshape(B * N * k, 3)
    offs = (jnp.arange(B) * N)[:, None]
    edges = (nb + offs).reshape(-1)  # [B*N*k] flat indices into [B*N]
    return edges, edge_feats

def instance_norm(x, g, b):
    # x: [B, N, k, ch]; matches torch InstanceNorm2d on [B, ch, k, N] with affine
    mean = jnp.mean(x, axis=(1, 2), keepdims=True)
    var = jnp.var(x, axis=(1, 2), keepdims=True)
    xn = (x - mean) * jax.lax.rsqrt(var + 1e-5)
    return xn * g + b

def lrelu(x):
    return jnp.where(x >= 0, x, 0.1 * x)

def set_conv(signal, edges, edge_feats, k, layers):
    B, N, c = signal.shape
    sig = signal.reshape(B * N, c)
    ef = jnp.concatenate([sig[edges], edge_feats], axis=-1)  # gather + concat rel-pos
    x = ef.reshape(B, N, k, c + 3)
    for (W, g, b) in layers:
        x = lrelu(instance_norm(x @ W, g, b))
    return jnp.max(x, axis=2)  # max over neighbors -> [B, N, c_out]

def setup_inputs(seed: int = 0):
    key = jax.random.key(seed)
    ks = jax.random.split(key, 16)
    B, N = 2, 4096
    inp = {
        'pc': jax.random.normal(ks[0], (B, N, 3), dtype=jnp.float32),
        'fea': jax.random.normal(ks[1], (B, N, 3), dtype=jnp.float32),
    }
    dims = [(3, 32), (32, 64), (64, 128)]
    i = 2
    for L, (cin, cout) in enumerate(dims, start=1):
        h = cout // 2
        shapes = [(cin + 3, h), (h, h), (h, cout)]
        for s, (di, do) in enumerate(shapes, start=1):
            inp['c%d_W%d' % (L, s)] = jax.random.normal(ks[i], (di, do), dtype=jnp.float32) * (1.0 / np.sqrt(di))
            i += 1
            inp['c%d_g%d' % (L, s)] = jnp.ones((do,), dtype=jnp.float32)
            inp['c%d_b%d' % (L, s)] = jnp.zeros((do,), dtype=jnp.float32)
    return inp

def reference(pc, fea,
              c1_W1, c1_g1, c1_b1, c1_W2, c1_g2, c1_b2, c1_W3, c1_g3, c1_b3,
              c2_W1, c2_g1, c2_b1, c2_W2, c2_g2, c2_b2, c2_W3, c2_g3, c2_b3,
              c3_W1, c3_g1, c3_b1, c3_W2, c3_g2, c3_b2, c3_W3, c3_g3, c3_b3):
    edges, edge_feats = construct_graph(pc, K)
    x = set_conv(fea, edges, edge_feats, K, [(c1_W1, c1_g1, c1_b1), (c1_W2, c1_g2, c1_b2), (c1_W3, c1_g3, c1_b3)])
    x = set_conv(x, edges, edge_feats, K, [(c2_W1, c2_g1, c2_b1), (c2_W2, c2_g2, c2_b2), (c2_W3, c2_g3, c2_b3)])
    x = set_conv(x, edges, edge_feats, K, [(c3_W1, c3_g1, c3_b1), (c3_W2, c3_g2, c3_b2), (c3_W3, c3_g3, c3_b3)])
    return jnp.swapaxes(x, 1, 2)  # [B, 128, N]

if __name__ == "__main__":
    import jax
    _d = setup_inputs()
    print(jax.jit(kernel)(*tuple(_d.values())))

</pallas_src>

<mosaic_0001>
#map = affine_map<(d0, d1) -> (0, 0)>
module attributes {stable_mosaic.version = 14 : i64} {
  func.func @k(%arg0: i32, %arg1: i32, %arg2: memref<8192x128xf32, #tpu.memory_space<hbm>>, %arg3: memref<1x262144xi32, #tpu.memory_space<hbm>>, %arg4: memref<262144x128xf32, #tpu.memory_space<hbm>>) attributes {dimension_semantics = [#tpu.dimension_semantics<core_parallel>, #tpu.dimension_semantics<subcore_parallel>], iteration_bounds = array<i64: 2, 16>, scalar_prefetch = 0 : i64, scratch_operands = 0 : i64, tpu.core_type = #tpu.core_type<sc_vector_subcore>, window_params = [{transform_indices = #map}, {transform_indices = #map}, {transform_indices = #map}]} {
    %mul3A = arith.constant 1 : i32
    %mul3A_0 = arith.muli %arg1, %mul3A : i32
    %add3A = arith.constant 0 : i32
    %add3A_1 = arith.addi %add3A, %mul3A_0 : i32
    %mul3A_2 = arith.constant 16 : i32
    %mul3A_3 = arith.muli %arg0, %mul3A_2 : i32
    %add3A_4 = arith.addi %add3A_1, %mul3A_3 : i32
    %mul3A_5 = arith.constant 64 : i32
    %mul3A_6 = arith.muli %add3A_4, %mul3A_5 : i32
    "tpu.region"() ({
      %run_scoped3A = memref.alloca() : memref<2x1x128xi32, #tpu.memory_space<vmem>>
      %run_scoped3A_7 = tpu.sem_alloc : memref<2x!tpu.dma_semaphore, #tpu.memory_space<semaphore_mem>>
      %run_scoped3A_8 = memref.alloca() : memref<2x128x128xf32, #tpu.memory_space<vmem>>
      %run_scoped3A_9 = tpu.sem_alloc : memref<2x!tpu.dma_semaphore, #tpu.memory_space<semaphore_mem>>
      %add3A_10 = arith.constant 0 : i32
      %add3A_11 = arith.addi %add3A_10, %mul3A_6 : i32
      %select_n3A = arith.constant true
      %select_n3A_12 = arith.constant 0 : i32
      %select_n3A_13 = arith.constant -1 : i32
      %select_n3A_14 = arith.select %select_n3A, %select_n3A_13, %select_n3A_12 : i32
      %eq3A = arith.constant -1 : i32
      %eq3A_15 = arith.cmpi eq, %select_n3A_14, %eq3A : i32
      %select_n3A_16 = arith.constant 63 : i32
      %select_n3A_17 = arith.select %eq3A_15, %select_n3A_16, %select_n3A_14 : i32
      %add3A_18 = arith.addi %select_n3A_17, %mul3A_6 : i32
      %select_n3A_19 = arith.constant true
      %select_n3A_20 = arith.constant 0 : i32
      %select_n3A_21 = arith.constant 1 : i32
      %select_n3A_22 = arith.select %select_n3A_19, %select_n3A_21, %select_n3A_20 : i32
      %eq3A_23 = arith.constant 64 : i32
      %eq3A_24 = arith.cmpi eq, %select_n3A_22, %eq3A_23 : i32
      %select_n3A_25 = arith.constant 0 : i32
      %select_n3A_26 = arith.select %eq3A_24, %select_n3A_25, %select_n3A_22 : i32
      %add3A_27 = arith.addi %select_n3A_26, %mul3A_6 : i32
      %add3A_28 = arith.constant 1 : i32
      %add3A_29 = arith.addi %select_n3A_26, %add3A_28 : i32
      %select_n3A_30 = arith.constant true
      %select_n3A_31 = arith.select %select_n3A_30, %add3A_29, %select_n3A_26 : i32
      %eq3A_32 = arith.constant 64 : i32
      %eq3A_33 = arith.cmpi eq, %select_n3A_31, %eq3A_32 : i32
      %select_n3A_34 = arith.constant 0 : i32
      %select_n3A_35 = arith.select %eq3A_33, %select_n3A_34, %select_n3A_31 : i32
      %add3A_36 = arith.addi %select_n3A_35, %mul3A_6 : i32
      "tpu.trace_start"() <{level = 10 : i32, message = "ep_initialize_0"}> : () -> ()
      %rem3A = arith.constant 0 : i32
      %rem3A_37 = arith.constant 2 : i32
      %rem3A_38 = arith.remui %rem3A, %rem3A_37 : i32
      %mul3A_39 = arith.constant 128 : i32
      %mul3A_40 = arith.muli %mul3A_39, %add3A_11 : i32
      %dma_start3A = arith.constant 0 : i32
      %dma_start3A_41 = arith.constant 0 : i32
      %dma_start3A_42 = tpu.memref_slice %run_scoped3A[%rem3A_38, %dma_start3A, %dma_start3A_41] : memref<2x1x128xi32, #tpu.memory_space<vmem>> -> memref<1x1x128xi32, #tpu.memory_space<vmem>>
      %dma_start3A_43 = tpu.memref_squeeze %dma_start3A_42 : memref<1x1x128xi32, #tpu.memory_space<vmem>> -> memref<1x128xi32, #tpu.memory_space<vmem>>
      %dma_start3A_44 = arith.constant 0 : i32
      %dma_start3A_45 = tpu.memref_slice %arg3[%dma_start3A_44, %mul3A_40] : memref<1x262144xi32, #tpu.memory_space<hbm>> -> memref<1x128xi32, #tpu.memory_space<hbm>>
      %dma_start3A_46 = tpu.memref_slice %run_scoped3A_7[%rem3A_38] : memref<2x!tpu.dma_semaphore, #tpu.memory_space<semaphore_mem>> -> memref<1x!tpu.dma_semaphore, #tpu.memory_space<semaphore_mem>>
      %dma_start3A_47 = tpu.memref_squeeze %dma_start3A_46 : memref<1x!tpu.dma_semaphore, #tpu.memory_space<semaphore_mem>> -> memref<!tpu.dma_semaphore, #tpu.memory_space<semaphore_mem>>
      %dma_start3A_48 = arith.constant 0 : i32
      %dma_start3A_49 = arith.constant 0 : i32
      %dma_start3A_50 = tpu.memref_slice %run_scoped3A[%rem3A_38, %dma_start3A_48, %dma_start3A_49] : memref<2x1x128xi32, #tpu.memory_space<vmem>> -> memref<1x1x128xi32, #tpu.memory_space<vmem>>
      %dma_start3A_51 = tpu.memref_squeeze %dma_start3A_50 : memref<1x1x128xi32, #tpu.memory_space<vmem>> -> memref<1x128xi32, #tpu.memory_space<vmem>>
      %dma_start3A_52 = arith.constant 0 : i32
      %dma_start3A_53 = tpu.memref_slice %arg3[%dma_start3A_52, %mul3A_40] : memref<1x262144xi32, #tpu.memory_space<hbm>> -> memref<1x128xi32, #tpu.memory_space<hbm>>
      tpu.enqueue_dma source(%dma_start3A_53 : memref<1x128xi32, #tpu.memory_space<hbm>>) target(%dma_start3A_51 : memref<1x128xi32, #tpu.memory_space<vmem>>) target_semaphore(%dma_start3A_47 : memref<!tpu.dma_semaphore, #tpu.memory_space<semaphore_mem>>)
      %add3A_54 = arith.constant 0 : i32
      %add3A_55 = arith.constant 1 : i32
      %add3A_56 = arith.addi %add3A_54, %add3A_55 : i32
      %select_n3A_57 = arith.constant true
      %select_n3A_58 = arith.constant 0 : i32
      %select_n3A_59 = arith.select %select_n3A_57, %add3A_56, %select_n3A_58 : i32
      "tpu.trace_stop"() : () -> ()
      %scan3A = arith.constant 0 : i32
      %scan3A_60 = arith.constant 0 : i32
      %scan3A_61 = arith.constant 0 : i32
      %scan3A_62 = arith.constant 0 : i32
      %scan3A_63 = arith.constant 0 : i32
      %scan3A_64 = arith.constant 64 : i32
      %scan3A_65 = arith.addi %scan3A_63, %scan3A_64 : i32
      %scan3A_66 = arith.constant 1 : i32
      %scan3A_67:5 = scf.for %scan3A_121 = %scan3A_63 to %scan3A_65 step %scan3A_66 iter_args(%scan3A_122 = %select_n3A_59, %scan3A_123 = %scan3A, %scan3A_124 = %scan3A_60, %scan3A_125 = %scan3A_61, %scan3A_126 = %scan3A_62) -> (i32, i32, i32, i32, i32)  : i32 {
        %eq3A_127 = arith.constant 0 : i32
        %eq3A_128 = arith.cmpi eq, %scan3A_121, %eq3A_127 : i32
        %eq3A_129 = arith.constant 63 : i32
        %eq3A_130 = arith.cmpi eq, %scan3A_121, %eq3A_129 : i32
        %add3A_131 = arith.addi %scan3A_126, %mul3A_6 : i32
        %sub3A_132 = arith.constant 1 : i32
        %sub3A_133 = arith.subi %scan3A_126, %sub3A_132 : i32
        %select_n3A_134 = arith.constant true
        %select_n3A_135 = arith.select %select_n3A_134, %sub3A_133, %scan3A_126 : i32
        %eq3A_136 = arith.constant -1 : i32
        %eq3A_137 = arith.cmpi eq, %select_n3A_135, %eq3A_136 : i32
        %select_n3A_138 = arith.constant 63 : i32
        %select_n3A_139 = arith.select %eq3A_137, %select_n3A_138, %select_n3A_135 : i32
        %add3A_140 = arith.addi %select_n3A_139, %mul3A_6 : i32
        %add3A_141 = arith.constant 1 : i32
        %add3A_142 = arith.addi %scan3A_126, %add3A_141 : i32
        %select_n3A_143 = arith.constant true
        %select_n3A_144 = arith.select %select_n3A_143, %add3A_142, %scan3A_126 : i32
        %eq3A_145 = arith.constant 64 : i32
        %eq3A_146 = arith.cmpi eq, %select_n3A_144, %eq3A_145 : i32
        %select_n3A_147 = arith.constant 0 : i32
        %select_n3A_148 = arith.select %eq3A_146, %select_n3A_147, %select_n3A_144 : i32
        %add3A_149 = arith.addi %select_n3A_148, %mul3A_6 : i32
        %add3A_150 = arith.constant 1 : i32
        %add3A_151 = arith.addi %select_n3A_148, %add3A_150 : i32
        %select_n3A_152 = arith.constant true
        %select_n3A_153 = arith.select %select_n3A_152, %add3A_151, %select_n3A_148 : i32
        %eq3A_154 = arith.constant 64 : i32
        %eq3A_155 = arith.cmpi eq, %select_n3A_153, %eq3A_154 : i32
        %select_n3A_156 = arith.constant 0 : i32
        %select_n3A_157 = arith.select %eq3A_155, %select_n3A_156, %select_n3A_153 : i32
        %add3A_158 = arith.addi %select_n3A_157, %mul3A_6 : i32
        %ne3A = arith.cmpi ne, %add3A_131, %add3A_149 : i32
        %or3A = arith.constant false
        %or3A_159 = arith.ori %or3A, %ne3A : i1
        %ge3A = arith.constant 63 : i32
        %ge3A_160 = arith.cmpi sge, %scan3A_121, %ge3A : i32
        %not3A = arith.constant true
        %not3A_161 = arith.xori %ge3A_160, %not3A : i1
        %and3A = arith.andi %or3A_159, %not3A_161 : i1
        %convert_element_type3A = arith.extui %and3A : i1 to i32
        %cond3A = arith.constant 0 : i32
        %cond3A_162 = arith.cmpi ne, %convert_element_type3A, %cond3A : i32
        scf.if %cond3A_162 {
          "tpu.trace_start"() <{level = 10 : i32, message = "ep_copy_in"}> : () -> ()
          %rem3A_264 = arith.constant 2 : i32
          %rem3A_265 = arith.remui %scan3A_122, %rem3A_264 : i32
          %mul3A_266 = arith.constant 128 : i32
          %mul3A_267 = arith.muli %mul3A_266, %add3A_149 : i32
          %dma_start3A_268 = arith.constant 0 : i32
          %dma_start3A_269 = arith.constant 0 : i32
          %dma_start3A_270 = tpu.memref_slice %run_scoped3A[%rem3A_265, %dma_start3A_268, %dma_start3A_269] : memref<2x1x128xi32, #tpu.memory_space<vmem>> -> memref<1x1x128xi32, #tpu.memory_space<vmem>>
          %dma_start3A_271 = tpu.memref_squeeze %dma_start3A_270 : memref<1x1x128xi32, #tpu.memory_space<vmem>> -> memref<1x128xi32, #tpu.memory_space<vmem>>
          %dma_start3A_272 = arith.constant 0 : i32
          %dma_start3A_273 = tpu.memref_slice %arg3[%dma_start3A_272, %mul3A_267] : memref<1x262144xi32, #tpu.memory_space<hbm>> -> memref<1x128xi32, #tpu.memory_space<hbm>>
          %dma_start3A_274 = tpu.memref_slice %run_scoped3A_7[%rem3A_265] : memref<2x!tpu.dma_semaphore, #tpu.memory_space<semaphore_mem>> -> memref<1x!tpu.dma_semaphore, #tpu.memory_space<semaphore_mem>>
          %dma_start3A_275 = tpu.memref_squeeze %dma_start3A_274 : memref<1x!tpu.dma_semaphore, #tpu.memory_space<semaphore_mem>> -> memref<!tpu.dma_semaphore, #tpu.memory_space<semaphore_mem>>
          %dma_start3A_276 = arith.constant 0 : i32
          %dma_start3A_277 = arith.constant 0 : i32
          %dma_start3A_278 = tpu.memref_slice %run_scoped3A[%rem3A_265, %dma_start3A_276, %dma_start3A_277] : memref<2x1x128xi32, #tpu.memory_space<vmem>> -> memref<1x1x128xi32, #tpu.memory_space<vmem>>
          %dma_start3A_279 = tpu.memref_squeeze %dma_start3A_278 : memref<1x1x128xi32, #tpu.memory_space<vmem>> -> memref<1x128xi32, #tpu.memory_space<vmem>>
          %dma_start3A_280 = arith.constant 0 : i32
          %dma_start3A_281 = tpu.memref_slice %arg3[%dma_start3A_280, %mul3A_267] : memref<1x262144xi32, #tpu.memory_space<hbm>> -> memref<1x128xi32, #tpu.memory_space<hbm>>
          tpu.enqueue_dma source(%dma_start3A_281 : memref<1x128xi32, #tpu.memory_space<hbm>>) target(%dma_start3A_279 : memref<1x128xi32, #tpu.memory_space<vmem>>) target_semaphore(%dma_start3A_275 : memref<!tpu.dma_semaphore, #tpu.memory_space<semaphore_mem>>)
          "tpu.trace_stop"() : () -> ()
        } else {
        }
        %and3A_163 = arith.constant true
        %and3A_164 = arith.andi %and3A, %and3A_163 : i1
        %add3A_165 = arith.constant 1 : i32
        %add3A_166 = arith.addi %scan3A_122, %add3A_165 : i32
        %select_n3A_167 = arith.select %and3A_164, %add3A_166, %scan3A_122 : i32
        %ne3A_168 = arith.cmpi ne, %add3A_131, %add3A_149 : i32
        %or3A_169 = arith.constant false
        %or3A_170 = arith.ori %or3A_169, %ne3A_168 : i1
        %or3A_171 = arith.constant false
        %or3A_172 = arith.ori %or3A_170, %or3A_171 : i1
        %ge3A_173 = arith.constant 63 : i32
        %ge3A_174 = arith.cmpi sge, %scan3A_121, %ge3A_173 : i32
        %not3A_175 = arith.constant true
        %not3A_176 = arith.xori %ge3A_174, %not3A_175 : i1
        %and3A_177 = arith.andi %or3A_172, %not3A_176 : i1
        %ne3A_178 = arith.cmpi ne, %add3A_131, %add3A_140 : i32
        %or3A_179 = arith.constant false
        %or3A_180 = arith.ori %or3A_179, %ne3A_178 : i1
        %or3A_181 = arith.ori %or3A_180, %eq3A_128 : i1
        %convert_element_type3A_182 = arith.extui %or3A_181 : i1 to i32
        %cond3A_183 = arith.constant 0 : i32
        %cond3A_184 = arith.cmpi ne, %convert_element_type3A_182, %cond3A_183 : i32
        scf.if %cond3A_184 {
          "tpu.trace_start"() <{level = 10 : i32, message = "ep_wait_in"}> : () -> ()
          %mul3A_264 = arith.constant 128 : i32
          %mul3A_265 = arith.muli %mul3A_264, %add3A_131 : i32
          %rem3A_266 = arith.constant 2 : i32
          %rem3A_267 = arith.remui %scan3A_123, %rem3A_266 : i32
          %dma_wait3A_268 = arith.constant 0 : i32
          %dma_wait3A_269 = arith.constant 0 : i32
          %dma_wait3A_270 = tpu.memref_slice %run_scoped3A[%rem3A_267, %dma_wait3A_268, %dma_wait3A_269] : memref<2x1x128xi32, #tpu.memory_space<vmem>> -> memref<1x1x128xi32, #tpu.memory_space<vmem>>
          %dma_wait3A_271 = tpu.memref_squeeze %dma_wait3A_270 : memref<1x1x128xi32, #tpu.memory_space<vmem>> -> memref<1x128xi32, #tpu.memory_space<vmem>>
          %dma_wait3A_272 = arith.constant 0 : i32
          %dma_wait3A_273 = tpu.memref_slice %arg3[%dma_wait3A_272, %mul3A_265] : memref<1x262144xi32, #tpu.memory_space<hbm>> -> memref<1x128xi32, #tpu.memory_space<hbm>>
          %dma_wait3A_274 = tpu.memref_slice %run_scoped3A_7[%rem3A_267] : memref<2x!tpu.dma_semaphore, #tpu.memory_space<semaphore_mem>> -> memref<1x!tpu.dma_semaphore, #tpu.memory_space<semaphore_mem>>
          %dma_wait3A_275 = tpu.memref_squeeze %dma_wait3A_274 : memref<1x!tpu.dma_semaphore, #tpu.memory_space<semaphore_mem>> -> memref<!tpu.dma_semaphore, #tpu.memory_space<semaphore_mem>>
          %dma_wait3A_276 = arith.constant 0 : i32
          %dma_wait3A_277 = arith.constant 0 : i32
          %dma_wait3A_278 = tpu.memref_slice %run_scoped3A[%rem3A_267, %dma_wait3A_276, %dma_wait3A_277] : memref<2x1x128xi32, #tpu.memory_space<vmem>> -> memref<1x1x128xi32, #tpu.memory_space<vmem>>
          %dma_wait3A_279 = tpu.memref_squeeze %dma_wait3A_278 : memref<1x1x128xi32, #tpu.memory_space<vmem>> -> memref<1x128xi32, #tpu.memory_space<vmem>>
          %dma_wait3A_280 = arith.constant 0 : i32
          %dma_wait3A_281 = tpu.memref_slice %arg3[%dma_wait3A_280, %mul3A_265] : memref<1x262144xi32, #tpu.memory_space<hbm>> -> memref<1x128xi32, #tpu.memory_space<hbm>>
          tpu.wait_dma2 semaphore(%dma_wait3A_275 : memref<!tpu.dma_semaphore, #tpu.memory_space<semaphore_mem>>) src(%dma_wait3A_281 : memref<1x128xi32, #tpu.memory_space<hbm>>) dst(%dma_wait3A_279 : memref<1x128xi32, #tpu.memory_space<vmem>>)
          "tpu.trace_stop"() : () -> ()
        } else {
        }
        %ne3A_185 = arith.cmpi ne, %add3A_131, %add3A_140 : i32
        %or3A_186 = arith.constant false
        %or3A_187 = arith.ori %or3A_186, %ne3A_185 : i1
        %or3A_188 = arith.constant false
        %or3A_189 = arith.ori %or3A_187, %or3A_188 : i1
        %or3A_190 = arith.ori %or3A_189, %eq3A_128 : i1
        %convert_element_type3A_191 = arith.extui %or3A_190 : i1 to i32
        %cond3A_192 = arith.constant 0 : i32
        %cond3A_193 = arith.cmpi ne, %convert_element_type3A_191, %cond3A_192 : i32
        scf.if %cond3A_193 {
        } else {
        }
        %rem3A_194 = arith.constant 2 : i32
        %rem3A_195 = arith.remui %scan3A_123, %rem3A_194 : i32
        %rem3A_196 = arith.constant 2 : i32
        %rem3A_197 = arith.remui %scan3A_124, %rem3A_196 : i32
        %run_scoped3A_198 = arith.constant 0 : i32
        "tpu.trace_start"() <{level = 10 : i32, message = "ep_run_kernel"}> : () -> ()
        "tpu.region"() ({
          %run_scoped3A_264 = tpu.sem_alloc : memref<!tpu.dma_semaphore, #tpu.memory_space<semaphore_mem>>
          %dma_start3A_265 = arith.constant 0 : i32
          %dma_start3A_266 = arith.constant 0 : i32
          %dma_start3A_267 = tpu.memref_slice %run_scoped3A_8[%rem3A_197, %dma_start3A_265, %dma_start3A_266] : memref<2x128x128xf32, #tpu.memory_space<vmem>> -> memref<1x128x128xf32, #tpu.memory_space<vmem>>
          %dma_start3A_268 = tpu.memref_squeeze %dma_start3A_267 : memref<1x128x128xf32, #tpu.memory_space<vmem>> -> memref<128x128xf32, #tpu.memory_space<vmem>>
          %dma_start3A_269 = arith.constant 0 : i32
          %dma_start3A_270 = arith.constant 0 : i32
          %dma_start3A_271 = tpu.memref_slice %run_scoped3A[%rem3A_195, %dma_start3A_269, %dma_start3A_270] : memref<2x1x128xi32, #tpu.memory_space<vmem>> -> memref<1x1x128xi32, #tpu.memory_space<vmem>>
          %dma_start3A_272 = tpu.memref_squeeze %dma_start3A_271 : memref<1x1x128xi32, #tpu.memory_space<vmem>> -> memref<1x128xi32, #tpu.memory_space<vmem>>
          %dma_start3A_273 = arith.constant 0 : i32
          %dma_start3A_274 = tpu.memref_slice %dma_start3A_272[%run_scoped3A_198, %dma_start3A_273] : memref<1x128xi32, #tpu.memory_space<vmem>> -> memref<1x128xi32, #tpu.memory_space<vmem>>
          %dma_start3A_275 = tpu.memref_squeeze %dma_start3A_274 : memref<1x128xi32, #tpu.memory_space<vmem>> -> memref<128xi32, #tpu.memory_space<vmem>>
          %dma_start3A_276 = arith.constant 0 : i32
          %dma_start3A_277 = arith.constant 0 : i32
          %dma_start3A_278 = tpu.memref_slice %arg2[%dma_start3A_276, %dma_start3A_277] : memref<8192x128xf32, #tpu.memory_space<hbm>> -> memref<8192x128xf32, #tpu.memory_space<hbm>>
          tpu.enqueue_indirect_dma source(%dma_start3A_278 : memref<8192x128xf32, #tpu.memory_space<hbm>>) target(%dma_start3A_268 : memref<128x128xf32, #tpu.memory_space<vmem>>) offsets(%dma_start3A_275 : memref<128xi32, #tpu.memory_space<vmem>>) semaphore(%run_scoped3A_264 : memref<!tpu.dma_semaphore, #tpu.memory_space<semaphore_mem>>)
          %dma_wait3A_279 = arith.constant 0 : i32
          %dma_wait3A_280 = arith.constant 0 : i32
          %dma_wait3A_281 = tpu.memref_slice %run_scoped3A_8[%rem3A_197, %dma_wait3A_279, %dma_wait3A_280] : memref<2x128x128xf32, #tpu.memory_space<vmem>> -> memref<1x128x128xf32, #tpu.memory_space<vmem>>
          %dma_wait3A_282 = tpu.memref_squeeze %dma_wait3A_281 : memref<1x128x128xf32, #tpu.memory_space<vmem>> -> memref<128x128xf32, #tpu.memory_space<vmem>>
          %dma_wait3A_283 = arith.constant 0 : i32
          %dma_wait3A_284 = arith.constant 0 : i32
          %dma_wait3A_285 = tpu.memref_slice %run_scoped3A[%rem3A_195, %dma_wait3A_283, %dma_wait3A_284] : memref<2x1x128xi32, #tpu.memory_space<vmem>> -> memref<1x1x128xi32, #tpu.memory_space<vmem>>
          %dma_wait3A_286 = tpu.memref_squeeze %dma_wait3A_285 : memref<1x1x128xi32, #tpu.memory_space<vmem>> -> memref<1x128xi32, #tpu.memory_space<vmem>>
          %dma_wait3A_287 = arith.constant 0 : i32
          %dma_wait3A_288 = tpu.memref_slice %dma_wait3A_286[%run_scoped3A_198, %dma_wait3A_287] : memref<1x128xi32, #tpu.memory_space<vmem>> -> memref<1x128xi32, #tpu.memory_space<vmem>>
          %dma_wait3A_289 = tpu.memref_squeeze %dma_wait3A_288 : memref<1x128xi32, #tpu.memory_space<vmem>> -> memref<128xi32, #tpu.memory_space<vmem>>
          %dma_wait3A_290 = arith.constant 0 : i32
          %dma_wait3A_291 = arith.constant 0 : i32
          %dma_wait3A_292 = tpu.memref_slice %arg2[%dma_wait3A_290, %dma_wait3A_291] : memref<8192x128xf32, #tpu.memory_space<hbm>> -> memref<8192x128xf32, #tpu.memory_space<hbm>>
          tpu.wait_indirect_dma semaphore(%run_scoped3A_264 : memref<!tpu.dma_semaphore, #tpu.memory_space<semaphore_mem>>) src(%dma_wait3A_292 : memref<8192x128xf32, #tpu.memory_space<hbm>>) dst(%dma_wait3A_282 : memref<128x128xf32, #tpu.memory_space<vmem>>)
          tpu.yield
        }) : () -> ()
        "tpu.trace_stop"() : () -> ()
        %ne3A_199 = arith.cmpi ne, %add3A_131, %add3A_149 : i32
        %or3A_200 = arith.constant false
        %or3A_201 = arith.ori %or3A_200, %ne3A_199 : i1
        %or3A_202 = arith.ori %or3A_201, %eq3A_130 : i1
        %convert_element_type3A_203 = arith.extui %or3A_202 : i1 to i32
        %cond3A_204 = arith.constant 0 : i32
        %cond3A_205 = arith.cmpi ne, %convert_element_type3A_203, %cond3A_204 : i32
        scf.if %cond3A_205 {
        } else {
        }
        %and3A_206 = arith.constant false
        %and3A_207 = arith.andi %or3A_202, %and3A_206 : i1
        %ne3A_208 = arith.cmpi ne, %add3A_131, %add3A_149 : i32
        %or3A_209 = arith.constant false
        %or3A_210 = arith.ori %or3A_209, %ne3A_208 : i1
        %or3A_211 = arith.constant false
        %or3A_212 = arith.ori %or3A_210, %or3A_211 : i1
        %or3A_213 = arith.ori %or3A_212, %eq3A_130 : i1
        %convert_element_type3A_214 = arith.extui %or3A_213 : i1 to i32
        %cond3A_215 = arith.constant 0 : i32
        %cond3A_216 = arith.cmpi ne, %convert_element_type3A_214, %cond3A_215 : i32
        scf.if %cond3A_216 {
          "tpu.trace_start"() <{level = 10 : i32, message = "ep_copy_out"}> : () -> ()
          %rem3A_264 = arith.constant 2 : i32
          %rem3A_265 = arith.remui %scan3A_124, %rem3A_264 : i32
          %mul3A_266 = arith.constant 128 : i32
          %mul3A_267 = arith.muli %mul3A_266, %add3A_131 : i32
          %dma_start3A_268 = arith.constant 0 : i32
          %dma_start3A_269 = arith.constant 0 : i32
          %dma_start3A_270 = tpu.memref_slice %run_scoped3A_8[%rem3A_265, %dma_start3A_268, %dma_start3A_269] : memref<2x128x128xf32, #tpu.memory_space<vmem>> -> memref<1x128x128xf32, #tpu.memory_space<vmem>>
          %dma_start3A_271 = tpu.memref_squeeze %dma_start3A_270 : memref<1x128x128xf32, #tpu.memory_space<vmem>> -> memref<128x128xf32, #tpu.memory_space<vmem>>
          %dma_start3A_272 = arith.constant 0 : i32
          %dma_start3A_273 = tpu.memref_slice %arg4[%mul3A_267, %dma_start3A_272] : memref<262144x128xf32, #tpu.memory_space<hbm>> -> memref<128x128xf32, #tpu.memory_space<hbm>>
          %dma_start3A_274 = tpu.memref_slice %run_scoped3A_9[%rem3A_265] : memref<2x!tpu.dma_semaphore, #tpu.memory_space<semaphore_mem>> -> memref<1x!tpu.dma_semaphore, #tpu.memory_space<semaphore_mem>>
          %dma_start3A_275 = tpu.memref_squeeze %dma_start3A_274 : memref<1x!tpu.dma_semaphore, #tpu.memory_space<semaphore_mem>> -> memref<!tpu.dma_semaphore, #tpu.memory_space<semaphore_mem>>
          %dma_start3A_276 = arith.constant 0 : i32
          %dma_start3A_277 = tpu.memref_slice %arg4[%mul3A_267, %dma_start3A_276] : memref<262144x128xf32, #tpu.memory_space<hbm>> -> memref<128x128xf32, #tpu.memory_space<hbm>>
          %dma_start3A_278 = arith.constant 0 : i32
          %dma_start3A_279 = arith.constant 0 : i32
          %dma_start3A_280 = tpu.memref_slice %run_scoped3A_8[%rem3A_265, %dma_start3A_278, %dma_start3A_279] : memref<2x128x128xf32, #tpu.memory_space<vmem>> -> memref<1x128x128xf32, #tpu.memory_space<vmem>>
          %dma_start3A_281 = tpu.memref_squeeze %dma_start3A_280 : memref<1x128x128xf32, #tpu.memory_space<vmem>> -> memref<128x128xf32, #tpu.memory_space<vmem>>
          tpu.enqueue_dma source(%dma_start3A_281 : memref<128x128xf32, #tpu.memory_space<vmem>>) target(%dma_start3A_277 : memref<128x128xf32, #tpu.memory_space<hbm>>) target_semaphore(%dma_start3A_275 : memref<!tpu.dma_semaphore, #tpu.memory_space<semaphore_mem>>)
          "tpu.trace_stop"() : () -> ()
        } else {
        }
        %and3A_217 = arith.constant true
        %and3A_218 = arith.andi %or3A_213, %and3A_217 : i1
        %add3A_219 = arith.constant 1 : i32
        %add3A_220 = arith.addi %scan3A_124, %add3A_219 : i32
        %select_n3A_221 = arith.select %and3A_218, %add3A_220, %scan3A_124 : i32
        %ne3A_222 = arith.cmpi ne, %add3A_131, %add3A_140 : i32
        %or3A_223 = arith.constant false
        %or3A_224 = arith.ori %or3A_223, %ne3A_222 : i1
        %not3A_225 = arith.constant true
        %not3A_226 = arith.xori %eq3A_128, %not3A_225 : i1
        %and3A_227 = arith.andi %or3A_224, %not3A_226 : i1
        %convert_element_type3A_228 = arith.extui %and3A_227 : i1 to i32
        %cond3A_229 = arith.constant 0 : i32
        %cond3A_230 = arith.cmpi ne, %convert_element_type3A_228, %cond3A_229 : i32
        scf.if %cond3A_230 {
        } else {
        }
        %and3A_231 = arith.constant false
        %and3A_232 = arith.andi %and3A_227, %and3A_231 : i1
        %ne3A_233 = arith.cmpi ne, %add3A_131, %add3A_140 : i32
        %or3A_234 = arith.constant false
        %or3A_235 = arith.ori %or3A_234, %ne3A_233 : i1
        %or3A_236 = arith.constant false
        %or3A_237 = arith.ori %or3A_235, %or3A_236 : i1
        %not3A_238 = arith.constant true
        %not3A_239 = arith.xori %eq3A_128, %not3A_238 : i1
        %and3A_240 = arith.andi %or3A_237, %not3A_239 : i1
        %convert_element_type3A_241 = arith.extui %and3A_240 : i1 to i32
        %cond3A_242 = arith.constant 0 : i32
        %cond3A_243 = arith.cmpi ne, %convert_element_type3A_241, %cond3A_242 : i32
        scf.if %cond3A_243 {
          "tpu.trace_start"() <{level = 10 : i32, message = "ep_wait_out"}> : () -> ()
          %rem3A_264 = arith.constant 2 : i32
          %rem3A_265 = arith.remui %scan3A_125, %rem3A_264 : i32
          %mul3A_266 = arith.constant 128 : i32
          %mul3A_267 = arith.muli %mul3A_266, %add3A_140 : i32
          %dma_wait3A_268 = arith.constant 0 : i32
          %dma_wait3A_269 = arith.constant 0 : i32
          %dma_wait3A_270 = tpu.memref_slice %run_scoped3A_8[%rem3A_265, %dma_wait3A_268, %dma_wait3A_269] : memref<2x128x128xf32, #tpu.memory_space<vmem>> -> memref<1x128x128xf32, #tpu.memory_space<vmem>>
          %dma_wait3A_271 = tpu.memref_squeeze %dma_wait3A_270 : memref<1x128x128xf32, #tpu.memory_space<vmem>> -> memref<128x128xf32, #tpu.memory_space<vmem>>
          %dma_wait3A_272 = arith.constant 0 : i32
          %dma_wait3A_273 = tpu.memref_slice %arg4[%mul3A_267, %dma_wait3A_272] : memref<262144x128xf32, #tpu.memory_space<hbm>> -> memref<128x128xf32, #tpu.memory_space<hbm>>
          %dma_wait3A_274 = tpu.memref_slice %run_scoped3A_9[%rem3A_265] : memref<2x!tpu.dma_semaphore, #tpu.memory_space<semaphore_mem>> -> memref<1x!tpu.dma_semaphore, #tpu.memory_space<semaphore_mem>>
          %dma_wait3A_275 = tpu.memref_squeeze %dma_wait3A_274 : memref<1x!tpu.dma_semaphore, #tpu.memory_space<semaphore_mem>> -> memref<!tpu.dma_semaphore, #tpu.memory_space<semaphore_mem>>
          %dma_wait3A_276 = arith.constant 0 : i32
          %dma_wait3A_277 = tpu.memref_slice %arg4[%mul3A_267, %dma_wait3A_276] : memref<262144x128xf32, #tpu.memory_space<hbm>> -> memref<128x128xf32, #tpu.memory_space<hbm>>
          %dma_wait3A_278 = arith.constant 0 : i32
          %dma_wait3A_279 = arith.constant 0 : i32
          %dma_wait3A_280 = tpu.memref_slice %run_scoped3A_8[%rem3A_265, %dma_wait3A_278, %dma_wait3A_279] : memref<2x128x128xf32, #tpu.memory_space<vmem>> -> memref<1x128x128xf32, #tpu.memory_space<vmem>>
          %dma_wait3A_281 = tpu.memref_squeeze %dma_wait3A_280 : memref<1x128x128xf32, #tpu.memory_space<vmem>> -> memref<128x128xf32, #tpu.memory_space<vmem>>
          tpu.wait_dma2 semaphore(%dma_wait3A_275 : memref<!tpu.dma_semaphore, #tpu.memory_space<semaphore_mem>>) src(%dma_wait3A_281 : memref<128x128xf32, #tpu.memory_space<vmem>>) dst(%dma_wait3A_277 : memref<128x128xf32, #tpu.memory_space<hbm>>)
          "tpu.trace_stop"() : () -> ()
        } else {
        }
        %and3A_244 = arith.constant true
        %and3A_245 = arith.andi %and3A_240, %and3A_244 : i1
        %add3A_246 = arith.constant 1 : i32
        %add3A_247 = arith.addi %scan3A_125, %add3A_246 : i32
        %select_n3A_248 = arith.select %and3A_245, %add3A_247, %scan3A_125 : i32
        %ne3A_249 = arith.cmpi ne, %add3A_131, %add3A_149 : i32
        %or3A_250 = arith.constant false
        %or3A_251 = arith.ori %or3A_250, %ne3A_249 : i1
        %or3A_252 = arith.ori %or3A_251, %eq3A_130 : i1
        %add3A_253 = arith.constant 1 : i32
        %add3A_254 = arith.addi %scan3A_123, %add3A_253 : i32
        %select_n3A_255 = arith.select %or3A_252, %add3A_254, %scan3A_123 : i32
        %add3A_256 = arith.constant 1 : i32
        %add3A_257 = arith.addi %scan3A_126, %add3A_256 : i32
        %select_n3A_258 = arith.constant true
        %select_n3A_259 = arith.select %select_n3A_258, %add3A_257, %scan3A_126 : i32
        %eq3A_260 = arith.constant 64 : i32
        %eq3A_261 = arith.cmpi eq, %select_n3A_259, %eq3A_260 : i32
        %select_n3A_262 = arith.constant 0 : i32
        %select_n3A_263 = arith.select %eq3A_261, %select_n3A_262, %select_n3A_259 : i32
        scf.yield %select_n3A_167, %select_n3A_255, %select_n3A_221, %select_n3A_248, %select_n3A_263 : i32, i32, i32, i32, i32
      }
      %scan3A_68 = arith.constant 64 : i32
      %sub3A = arith.constant 1 : i32
      %sub3A_69 = arith.subi %scan3A_67#4, %sub3A : i32
      %select_n3A_70 = arith.constant true
      %select_n3A_71 = arith.select %select_n3A_70, %sub3A_69, %scan3A_67#4 : i32
      %eq3A_72 = arith.constant -1 : i32
      %eq3A_73 = arith.cmpi eq, %select_n3A_71, %eq3A_72 : i32
      %select_n3A_74 = arith.constant 63 : i32
      %select_n3A_75 = arith.select %eq3A_73, %select_n3A_74, %select_n3A_71 : i32
      %add3A_76 = arith.addi %select_n3A_75, %mul3A_6 : i32
      %sub3A_77 = arith.constant 1 : i32
      %sub3A_78 = arith.subi %select_n3A_75, %sub3A_77 : i32
      %select_n3A_79 = arith.constant true
      %select_n3A_80 = arith.select %select_n3A_79, %sub3A_78, %select_n3A_75 : i32
      %eq3A_81 = arith.constant -1 : i32
      %eq3A_82 = arith.cmpi eq, %select_n3A_80, %eq3A_81 : i32
      %select_n3A_83 = arith.constant 63 : i32
      %select_n3A_84 = arith.select %eq3A_82, %select_n3A_83, %select_n3A_80 : i32
      %add3A_85 = arith.addi %select_n3A_84, %mul3A_6 : i32
      %add3A_86 = arith.constant 1 : i32
      %add3A_87 = arith.addi %select_n3A_75, %add3A_86 : i32
      %select_n3A_88 = arith.constant true
      %select_n3A_89 = arith.select %select_n3A_88, %add3A_87, %select_n3A_75 : i32
      %eq3A_90 = arith.constant 64 : i32
      %eq3A_91 = arith.cmpi eq, %select_n3A_89, %eq3A_90 : i32
      %select_n3A_92 = arith.constant 0 : i32
      %select_n3A_93 = arith.select %eq3A_91, %select_n3A_92, %select_n3A_89 : i32
      %add3A_94 = arith.addi %select_n3A_93, %mul3A_6 : i32
      %add3A_95 = arith.constant 1 : i32
      %add3A_96 = arith.addi %select_n3A_93, %add3A_95 : i32
      %select_n3A_97 = arith.constant true
      %select_n3A_98 = arith.select %select_n3A_97, %add3A_96, %select_n3A_93 : i32
      %eq3A_99 = arith.constant 64 : i32
      %eq3A_100 = arith.cmpi eq, %select_n3A_98, %eq3A_99 : i32
      %select_n3A_101 = arith.constant 0 : i32
      %select_n3A_102 = arith.select %eq3A_100, %select_n3A_101, %select_n3A_98 : i32
      %add3A_103 = arith.addi %select_n3A_102, %mul3A_6 : i32
      "tpu.trace_start"() <{level = 10 : i32, message = "ep_finalize"}> : () -> ()
      %rem3A_104 = arith.constant 2 : i32
      %rem3A_105 = arith.remui %scan3A_67#3, %rem3A_104 : i32
      %mul3A_106 = arith.constant 128 : i32
      %mul3A_107 = arith.muli %mul3A_106, %add3A_76 : i32
      %dma_wait3A = arith.constant 0 : i32
      %dma_wait3A_108 = arith.constant 0 : i32
      %dma_wait3A_109 = tpu.memref_slice %run_scoped3A_8[%rem3A_105, %dma_wait3A, %dma_wait3A_108] : memref<2x128x128xf32, #tpu.memory_space<vmem>> -> memref<1x128x128xf32, #tpu.memory_space<vmem>>
      %dma_wait3A_110 = tpu.memref_squeeze %dma_wait3A_109 : memref<1x128x128xf32, #tpu.memory_space<vmem>> -> memref<128x128xf32, #tpu.memory_space<vmem>>
      %dma_wait3A_111 = arith.constant 0 : i32
      %dma_wait3A_112 = tpu.memref_slice %arg4[%mul3A_107, %dma_wait3A_111] : memref<262144x128xf32, #tpu.memory_space<hbm>> -> memref<128x128xf32, #tpu.memory_space<hbm>>
      %dma_wait3A_113 = tpu.memref_slice %run_scoped3A_9[%rem3A_105] : memref<2x!tpu.dma_semaphore, #tpu.memory_space<semaphore_mem>> -> memref<1x!tpu.dma_semaphore, #tpu.memory_space<semaphore_mem>>
      %dma_wait3A_114 = tpu.memref_squeeze %dma_wait3A_113 : memref<1x!tpu.dma_semaphore, #tpu.memory_space<semaphore_mem>> -> memref<!tpu.dma_semaphore, #tpu.memory_space<semaphore_mem>>
      %dma_wait3A_115 = arith.constant 0 : i32
      %dma_wait3A_116 = tpu.memref_slice %arg4[%mul3A_107, %dma_wait3A_115] : memref<262144x128xf32, #tpu.memory_space<hbm>> -> memref<128x128xf32, #tpu.memory_space<hbm>>
      %dma_wait3A_117 = arith.constant 0 : i32
      %dma_wait3A_118 = arith.constant 0 : i32
      %dma_wait3A_119 = tpu.memref_slice %run_scoped3A_8[%rem3A_105, %dma_wait3A_117, %dma_wait3A_118] : memref<2x128x128xf32, #tpu.memory_space<vmem>> -> memref<1x128x128xf32, #tpu.memory_space<vmem>>
      %dma_wait3A_120 = tpu.memref_squeeze %dma_wait3A_119 : memref<1x128x128xf32, #tpu.memory_space<vmem>> -> memref<128x128xf32, #tpu.memory_space<vmem>>
      tpu.wait_dma2 semaphore(%dma_wait3A_114 : memref<!tpu.dma_semaphore, #tpu.memory_space<semaphore_mem>>) src(%dma_wait3A_120 : memref<128x128xf32, #tpu.memory_space<vmem>>) dst(%dma_wait3A_116 : memref<128x128xf32, #tpu.memory_space<hbm>>)
      "tpu.trace_stop"() : () -> ()
      tpu.yield
    }) : () -> ()
    return
  }
}

#map = affine_map<(d0, d1) -> (0, 0)>
module attributes {stable_mosaic.version = 14 : i64} {
  func.func @k(%arg0: i32, %arg1: i32, %arg2: memref<8192x128xf32, #tpu.memory_space<hbm>>, %arg3: memref<1x262144xi32, #tpu.memory_space<hbm>>, %arg4: memref<262144x128xf32, #tpu.memory_space<hbm>>) attributes {dimension_semantics = [#tpu.dimension_semantics<core_parallel>, #tpu.dimension_semantics<subcore_parallel>], iteration_bounds = array<i64: 2, 16>, scalar_prefetch = 0 : i64, scratch_operands = 0 : i64, tpu.core_type = #tpu.core_type<sc_vector_subcore>, window_params = [{transform_indices = #map}, {transform_indices = #map}, {transform_indices = #map}]} {
    %mul3A = arith.constant 1 : i32
    %mul3A_0 = arith.muli %arg1, %mul3A : i32
    %add3A = arith.constant 0 : i32
    %add3A_1 = arith.addi %add3A, %mul3A_0 : i32
    %mul3A_2 = arith.constant 16 : i32
    %mul3A_3 = arith.muli %arg0, %mul3A_2 : i32
    %add3A_4 = arith.addi %add3A_1, %mul3A_3 : i32
    %mul3A_5 = arith.constant 64 : i32
    %mul3A_6 = arith.muli %add3A_4, %mul3A_5 : i32
    "tpu.region"() ({
      %run_scoped3A = memref.alloca() : memref<2x1x128xi32, #tpu.memory_space<vmem>>
      %run_scoped3A_7 = tpu.sem_alloc : memref<2x!tpu.dma_semaphore, #tpu.memory_space<semaphore_mem>>
      %run_scoped3A_8 = memref.alloca() : memref<2x128x128xf32, #tpu.memory_space<vmem>>
      %run_scoped3A_9 = tpu.sem_alloc : memref<2x!tpu.dma_semaphore, #tpu.memory_space<semaphore_mem>>
      %add3A_10 = arith.constant 0 : i32
      %add3A_11 = arith.addi %add3A_10, %mul3A_6 : i32
      %select_n3A = arith.constant true
      %select_n3A_12 = arith.constant 0 : i32
      %select_n3A_13 = arith.constant -1 : i32
      %select_n3A_14 = arith.select %select_n3A, %select_n3A_13, %select_n3A_12 : i32
      %eq3A = arith.constant -1 : i32
      %eq3A_15 = arith.cmpi eq, %select_n3A_14, %eq3A : i32
      %select_n3A_16 = arith.constant 63 : i32
      %select_n3A_17 = arith.select %eq3A_15, %select_n3A_16, %select_n3A_14 : i32
      %add3A_18 = arith.addi %select_n3A_17, %mul3A_6 : i32
      %select_n3A_19 = arith.constant true
      %select_n3A_20 = arith.constant 0 : i32
      %select_n3A_21 = arith.constant 1 : i32
      %select_n3A_22 = arith.select %select_n3A_19, %select_n3A_21, %select_n3A_20 : i32
      %eq3A_23 = arith.constant 64 : i32
      %eq3A_24 = arith.cmpi eq, %select_n3A_22, %eq3A_23 : i32
      %select_n3A_25 = arith.constant 0 : i32
      %select_n3A_26 = arith.select %eq3A_24, %select_n3A_25, %select_n3A_22 : i32
      %add3A_27 = arith.addi %select_n3A_26, %mul3A_6 : i32
      %add3A_28 = arith.constant 1 : i32
      %add3A_29 = arith.addi %select_n3A_26, %add3A_28 : i32
      %select_n3A_30 = arith.constant true
      %select_n3A_31 = arith.select %select_n3A_30, %add3A_29, %select_n3A_26 : i32
      %eq3A_32 = arith.constant 64 : i32
      %eq3A_33 = arith.cmpi eq, %select_n3A_31, %eq3A_32 : i32
      %select_n3A_34 = arith.constant 0 : i32
      %select_n3A_35 = arith.select %eq3A_33, %select_n3A_34, %select_n3A_31 : i32
      %add3A_36 = arith.addi %select_n3A_35, %mul3A_6 : i32
      "tpu.trace_start"() <{level = 10 : i32, message = "ep_initialize_0"}> : () -> ()
      %rem3A = arith.constant 0 : i32
      %rem3A_37 = arith.constant 2 : i32
      %rem3A_38 = arith.remui %rem3A, %rem3A_37 : i32
      %mul3A_39 = arith.constant 128 : i32
      %mul3A_40 = arith.muli %mul3A_39, %add3A_11 : i32
      %dma_start3A = arith.constant 0 : i32
      %dma_start3A_41 = arith.constant 0 : i32
      %dma_start3A_42 = tpu.memref_slice %run_scoped3A[%rem3A_38, %dma_start3A, %dma_start3A_41] : memref<2x1x128xi32, #tpu.memory_space<vmem>> -> memref<1x1x128xi32, #tpu.memory_space<vmem>>
      %dma_start3A_43 = tpu.memref_squeeze %dma_start3A_42 : memref<1x1x128xi32, #tpu.memory_space<vmem>> -> memref<1x128xi32, #tpu.memory_space<vmem>>
      %dma_start3A_44 = arith.constant 0 : i32
      %dma_start3A_45 = tpu.memref_slice %arg3[%dma_start3A_44, %mul3A_40] : memref<1x262144xi32, #tpu.memory_space<hbm>> -> memref<1x128xi32, #tpu.memory_space<hbm>>
      %dma_start3A_46 = tpu.memref_slice %run_scoped3A_7[%rem3A_38] : memref<2x!tpu.dma_semaphore, #tpu.memory_space<semaphore_mem>> -> memref<1x!tpu.dma_semaphore, #tpu.memory_space<semaphore_mem>>
      %dma_start3A_47 = tpu.memref_squeeze %dma_start3A_46 : memref<1x!tpu.dma_semaphore, #tpu.memory_space<semaphore_mem>> -> memref<!tpu.dma_semaphore, #tpu.memory_space<semaphore_mem>>
      %dma_start3A_48 = arith.constant 0 : i32
      %dma_start3A_49 = arith.constant 0 : i32
      %dma_start3A_50 = tpu.memref_slice %run_scoped3A[%rem3A_38, %dma_start3A_48, %dma_start3A_49] : memref<2x1x128xi32, #tpu.memory_space<vmem>> -> memref<1x1x128xi32, #tpu.memory_space<vmem>>
      %dma_start3A_51 = tpu.memref_squeeze %dma_start3A_50 : memref<1x1x128xi32, #tpu.memory_space<vmem>> -> memref<1x128xi32, #tpu.memory_space<vmem>>
      %dma_start3A_52 = arith.constant 0 : i32
      %dma_start3A_53 = tpu.memref_slice %arg3[%dma_start3A_52, %mul3A_40] : memref<1x262144xi32, #tpu.memory_space<hbm>> -> memref<1x128xi32, #tpu.memory_space<hbm>>
      tpu.enqueue_dma source(%dma_start3A_53 : memref<1x128xi32, #tpu.memory_space<hbm>>) target(%dma_start3A_51 : memref<1x128xi32, #tpu.memory_space<vmem>>) target_semaphore(%dma_start3A_47 : memref<!tpu.dma_semaphore, #tpu.memory_space<semaphore_mem>>)
      %add3A_54 = arith.constant 0 : i32
      %add3A_55 = arith.constant 1 : i32
      %add3A_56 = arith.addi %add3A_54, %add3A_55 : i32
      %select_n3A_57 = arith.constant true
      %select_n3A_58 = arith.constant 0 : i32
      %select_n3A_59 = arith.select %select_n3A_57, %add3A_56, %select_n3A_58 : i32
      "tpu.trace_stop"() : () -> ()
      %scan3A = arith.constant 0 : i32
      %scan3A_60 = arith.constant 0 : i32
      %scan3A_61 = arith.constant 0 : i32
      %scan3A_62 = arith.constant 0 : i32
      %scan3A_63 = arith.constant 0 : i32
      %scan3A_64 = arith.constant 64 : i32
      %scan3A_65 = arith.addi %scan3A_63, %scan3A_64 : i32
      %scan3A_66 = arith.constant 1 : i32
      %scan3A_67:5 = scf.for %scan3A_121 = %scan3A_63 to %scan3A_65 step %scan3A_66 iter_args(%scan3A_122 = %select_n3A_59, %scan3A_123 = %scan3A, %scan3A_124 = %scan3A_60, %scan3A_125 = %scan3A_61, %scan3A_126 = %scan3A_62) -> (i32, i32, i32, i32, i32)  : i32 {
        %eq3A_127 = arith.constant 0 : i32
        %eq3A_128 = arith.cmpi eq, %scan3A_121, %eq3A_127 : i32
        %eq3A_129 = arith.constant 63 : i32
        %eq3A_130 = arith.cmpi eq, %scan3A_121, %eq3A_129 : i32
        %add3A_131 = arith.addi %scan3A_126, %mul3A_6 : i32
        %sub3A_132 = arith.constant 1 : i32
        %sub3A_133 = arith.subi %scan3A_126, %sub3A_132 : i32
        %select_n3A_134 = arith.constant true
        %select_n3A_135 = arith.select %select_n3A_134, %sub3A_133, %scan3A_126 : i32
        %eq3A_136 = arith.constant -1 : i32
        %eq3A_137 = arith.cmpi eq, %select_n3A_135, %eq3A_136 : i32
        %select_n3A_138 = arith.constant 63 : i32
        %select_n3A_139 = arith.select %eq3A_137, %select_n3A_138, %select_n3A_135 : i32
        %add3A_140 = arith.addi %select_n3A_139, %mul3A_6 : i32
        %add3A_141 = arith.constant 1 : i32
        %add3A_142 = arith.addi %scan3A_126, %add3A_141 : i32
        %select_n3A_143 = arith.constant true
        %select_n3A_144 = arith.select %select_n3A_143, %add3A_142, %scan3A_126 : i32
        %eq3A_145 = arith.constant 64 : i32
        %eq3A_146 = arith.cmpi eq, %select_n3A_144, %eq3A_145 : i32
        %select_n3A_147 = arith.constant 0 : i32
        %select_n3A_148 = arith.select %eq3A_146, %select_n3A_147, %select_n3A_144 : i32
        %add3A_149 = arith.addi %select_n3A_148, %mul3A_6 : i32
        %add3A_150 = arith.constant 1 : i32
        %add3A_151 = arith.addi %select_n3A_148, %add3A_150 : i32
        %select_n3A_152 = arith.constant true
        %select_n3A_153 = arith.select %select_n3A_152, %add3A_151, %select_n3A_148 : i32
        %eq3A_154 = arith.constant 64 : i32
        %eq3A_155 = arith.cmpi eq, %select_n3A_153, %eq3A_154 : i32
        %select_n3A_156 = arith.constant 0 : i32
        %select_n3A_157 = arith.select %eq3A_155, %select_n3A_156, %select_n3A_153 : i32
        %add3A_158 = arith.addi %select_n3A_157, %mul3A_6 : i32
        %ne3A = arith.cmpi ne, %add3A_131, %add3A_149 : i32
        %or3A = arith.constant false
        %or3A_159 = arith.ori %or3A, %ne3A : i1
        %ge3A = arith.constant 63 : i32
        %ge3A_160 = arith.cmpi sge, %scan3A_121, %ge3A : i32
        %not3A = arith.constant true
        %not3A_161 = arith.xori %ge3A_160, %not3A : i1
        %and3A = arith.andi %or3A_159, %not3A_161 : i1
        %convert_element_type3A = arith.extui %and3A : i1 to i32
        %cond3A = arith.constant 0 : i32
        %cond3A_162 = arith.cmpi ne, %convert_element_type3A, %cond3A : i32
        scf.if %cond3A_162 {
          "tpu.trace_start"() <{level = 10 : i32, message = "ep_copy_in"}> : () -> ()
          %rem3A_264 = arith.constant 2 : i32
          %rem3A_265 = arith.remui %scan3A_122, %rem3A_264 : i32
          %mul3A_266 = arith.constant 128 : i32
          %mul3A_267 = arith.muli %mul3A_266, %add3A_149 : i32
          %dma_start3A_268 = arith.constant 0 : i32
          %dma_start3A_269 = arith.constant 0 : i32
          %dma_start3A_270 = tpu.memref_slice %run_scoped3A[%rem3A_265, %dma_start3A_268, %dma_start3A_269] : memref<2x1x128xi32, #tpu.memory_space<vmem>> -> memref<1x1x128xi32, #tpu.memory_space<vmem>>
          %dma_start3A_271 = tpu.memref_squeeze %dma_start3A_270 : memref<1x1x128xi32, #tpu.memory_space<vmem>> -> memref<1x128xi32, #tpu.memory_space<vmem>>
          %dma_start3A_272 = arith.constant 0 : i32
          %dma_start3A_273 = tpu.memref_slice %arg3[%dma_start3A_272, %mul3A_267] : memref<1x262144xi32, #tpu.memory_space<hbm>> -> memref<1x128xi32, #tpu.memory_space<hbm>>
          %dma_start3A_274 = tpu.memref_slice %run_scoped3A_7[%rem3A_265] : memref<2x!tpu.dma_semaphore, #tpu.memory_space<semaphore_mem>> -> memref<1x!tpu.dma_semaphore, #tpu.memory_space<semaphore_mem>>
          %dma_start3A_275 = tpu.memref_squeeze %dma_start3A_274 : memref<1x!tpu.dma_semaphore, #tpu.memory_space<semaphore_mem>> -> memref<!tpu.dma_semaphore, #tpu.memory_space<semaphore_mem>>
          %dma_start3A_276 = arith.constant 0 : i32
          %dma_start3A_277 = arith.constant 0 : i32
          %dma_start3A_278 = tpu.memref_slice %run_scoped3A[%rem3A_265, %dma_start3A_276, %dma_start3A_277] : memref<2x1x128xi32, #tpu.memory_space<vmem>> -> memref<1x1x128xi32, #tpu.memory_space<vmem>>
          %dma_start3A_279 = tpu.memref_squeeze %dma_start3A_278 : memref<1x1x128xi32, #tpu.memory_space<vmem>> -> memref<1x128xi32, #tpu.memory_space<vmem>>
          %dma_start3A_280 = arith.constant 0 : i32
          %dma_start3A_281 = tpu.memref_slice %arg3[%dma_start3A_280, %mul3A_267] : memref<1x262144xi32, #tpu.memory_space<hbm>> -> memref<1x128xi32, #tpu.memory_space<hbm>>
          tpu.enqueue_dma source(%dma_start3A_281 : memref<1x128xi32, #tpu.memory_space<hbm>>) target(%dma_start3A_279 : memref<1x128xi32, #tpu.memory_space<vmem>>) target_semaphore(%dma_start3A_275 : memref<!tpu.dma_semaphore, #tpu.memory_space<semaphore_mem>>)
          "tpu.trace_stop"() : () -> ()
        } else {
        }
        %and3A_163 = arith.constant true
        %and3A_164 = arith.andi %and3A, %and3A_163 : i1
        %add3A_165 = arith.constant 1 : i32
        %add3A_166 = arith.addi %scan3A_122, %add3A_165 : i32
        %select_n3A_167 = arith.select %and3A_164, %add3A_166, %scan3A_122 : i32
        %ne3A_168 = arith.cmpi ne, %add3A_131, %add3A_149 : i32
        %or3A_169 = arith.constant false
        %or3A_170 = arith.ori %or3A_169, %ne3A_168 : i1
        %or3A_171 = arith.constant false
        %or3A_172 = arith.ori %or3A_170, %or3A_171 : i1
        %ge3A_173 = arith.constant 63 : i32
        %ge3A_174 = arith.cmpi sge, %scan3A_121, %ge3A_173 : i32
        %not3A_175 = arith.constant true
        %not3A_176 = arith.xori %ge3A_174, %not3A_175 : i1
        %and3A_177 = arith.andi %or3A_172, %not3A_176 : i1
        %ne3A_178 = arith.cmpi ne, %add3A_131, %add3A_140 : i32
        %or3A_179 = arith.constant false
        %or3A_180 = arith.ori %or3A_179, %ne3A_178 : i1
        %or3A_181 = arith.ori %or3A_180, %eq3A_128 : i1
        %convert_element_type3A_182 = arith.extui %or3A_181 : i1 to i32
        %cond3A_183 = arith.constant 0 : i32
        %cond3A_184 = arith.cmpi ne, %convert_element_type3A_182, %cond3A_183 : i32
        scf.if %cond3A_184 {
          "tpu.trace_start"() <{level = 10 : i32, message = "ep_wait_in"}> : () -> ()
          %mul3A_264 = arith.constant 128 : i32
          %mul3A_265 = arith.muli %mul3A_264, %add3A_131 : i32
          %rem3A_266 = arith.constant 2 : i32
          %rem3A_267 = arith.remui %scan3A_123, %rem3A_266 : i32
          %dma_wait3A_268 = arith.constant 0 : i32
          %dma_wait3A_269 = arith.constant 0 : i32
          %dma_wait3A_270 = tpu.memref_slice %run_scoped3A[%rem3A_267, %dma_wait3A_268, %dma_wait3A_269] : memref<2x1x128xi32, #tpu.memory_space<vmem>> -> memref<1x1x128xi32, #tpu.memory_space<vmem>>
          %dma_wait3A_271 = tpu.memref_squeeze %dma_wait3A_270 : memref<1x1x128xi32, #tpu.memory_space<vmem>> -> memref<1x128xi32, #tpu.memory_space<vmem>>
          %dma_wait3A_272 = arith.constant 0 : i32
          %dma_wait3A_273 = tpu.memref_slice %arg3[%dma_wait3A_272, %mul3A_265] : memref<1x262144xi32, #tpu.memory_space<hbm>> -> memref<1x128xi32, #tpu.memory_space<hbm>>
          %dma_wait3A_274 = tpu.memref_slice %run_scoped3A_7[%rem3A_267] : memref<2x!tpu.dma_semaphore, #tpu.memory_space<semaphore_mem>> -> memref<1x!tpu.dma_semaphore, #tpu.memory_space<semaphore_mem>>
          %dma_wait3A_275 = tpu.memref_squeeze %dma_wait3A_274 : memref<1x!tpu.dma_semaphore, #tpu.memory_space<semaphore_mem>> -> memref<!tpu.dma_semaphore, #tpu.memory_space<semaphore_mem>>
          %dma_wait3A_276 = arith.constant 0 : i32
          %dma_wait3A_277 = arith.constant 0 : i32
          %dma_wait3A_278 = tpu.memref_slice %run_scoped3A[%rem3A_267, %dma_wait3A_276, %dma_wait3A_277] : memref<2x1x128xi32, #tpu.memory_space<vmem>> -> memref<1x1x128xi32, #tpu.memory_space<vmem>>
          %dma_wait3A_279 = tpu.memref_squeeze %dma_wait3A_278 : memref<1x1x128xi32, #tpu.memory_space<vmem>> -> memref<1x128xi32, #tpu.memory_space<vmem>>
          %dma_wait3A_280 = arith.constant 0 : i32
          %dma_wait3A_281 = tpu.memref_slice %arg3[%dma_wait3A_280, %mul3A_265] : memref<1x262144xi32, #tpu.memory_space<hbm>> -> memref<1x128xi32, #tpu.memory_space<hbm>>
          tpu.wait_dma2 semaphore(%dma_wait3A_275 : memref<!tpu.dma_semaphore, #tpu.memory_space<semaphore_mem>>) src(%dma_wait3A_281 : memref<1x128xi32, #tpu.memory_space<hbm>>) dst(%dma_wait3A_279 : memref<1x128xi32, #tpu.memory_space<vmem>>)
          "tpu.trace_stop"() : () -> ()
        } else {
        }
        %ne3A_185 = arith.cmpi ne, %add3A_131, %add3A_140 : i32
        %or3A_186 = arith.constant false
        %or3A_187 = arith.ori %or3A_186, %ne3A_185 : i1
        %or3A_188 = arith.constant false
        %or3A_189 = arith.ori %or3A_187, %or3A_188 : i1
        %or3A_190 = arith.ori %or3A_189, %eq3A_128 : i1
        %convert_element_type3A_191 = arith.extui %or3A_190 : i1 to i32
        %cond3A_192 = arith.constant 0 : i32
        %cond3A_193 = arith.cmpi ne, %convert_element_type3A_191, %cond3A_192 : i32
        scf.if %cond3A_193 {
        } else {
        }
        %rem3A_194 = arith.constant 2 : i32
        %rem3A_195 = arith.remui %scan3A_123, %rem3A_194 : i32
        %rem3A_196 = arith.constant 2 : i32
        %rem3A_197 = arith.remui %scan3A_124, %rem3A_196 : i32
        %run_scoped3A_198 = arith.constant 0 : i32
        "tpu.trace_start"() <{level = 10 : i32, message = "ep_run_kernel"}> : () -> ()
        "tpu.region"() ({
          %run_scoped3A_264 = tpu.sem_alloc : memref<!tpu.dma_semaphore, #tpu.memory_space<semaphore_mem>>
          %dma_start3A_265 = arith.constant 0 : i32
          %dma_start3A_266 = arith.constant 0 : i32
          %dma_start3A_267 = tpu.memref_slice %run_scoped3A_8[%rem3A_197, %dma_start3A_265, %dma_start3A_266] : memref<2x128x128xf32, #tpu.memory_space<vmem>> -> memref<1x128x128xf32, #tpu.memory_space<vmem>>
          %dma_start3A_268 = tpu.memref_squeeze %dma_start3A_267 : memref<1x128x128xf32, #tpu.memory_space<vmem>> -> memref<128x128xf32, #tpu.memory_space<vmem>>
          %dma_start3A_269 = arith.constant 0 : i32
          %dma_start3A_270 = arith.constant 0 : i32
          %dma_start3A_271 = tpu.memref_slice %run_scoped3A[%rem3A_195, %dma_start3A_269, %dma_start3A_270] : memref<2x1x128xi32, #tpu.memory_space<vmem>> -> memref<1x1x128xi32, #tpu.memory_space<vmem>>
          %dma_start3A_272 = tpu.memref_squeeze %dma_start3A_271 : memref<1x1x128xi32, #tpu.memory_space<vmem>> -> memref<1x128xi32, #tpu.memory_space<vmem>>
          %dma_start3A_273 = arith.constant 0 : i32
          %dma_start3A_274 = tpu.memref_slice %dma_start3A_272[%run_scoped3A_198, %dma_start3A_273] : memref<1x128xi32, #tpu.memory_space<vmem>> -> memref<1x128xi32, #tpu.memory_space<vmem>>
          %dma_start3A_275 = tpu.memref_squeeze %dma_start3A_274 : memref<1x128xi32, #tpu.memory_space<vmem>> -> memref<128xi32, #tpu.memory_space<vmem>>
          %dma_start3A_276 = arith.constant 0 : i32
          %dma_start3A_277 = arith.constant 0 : i32
          %dma_start3A_278 = tpu.memref_slice %arg2[%dma_start3A_276, %dma_start3A_277] : memref<8192x128xf32, #tpu.memory_space<hbm>> -> memref<8192x128xf32, #tpu.memory_space<hbm>>
          tpu.enqueue_indirect_dma source(%dma_start3A_278 : memref<8192x128xf32, #tpu.memory_space<hbm>>) target(%dma_start3A_268 : memref<128x128xf32, #tpu.memory_space<vmem>>) offsets(%dma_start3A_275 : memref<128xi32, #tpu.memory_space<vmem>>) semaphore(%run_scoped3A_264 : memref<!tpu.dma_semaphore, #tpu.memory_space<semaphore_mem>>)
          %dma_wait3A_279 = arith.constant 0 : i32
          %dma_wait3A_280 = arith.constant 0 : i32
          %dma_wait3A_281 = tpu.memref_slice %run_scoped3A_8[%rem3A_197, %dma_wait3A_279, %dma_wait3A_280] : memref<2x128x128xf32, #tpu.memory_space<vmem>> -> memref<1x128x128xf32, #tpu.memory_space<vmem>>
          %dma_wait3A_282 = tpu.memref_squeeze %dma_wait3A_281 : memref<1x128x128xf32, #tpu.memory_space<vmem>> -> memref<128x128xf32, #tpu.memory_space<vmem>>
          %dma_wait3A_283 = arith.constant 0 : i32
          %dma_wait3A_284 = arith.constant 0 : i32
          %dma_wait3A_285 = tpu.memref_slice %run_scoped3A[%rem3A_195, %dma_wait3A_283, %dma_wait3A_284] : memref<2x1x128xi32, #tpu.memory_space<vmem>> -> memref<1x1x128xi32, #tpu.memory_space<vmem>>
          %dma_wait3A_286 = tpu.memref_squeeze %dma_wait3A_285 : memref<1x1x128xi32, #tpu.memory_space<vmem>> -> memref<1x128xi32, #tpu.memory_space<vmem>>
          %dma_wait3A_287 = arith.constant 0 : i32
          %dma_wait3A_288 = tpu.memref_slice %dma_wait3A_286[%run_scoped3A_198, %dma_wait3A_287] : memref<1x128xi32, #tpu.memory_space<vmem>> -> memref<1x128xi32, #tpu.memory_space<vmem>>
          %dma_wait3A_289 = tpu.memref_squeeze %dma_wait3A_288 : memref<1x128xi32, #tpu.memory_space<vmem>> -> memref<128xi32, #tpu.memory_space<vmem>>
          %dma_wait3A_290 = arith.constant 0 : i32
          %dma_wait3A_291 = arith.constant 0 : i32
          %dma_wait3A_292 = tpu.memref_slice %arg2[%dma_wait3A_290, %dma_wait3A_291] : memref<8192x128xf32, #tpu.memory_space<hbm>> -> memref<8192x128xf32, #tpu.memory_space<hbm>>
          tpu.wait_indirect_dma semaphore(%run_scoped3A_264 : memref<!tpu.dma_semaphore, #tpu.memory_space<semaphore_mem>>) src(%dma_wait3A_292 : memref<8192x128xf32, #tpu.memory_space<hbm>>) dst(%dma_wait3A_282 : memref<128x128xf32, #tpu.memory_space<vmem>>)
          tpu.yield
        }) : () -> ()
        "tpu.trace_stop"() : () -> ()
        %ne3A_199 = arith.cmpi ne, %add3A_131, %add3A_149 : i32
        %or3A_200 = arith.constant false
        %or3A_201 = arith.ori %or3A_200, %ne3A_199 : i1
        %or3A_202 = arith.ori %or3A_201, %eq3A_130 : i1
        %convert_element_type3A_203 = arith.extui %or3A_202 : i1 to i32
        %cond3A_204 = arith.constant 0 : i32
        %cond3A_205 = arith.cmpi ne, %convert_element_type3A_203, %cond3A_204 : i32
        scf.if %cond3A_205 {
        } else {
        }
        %and3A_206 = arith.constant false
        %and3A_207 = arith.andi %or3A_202, %and3A_206 : i1
        %ne3A_208 = arith.cmpi ne, %add3A_131, %add3A_149 : i32
        %or3A_209 = arith.constant false
        %or3A_210 = arith.ori %or3A_209, %ne3A_208 : i1
        %or3A_211 = arith.constant false
        %or3A_212 = arith.ori %or3A_210, %or3A_211 : i1
        %or3A_213 = arith.ori %or3A_212, %eq3A_130 : i1
        %convert_element_type3A_214 = arith.extui %or3A_213 : i1 to i32
        %cond3A_215 = arith.constant 0 : i32
        %cond3A_216 = arith.cmpi ne, %convert_element_type3A_214, %cond3A_215 : i32
        scf.if %cond3A_216 {
          "tpu.trace_start"() <{level = 10 : i32, message = "ep_copy_out"}> : () -> ()
          %rem3A_264 = arith.constant 2 : i32
          %rem3A_265 = arith.remui %scan3A_124, %rem3A_264 : i32
          %mul3A_266 = arith.constant 128 : i32
          %mul3A_267 = arith.muli %mul3A_266, %add3A_131 : i32
          %dma_start3A_268 = arith.constant 0 : i32
          %dma_start3A_269 = arith.constant 0 : i32
          %dma_start3A_270 = tpu.memref_slice %run_scoped3A_8[%rem3A_265, %dma_start3A_268, %dma_start3A_269] : memref<2x128x128xf32, #tpu.memory_space<vmem>> -> memref<1x128x128xf32, #tpu.memory_space<vmem>>
          %dma_start3A_271 = tpu.memref_squeeze %dma_start3A_270 : memref<1x128x128xf32, #tpu.memory_space<vmem>> -> memref<128x128xf32, #tpu.memory_space<vmem>>
          %dma_start3A_272 = arith.constant 0 : i32
          %dma_start3A_273 = tpu.memref_slice %arg4[%mul3A_267, %dma_start3A_272] : memref<262144x128xf32, #tpu.memory_space<hbm>> -> memref<128x128xf32, #tpu.memory_space<hbm>>
          %dma_start3A_274 = tpu.memref_slice %run_scoped3A_9[%rem3A_265] : memref<2x!tpu.dma_semaphore, #tpu.memory_space<semaphore_mem>> -> memref<1x!tpu.dma_semaphore, #tpu.memory_space<semaphore_mem>>
          %dma_start3A_275 = tpu.memref_squeeze %dma_start3A_274 : memref<1x!tpu.dma_semaphore, #tpu.memory_space<semaphore_mem>> -> memref<!tpu.dma_semaphore, #tpu.memory_space<semaphore_mem>>
          %dma_start3A_276 = arith.constant 0 : i32
          %dma_start3A_277 = tpu.memref_slice %arg4[%mul3A_267, %dma_start3A_276] : memref<262144x128xf32, #tpu.memory_space<hbm>> -> memref<128x128xf32, #tpu.memory_space<hbm>>
          %dma_start3A_278 = arith.constant 0 : i32
          %dma_start3A_279 = arith.constant 0 : i32
          %dma_start3A_280 = tpu.memref_slice %run_scoped3A_8[%rem3A_265, %dma_start3A_278, %dma_start3A_279] : memref<2x128x128xf32, #tpu.memory_space<vmem>> -> memref<1x128x128xf32, #tpu.memory_space<vmem>>
          %dma_start3A_281 = tpu.memref_squeeze %dma_start3A_280 : memref<1x128x128xf32, #tpu.memory_space<vmem>> -> memref<128x128xf32, #tpu.memory_space<vmem>>
          tpu.enqueue_dma source(%dma_start3A_281 : memref<128x128xf32, #tpu.memory_space<vmem>>) target(%dma_start3A_277 : memref<128x128xf32, #tpu.memory_space<hbm>>) target_semaphore(%dma_start3A_275 : memref<!tpu.dma_semaphore, #tpu.memory_space<semaphore_mem>>)
          "tpu.trace_stop"() : () -> ()
        } else {
        }
        %and3A_217 = arith.constant true
        %and3A_218 = arith.andi %or3A_213, %and3A_217 : i1
        %add3A_219 = arith.constant 1 : i32
        %add3A_220 = arith.addi %scan3A_124, %add3A_219 : i32
        %select_n3A_221 = arith.select %and3A_218, %add3A_220, %scan3A_124 : i32
        %ne3A_222 = arith.cmpi ne, %add3A_131, %add3A_140 : i32
        %or3A_223 = arith.constant false
        %or3A_224 = arith.ori %or3A_223, %ne3A_222 : i1
        %not3A_225 = arith.constant true
        %not3A_226 = arith.xori %eq3A_128, %not3A_225 : i1
        %and3A_227 = arith.andi %or3A_224, %not3A_226 : i1
        %convert_element_type3A_228 = arith.extui %and3A_227 : i1 to i32
        %cond3A_229 = arith.constant 0 : i32
        %cond3A_230 = arith.cmpi ne, %convert_element_type3A_228, %cond3A_229 : i32
        scf.if %cond3A_230 {
        } else {
        }
        %and3A_231 = arith.constant false
        %and3A_232 = arith.andi %and3A_227, %and3A_231 : i1
        %ne3A_233 = arith.cmpi ne, %add3A_131, %add3A_140 : i32
        %or3A_234 = arith.constant false
        %or3A_235 = arith.ori %or3A_234, %ne3A_233 : i1
        %or3A_236 = arith.constant false
        %or3A_237 = arith.ori %or3A_235, %or3A_236 : i1
        %not3A_238 = arith.constant true
        %not3A_239 = arith.xori %eq3A_128, %not3A_238 : i1
        %and3A_240 = arith.andi %or3A_237, %not3A_239 : i1
        %convert_element_type3A_241 = arith.extui %and3A_240 : i1 to i32
        %cond3A_242 = arith.constant 0 : i32
        %cond3A_243 = arith.cmpi ne, %convert_element_type3A_241, %cond3A_242 : i32
        scf.if %cond3A_243 {
          "tpu.trace_start"() <{level = 10 : i32, message = "ep_wait_out"}> : () -> ()
          %rem3A_264 = arith.constant 2 : i32
          %rem3A_265 = arith.remui %scan3A_125, %rem3A_264 : i32
          %mul3A_266 = arith.constant 128 : i32
          %mul3A_267 = arith.muli %mul3A_266, %add3A_140 : i32
          %dma_wait3A_268 = arith.constant 0 : i32
          %dma_wait3A_269 = arith.constant 0 : i32
          %dma_wait3A_270 = tpu.memref_slice %run_scoped3A_8[%rem3A_265, %dma_wait3A_268, %dma_wait3A_269] : memref<2x128x128xf32, #tpu.memory_space<vmem>> -> memref<1x128x128xf32, #tpu.memory_space<vmem>>
          %dma_wait3A_271 = tpu.memref_squeeze %dma_wait3A_270 : memref<1x128x128xf32, #tpu.memory_space<vmem>> -> memref<128x128xf32, #tpu.memory_space<vmem>>
          %dma_wait3A_272 = arith.constant 0 : i32
          %dma_wait3A_273 = tpu.memref_slice %arg4[%mul3A_267, %dma_wait3A_272] : memref<262144x128xf32, #tpu.memory_space<hbm>> -> memref<128x128xf32, #tpu.memory_space<hbm>>
          %dma_wait3A_274 = tpu.memref_slice %run_scoped3A_9[%rem3A_265] : memref<2x!tpu.dma_semaphore, #tpu.memory_space<semaphore_mem>> -> memref<1x!tpu.dma_semaphore, #tpu.memory_space<semaphore_mem>>
          %dma_wait3A_275 = tpu.memref_squeeze %dma_wait3A_274 : memref<1x!tpu.dma_semaphore, #tpu.memory_space<semaphore_mem>> -> memref<!tpu.dma_semaphore, #tpu.memory_space<semaphore_mem>>
          %dma_wait3A_276 = arith.constant 0 : i32
          %dma_wait3A_277 = tpu.memref_slice %arg4[%mul3A_267, %dma_wait3A_276] : memref<262144x128xf32, #tpu.memory_space<hbm>> -> memref<128x128xf32, #tpu.memory_space<hbm>>
          %dma_wait3A_278 = arith.constant 0 : i32
          %dma_wait3A_279 = arith.constant 0 : i32
          %dma_wait3A_280 = tpu.memref_slice %run_scoped3A_8[%rem3A_265, %dma_wait3A_278, %dma_wait3A_279] : memref<2x128x128xf32, #tpu.memory_space<vmem>> -> memref<1x128x128xf32, #tpu.memory_space<vmem>>
          %dma_wait3A_281 = tpu.memref_squeeze %dma_wait3A_280 : memref<1x128x128xf32, #tpu.memory_space<vmem>> -> memref<128x128xf32, #tpu.memory_space<vmem>>
          tpu.wait_dma2 semaphore(%dma_wait3A_275 : memref<!tpu.dma_semaphore, #tpu.memory_space<semaphore_mem>>) src(%dma_wait3A_281 : memref<128x128xf32, #tpu.memory_space<vmem>>) dst(%dma_wait3A_277 : memref<128x128xf32, #tpu.memory_space<hbm>>)
          "tpu.trace_stop"() : () -> ()
        } else {
        }
        %and3A_244 = arith.constant true
        %and3A_245 = arith.andi %and3A_240, %and3A_244 : i1
        %add3A_246 = arith.constant 1 : i32
        %add3A_247 = arith.addi %scan3A_125, %add3A_246 : i32
        %select_n3A_248 = arith.select %and3A_245, %add3A_247, %scan3A_125 : i32
        %ne3A_249 = arith.cmpi ne, %add3A_131, %add3A_149 : i32
        %or3A_250 = arith.constant false
        %or3A_251 = arith.ori %or3A_250, %ne3A_249 : i1
        %or3A_252 = arith.ori %or3A_251, %eq3A_130 : i1
        %add3A_253 = arith.constant 1 : i32
        %add3A_254 = arith.addi %scan3A_123, %add3A_253 : i32
        %select_n3A_255 = arith.select %or3A_252, %add3A_254, %scan3A_123 : i32
        %add3A_256 = arith.constant 1 : i32
        %add3A_257 = arith.addi %scan3A_126, %add3A_256 : i32
        %select_n3A_258 = arith.constant true
        %select_n3A_259 = arith.select %select_n3A_258, %add3A_257, %scan3A_126 : i32
        %eq3A_260 = arith.constant 64 : i32
        %eq3A_261 = arith.cmpi eq, %select_n3A_259, %eq3A_260 : i32
        %select_n3A_262 = arith.constant 0 : i32
        %select_n3A_263 = arith.select %eq3A_261, %select_n3A_262, %select_n3A_259 : i32
        scf.yield %select_n3A_167, %select_n3A_255, %select_n3A_221, %select_n3A_248, %select_n3A_263 : i32, i32, i32, i32, i32
      }
      %scan3A_68 = arith.constant 64 : i32
      %sub3A = arith.constant 1 : i32
      %sub3A_69 = arith.subi %scan3A_67#4, %sub3A : i32
      %select_n3A_70 = arith.constant true
      %select_n3A_71 = arith.select %select_n3A_70, %sub3A_69, %scan3A_67#4 : i32
      %eq3A_72 = arith.constant -1 : i32
      %eq3A_73 = arith.cmpi eq, %select_n3A_71, %eq3A_72 : i32
      %select_n3A_74 = arith.constant 63 : i32
      %select_n3A_75 = arith.select %eq3A_73, %select_n3A_74, %select_n3A_71 : i32
      %add3A_76 = arith.addi %select_n3A_75, %mul3A_6 : i32
      %sub3A_77 = arith.constant 1 : i32
      %sub3A_78 = arith.subi %select_n3A_75, %sub3A_77 : i32
      %select_n3A_79 = arith.constant true
      %select_n3A_80 = arith.select %select_n3A_79, %sub3A_78, %select_n3A_75 : i32
      %eq3A_81 = arith.constant -1 : i32
      %eq3A_82 = arith.cmpi eq, %select_n3A_80, %eq3A_81 : i32
      %select_n3A_83 = arith.constant 63 : i32
      %select_n3A_84 = arith.select %eq3A_82, %select_n3A_83, %select_n3A_80 : i32
      %add3A_85 = arith.addi %select_n3A_84, %mul3A_6 : i32
      %add3A_86 = arith.constant 1 : i32
      %add3A_87 = arith.addi %select_n3A_75, %add3A_86 : i32
      %select_n3A_88 = arith.constant true
      %select_n3A_89 = arith.select %select_n3A_88, %add3A_87, %select_n3A_75 : i32
      %eq3A_90 = arith.constant 64 : i32
      %eq3A_91 = arith.cmpi eq, %select_n3A_89, %eq3A_90 : i32
      %select_n3A_92 = arith.constant 0 : i32
      %select_n3A_93 = arith.select %eq3A_91, %select_n3A_92, %select_n3A_89 : i32
      %add3A_94 = arith.addi %select_n3A_93, %mul3A_6 : i32
      %add3A_95 = arith.constant 1 : i32
      %add3A_96 = arith.addi %select_n3A_93, %add3A_95 : i32
      %select_n3A_97 = arith.constant true
      %select_n3A_98 = arith.select %select_n3A_97, %add3A_96, %select_n3A_93 : i32
      %eq3A_99 = arith.constant 64 : i32
      %eq3A_100 = arith.cmpi eq, %select_n3A_98, %eq3A_99 : i32
      %select_n3A_101 = arith.constant 0 : i32
      %select_n3A_102 = arith.select %eq3A_100, %select_n3A_101, %select_n3A_98 : i32
      %add3A_103 = arith.addi %select_n3A_102, %mul3A_6 : i32
      "tpu.trace_start"() <{level = 10 : i32, message = "ep_finalize"}> : () -> ()
      %rem3A_104 = arith.constant 2 : i32
      %rem3A_105 = arith.remui %scan3A_67#3, %rem3A_104 : i32
      %mul3A_106 = arith.constant 128 : i32
      %mul3A_107 = arith.muli %mul3A_106, %add3A_76 : i32
      %dma_wait3A = arith.constant 0 : i32
      %dma_wait3A_108 = arith.constant 0 : i32
      %dma_wait3A_109 = tpu.memref_slice %run_scoped3A_8[%rem3A_105, %dma_wait3A, %dma_wait3A_108] : memref<2x128x128xf32, #tpu.memory_space<vmem>> -> memref<1x128x128xf32, #tpu.memory_space<vmem>>
      %dma_wait3A_110 = tpu.memref_squeeze %dma_wait3A_109 : memref<1x128x128xf32, #tpu.memory_space<vmem>> -> memref<128x128xf32, #tpu.memory_space<vmem>>
      %dma_wait3A_111 = arith.constant 0 : i32
      %dma_wait3A_112 = tpu.memref_slice %arg4[%mul3A_107, %dma_wait3A_111] : memref<262144x128xf32, #tpu.memory_space<hbm>> -> memref<128x128xf32, #tpu.memory_space<hbm>>
      %dma_wait3A_113 = tpu.memref_slice %run_scoped3A_9[%rem3A_105] : memref<2x!tpu.dma_semaphore, #tpu.memory_space<semaphore_mem>> -> memref<1x!tpu.dma_semaphore, #tpu.memory_space<semaphore_mem>>
      %dma_wait3A_114 = tpu.memref_squeeze %dma_wait3A_113 : memref<1x!tpu.dma_semaphore, #tpu.memory_space<semaphore_mem>> -> memref<!tpu.dma_semaphore, #tpu.memory_space<semaphore_mem>>
      %dma_wait3A_115 = arith.constant 0 : i32
      %dma_wait3A_116 = tpu.memref_slice %arg4[%mul3A_107, %dma_wait3A_115] : memref<262144x128xf32, #tpu.memory_space<hbm>> -> memref<128x128xf32, #tpu.memory_space<hbm>>
      %dma_wait3A_117 = arith.constant 0 : i32
      %dma_wait3A_118 = arith.constant 0 : i32
      %dma_wait3A_119 = tpu.memref_slice %run_scoped3A_8[%rem3A_105, %dma_wait3A_117, %dma_wait3A_118] : memref<2x128x128xf32, #tpu.memory_space<vmem>> -> memref<1x128x128xf32, #tpu.memory_space<vmem>>
      %dma_wait3A_120 = tpu.memref_squeeze %dma_wait3A_119 : memref<1x128x128xf32, #tpu.memory_space<vmem>> -> memref<128x128xf32, #tpu.memory_space<vmem>>
      tpu.wait_dma2 semaphore(%dma_wait3A_114 : memref<!tpu.dma_semaphore, #tpu.memory_space<semaphore_mem>>) src(%dma_wait3A_120 : memref<128x128xf32, #tpu.memory_space<vmem>>) dst(%dma_wait3A_116 : memref<128x128xf32, #tpu.memory_space<hbm>>)
      "tpu.trace_stop"() : () -> ()
      tpu.yield
    }) : () -> ()
    return
  }
}

#map = affine_map<(d0, d1) -> (0, 0)>
module attributes {stable_mosaic.version = 14 : i64} {
  func.func @k(%arg0: i32, %arg1: i32, %arg2: memref<8192x128xf32, #tpu.memory_space<hbm>>, %arg3: memref<1x262144xi32, #tpu.memory_space<hbm>>, %arg4: memref<262144x128xf32, #tpu.memory_space<hbm>>) attributes {dimension_semantics = [#tpu.dimension_semantics<core_parallel>, #tpu.dimension_semantics<subcore_parallel>], iteration_bounds = array<i64: 2, 16>, scalar_prefetch = 0 : i64, scratch_operands = 0 : i64, tpu.core_type = #tpu.core_type<sc_vector_subcore>, window_params = [{transform_indices = #map}, {transform_indices = #map}, {transform_indices = #map}]} {
    %mul3A = arith.constant 1 : i32
    %mul3A_0 = arith.muli %arg1, %mul3A : i32
    %add3A = arith.constant 0 : i32
    %add3A_1 = arith.addi %add3A, %mul3A_0 : i32
    %mul3A_2 = arith.constant 16 : i32
    %mul3A_3 = arith.muli %arg0, %mul3A_2 : i32
    %add3A_4 = arith.addi %add3A_1, %mul3A_3 : i32
    %mul3A_5 = arith.constant 64 : i32
    %mul3A_6 = arith.muli %add3A_4, %mul3A_5 : i32
    "tpu.region"() ({
      %run_scoped3A = memref.alloca() : memref<2x1x128xi32, #tpu.memory_space<vmem>>
      %run_scoped3A_7 = tpu.sem_alloc : memref<2x!tpu.dma_semaphore, #tpu.memory_space<semaphore_mem>>
      %run_scoped3A_8 = memref.alloca() : memref<2x128x128xf32, #tpu.memory_space<vmem>>
      %run_scoped3A_9 = tpu.sem_alloc : memref<2x!tpu.dma_semaphore, #tpu.memory_space<semaphore_mem>>
      %add3A_10 = arith.constant 0 : i32
      %add3A_11 = arith.addi %add3A_10, %mul3A_6 : i32
      %select_n3A = arith.constant true
      %select_n3A_12 = arith.constant 0 : i32
      %select_n3A_13 = arith.constant -1 : i32
      %select_n3A_14 = arith.select %select_n3A, %select_n3A_13, %select_n3A_12 : i32
      %eq3A = arith.constant -1 : i32
      %eq3A_15 = arith.cmpi eq, %select_n3A_14, %eq3A : i32
      %select_n3A_16 = arith.constant 63 : i32
      %select_n3A_17 = arith.select %eq3A_15, %select_n3A_16, %select_n3A_14 : i32
      %add3A_18 = arith.addi %select_n3A_17, %mul3A_6 : i32
      %select_n3A_19 = arith.constant true
      %select_n3A_20 = arith.constant 0 : i32
      %select_n3A_21 = arith.constant 1 : i32
      %select_n3A_22 = arith.select %select_n3A_19, %select_n3A_21, %select_n3A_20 : i32
      %eq3A_23 = arith.constant 64 : i32
      %eq3A_24 = arith.cmpi eq, %select_n3A_22, %eq3A_23 : i32
      %select_n3A_25 = arith.constant 0 : i32
      %select_n3A_26 = arith.select %eq3A_24, %select_n3A_25, %select_n3A_22 : i32
      %add3A_27 = arith.addi %select_n3A_26, %mul3A_6 : i32
      %add3A_28 = arith.constant 1 : i32
      %add3A_29 = arith.addi %select_n3A_26, %add3A_28 : i32
      %select_n3A_30 = arith.constant true
      %select_n3A_31 = arith.select %select_n3A_30, %add3A_29, %select_n3A_26 : i32
      %eq3A_32 = arith.constant 64 : i32
      %eq3A_33 = arith.cmpi eq, %select_n3A_31, %eq3A_32 : i32
      %select_n3A_34 = arith.constant 0 : i32
      %select_n3A_35 = arith.select %eq3A_33, %select_n3A_34, %select_n3A_31 : i32
      %add3A_36 = arith.addi %select_n3A_35, %mul3A_6 : i32
      "tpu.trace_start"() <{level = 10 : i32, message = "ep_initialize_0"}> : () -> ()
      %rem3A = arith.constant 0 : i32
      %rem3A_37 = arith.constant 2 : i32
      %rem3A_38 = arith.remui %rem3A, %rem3A_37 : i32
      %mul3A_39 = arith.constant 128 : i32
      %mul3A_40 = arith.muli %mul3A_39, %add3A_11 : i32
      %dma_start3A = arith.constant 0 : i32
      %dma_start3A_41 = arith.constant 0 : i32
      %dma_start3A_42 = tpu.memref_slice %run_scoped3A[%rem3A_38, %dma_start3A, %dma_start3A_41] : memref<2x1x128xi32, #tpu.memory_space<vmem>> -> memref<1x1x128xi32, #tpu.memory_space<vmem>>
      %dma_start3A_43 = tpu.memref_squeeze %dma_start3A_42 : memref<1x1x128xi32, #tpu.memory_space<vmem>> -> memref<1x128xi32, #tpu.memory_space<vmem>>
      %dma_start3A_44 = arith.constant 0 : i32
      %dma_start3A_45 = tpu.memref_slice %arg3[%dma_start3A_44, %mul3A_40] : memref<1x262144xi32, #tpu.memory_space<hbm>> -> memref<1x128xi32, #tpu.memory_space<hbm>>
      %dma_start3A_46 = tpu.memref_slice %run_scoped3A_7[%rem3A_38] : memref<2x!tpu.dma_semaphore, #tpu.memory_space<semaphore_mem>> -> memref<1x!tpu.dma_semaphore, #tpu.memory_space<semaphore_mem>>
      %dma_start3A_47 = tpu.memref_squeeze %dma_start3A_46 : memref<1x!tpu.dma_semaphore, #tpu.memory_space<semaphore_mem>> -> memref<!tpu.dma_semaphore, #tpu.memory_space<semaphore_mem>>
      %dma_start3A_48 = arith.constant 0 : i32
      %dma_start3A_49 = arith.constant 0 : i32
      %dma_start3A_50 = tpu.memref_slice %run_scoped3A[%rem3A_38, %dma_start3A_48, %dma_start3A_49] : memref<2x1x128xi32, #tpu.memory_space<vmem>> -> memref<1x1x128xi32, #tpu.memory_space<vmem>>
      %dma_start3A_51 = tpu.memref_squeeze %dma_start3A_50 : memref<1x1x128xi32, #tpu.memory_space<vmem>> -> memref<1x128xi32, #tpu.memory_space<vmem>>
      %dma_start3A_52 = arith.constant 0 : i32
      %dma_start3A_53 = tpu.memref_slice %arg3[%dma_start3A_52, %mul3A_40] : memref<1x262144xi32, #tpu.memory_space<hbm>> -> memref<1x128xi32, #tpu.memory_space<hbm>>
      tpu.enqueue_dma source(%dma_start3A_53 : memref<1x128xi32, #tpu.memory_space<hbm>>) target(%dma_start3A_51 : memref<1x128xi32, #tpu.memory_space<vmem>>) target_semaphore(%dma_start3A_47 : memref<!tpu.dma_semaphore, #tpu.memory_space<semaphore_mem>>)
      %add3A_54 = arith.constant 0 : i32
      %add3A_55 = arith.constant 1 : i32
      %add3A_56 = arith.addi %add3A_54, %add3A_55 : i32
      %select_n3A_57 = arith.constant true
      %select_n3A_58 = arith.constant 0 : i32
      %select_n3A_59 = arith.select %select_n3A_57, %add3A_56, %select_n3A_58 : i32
      "tpu.trace_stop"() : () -> ()
      %scan3A = arith.constant 0 : i32
      %scan3A_60 = arith.constant 0 : i32
      %scan3A_61 = arith.constant 0 : i32
      %scan3A_62 = arith.constant 0 : i32
      %scan3A_63 = arith.constant 0 : i32
      %scan3A_64 = arith.constant 64 : i32
      %scan3A_65 = arith.addi %scan3A_63, %scan3A_64 : i32
      %scan3A_66 = arith.constant 1 : i32
      %scan3A_67:5 = scf.for %scan3A_121 = %scan3A_63 to %scan3A_65 step %scan3A_66 iter_args(%scan3A_122 = %select_n3A_59, %scan3A_123 = %scan3A, %scan3A_124 = %scan3A_60, %scan3A_125 = %scan3A_61, %scan3A_126 = %scan3A_62) -> (i32, i32, i32, i32, i32)  : i32 {
        %eq3A_127 = arith.constant 0 : i32
        %eq3A_128 = arith.cmpi eq, %scan3A_121, %eq3A_127 : i32
        %eq3A_129 = arith.constant 63 : i32
        %eq3A_130 = arith.cmpi eq, %scan3A_121, %eq3A_129 : i32
        %add3A_131 = arith.addi %scan3A_126, %mul3A_6 : i32
        %sub3A_132 = arith.constant 1 : i32
        %sub3A_133 = arith.subi %scan3A_126, %sub3A_132 : i32
        %select_n3A_134 = arith.constant true
        %select_n3A_135 = arith.select %select_n3A_134, %sub3A_133, %scan3A_126 : i32
        %eq3A_136 = arith.constant -1 : i32
        %eq3A_137 = arith.cmpi eq, %select_n3A_135, %eq3A_136 : i32
        %select_n3A_138 = arith.constant 63 : i32
        %select_n3A_139 = arith.select %eq3A_137, %select_n3A_138, %select_n3A_135 : i32
        %add3A_140 = arith.addi %select_n3A_139, %mul3A_6 : i32
        %add3A_141 = arith.constant 1 : i32
        %add3A_142 = arith.addi %scan3A_126, %add3A_141 : i32
        %select_n3A_143 = arith.constant true
        %select_n3A_144 = arith.select %select_n3A_143, %add3A_142, %scan3A_126 : i32
        %eq3A_145 = arith.constant 64 : i32
        %eq3A_146 = arith.cmpi eq, %select_n3A_144, %eq3A_145 : i32
        %select_n3A_147 = arith.constant 0 : i32
        %select_n3A_148 = arith.select %eq3A_146, %select_n3A_147, %select_n3A_144 : i32
        %add3A_149 = arith.addi %select_n3A_148, %mul3A_6 : i32
        %add3A_150 = arith.constant 1 : i32
        %add3A_151 = arith.addi %select_n3A_148, %add3A_150 : i32
        %select_n3A_152 = arith.constant true
        %select_n3A_153 = arith.select %select_n3A_152, %add3A_151, %select_n3A_148 : i32
        %eq3A_154 = arith.constant 64 : i32
        %eq3A_155 = arith.cmpi eq, %select_n3A_153, %eq3A_154 : i32
        %select_n3A_156 = arith.constant 0 : i32
        %select_n3A_157 = arith.select %eq3A_155, %select_n3A_156, %select_n3A_153 : i32
        %add3A_158 = arith.addi %select_n3A_157, %mul3A_6 : i32
        %ne3A = arith.cmpi ne, %add3A_131, %add3A_149 : i32
        %or3A = arith.constant false
        %or3A_159 = arith.ori %or3A, %ne3A : i1
        %ge3A = arith.constant 63 : i32
        %ge3A_160 = arith.cmpi sge, %scan3A_121, %ge3A : i32
        %not3A = arith.constant true
        %not3A_161 = arith.xori %ge3A_160, %not3A : i1
        %and3A = arith.andi %or3A_159, %not3A_161 : i1
        %convert_element_type3A = arith.extui %and3A : i1 to i32
        %cond3A = arith.constant 0 : i32
        %cond3A_162 = arith.cmpi ne, %convert_element_type3A, %cond3A : i32
        scf.if %cond3A_162 {
          "tpu.trace_start"() <{level = 10 : i32, message = "ep_copy_in"}> : () -> ()
          %rem3A_264 = arith.constant 2 : i32
          %rem3A_265 = arith.remui %scan3A_122, %rem3A_264 : i32
          %mul3A_266 = arith.constant 128 : i32
          %mul3A_267 = arith.muli %mul3A_266, %add3A_149 : i32
          %dma_start3A_268 = arith.constant 0 : i32
          %dma_start3A_269 = arith.constant 0 : i32
          %dma_start3A_270 = tpu.memref_slice %run_scoped3A[%rem3A_265, %dma_start3A_268, %dma_start3A_269] : memref<2x1x128xi32, #tpu.memory_space<vmem>> -> memref<1x1x128xi32, #tpu.memory_space<vmem>>
          %dma_start3A_271 = tpu.memref_squeeze %dma_start3A_270 : memref<1x1x128xi32, #tpu.memory_space<vmem>> -> memref<1x128xi32, #tpu.memory_space<vmem>>
          %dma_start3A_272 = arith.constant 0 : i32
          %dma_start3A_273 = tpu.memref_slice %arg3[%dma_start3A_272, %mul3A_267] : memref<1x262144xi32, #tpu.memory_space<hbm>> -> memref<1x128xi32, #tpu.memory_space<hbm>>
          %dma_start3A_274 = tpu.memref_slice %run_scoped3A_7[%rem3A_265] : memref<2x!tpu.dma_semaphore, #tpu.memory_space<semaphore_mem>> -> memref<1x!tpu.dma_semaphore, #tpu.memory_space<semaphore_mem>>
          %dma_start3A_275 = tpu.memref_squeeze %dma_start3A_274 : memref<1x!tpu.dma_semaphore, #tpu.memory_space<semaphore_mem>> -> memref<!tpu.dma_semaphore, #tpu.memory_space<semaphore_mem>>
          %dma_start3A_276 = arith.constant 0 : i32
          %dma_start3A_277 = arith.constant 0 : i32
          %dma_start3A_278 = tpu.memref_slice %run_scoped3A[%rem3A_265, %dma_start3A_276, %dma_start3A_277] : memref<2x1x128xi32, #tpu.memory_space<vmem>> -> memref<1x1x128xi32, #tpu.memory_space<vmem>>
          %dma_start3A_279 = tpu.memref_squeeze %dma_start3A_278 : memref<1x1x128xi32, #tpu.memory_space<vmem>> -> memref<1x128xi32, #tpu.memory_space<vmem>>
          %dma_start3A_280 = arith.constant 0 : i32
          %dma_start3A_281 = tpu.memref_slice %arg3[%dma_start3A_280, %mul3A_267] : memref<1x262144xi32, #tpu.memory_space<hbm>> -> memref<1x128xi32, #tpu.memory_space<hbm>>
          tpu.enqueue_dma source(%dma_start3A_281 : memref<1x128xi32, #tpu.memory_space<hbm>>) target(%dma_start3A_279 : memref<1x128xi32, #tpu.memory_space<vmem>>) target_semaphore(%dma_start3A_275 : memref<!tpu.dma_semaphore, #tpu.memory_space<semaphore_mem>>)
          "tpu.trace_stop"() : () -> ()
        } else {
        }
        %and3A_163 = arith.constant true
        %and3A_164 = arith.andi %and3A, %and3A_163 : i1
        %add3A_165 = arith.constant 1 : i32
        %add3A_166 = arith.addi %scan3A_122, %add3A_165 : i32
        %select_n3A_167 = arith.select %and3A_164, %add3A_166, %scan3A_122 : i32
        %ne3A_168 = arith.cmpi ne, %add3A_131, %add3A_149 : i32
        %or3A_169 = arith.constant false
        %or3A_170 = arith.ori %or3A_169, %ne3A_168 : i1
        %or3A_171 = arith.constant false
        %or3A_172 = arith.ori %or3A_170, %or3A_171 : i1
        %ge3A_173 = arith.constant 63 : i32
        %ge3A_174 = arith.cmpi sge, %scan3A_121, %ge3A_173 : i32
        %not3A_175 = arith.constant true
        %not3A_176 = arith.xori %ge3A_174, %not3A_175 : i1
        %and3A_177 = arith.andi %or3A_172, %not3A_176 : i1
        %ne3A_178 = arith.cmpi ne, %add3A_131, %add3A_140 : i32
        %or3A_179 = arith.constant false
        %or3A_180 = arith.ori %or3A_179, %ne3A_178 : i1
        %or3A_181 = arith.ori %or3A_180, %eq3A_128 : i1
        %convert_element_type3A_182 = arith.extui %or3A_181 : i1 to i32
        %cond3A_183 = arith.constant 0 : i32
        %cond3A_184 = arith.cmpi ne, %convert_element_type3A_182, %cond3A_183 : i32
        scf.if %cond3A_184 {
          "tpu.trace_start"() <{level = 10 : i32, message = "ep_wait_in"}> : () -> ()
          %mul3A_264 = arith.constant 128 : i32
          %mul3A_265 = arith.muli %mul3A_264, %add3A_131 : i32
          %rem3A_266 = arith.constant 2 : i32
          %rem3A_267 = arith.remui %scan3A_123, %rem3A_266 : i32
          %dma_wait3A_268 = arith.constant 0 : i32
          %dma_wait3A_269 = arith.constant 0 : i32
          %dma_wait3A_270 = tpu.memref_slice %run_scoped3A[%rem3A_267, %dma_wait3A_268, %dma_wait3A_269] : memref<2x1x128xi32, #tpu.memory_space<vmem>> -> memref<1x1x128xi32, #tpu.memory_space<vmem>>
          %dma_wait3A_271 = tpu.memref_squeeze %dma_wait3A_270 : memref<1x1x128xi32, #tpu.memory_space<vmem>> -> memref<1x128xi32, #tpu.memory_space<vmem>>
          %dma_wait3A_272 = arith.constant 0 : i32
          %dma_wait3A_273 = tpu.memref_slice %arg3[%dma_wait3A_272, %mul3A_265] : memref<1x262144xi32, #tpu.memory_space<hbm>> -> memref<1x128xi32, #tpu.memory_space<hbm>>
          %dma_wait3A_274 = tpu.memref_slice %run_scoped3A_7[%rem3A_267] : memref<2x!tpu.dma_semaphore, #tpu.memory_space<semaphore_mem>> -> memref<1x!tpu.dma_semaphore, #tpu.memory_space<semaphore_mem>>
          %dma_wait3A_275 = tpu.memref_squeeze %dma_wait3A_274 : memref<1x!tpu.dma_semaphore, #tpu.memory_space<semaphore_mem>> -> memref<!tpu.dma_semaphore, #tpu.memory_space<semaphore_mem>>
          %dma_wait3A_276 = arith.constant 0 : i32
          %dma_wait3A_277 = arith.constant 0 : i32
          %dma_wait3A_278 = tpu.memref_slice %run_scoped3A[%rem3A_267, %dma_wait3A_276, %dma_wait3A_277] : memref<2x1x128xi32, #tpu.memory_space<vmem>> -> memref<1x1x128xi32, #tpu.memory_space<vmem>>
          %dma_wait3A_279 = tpu.memref_squeeze %dma_wait3A_278 : memref<1x1x128xi32, #tpu.memory_space<vmem>> -> memref<1x128xi32, #tpu.memory_space<vmem>>
          %dma_wait3A_280 = arith.constant 0 : i32
          %dma_wait3A_281 = tpu.memref_slice %arg3[%dma_wait3A_280, %mul3A_265] : memref<1x262144xi32, #tpu.memory_space<hbm>> -> memref<1x128xi32, #tpu.memory_space<hbm>>
          tpu.wait_dma2 semaphore(%dma_wait3A_275 : memref<!tpu.dma_semaphore, #tpu.memory_space<semaphore_mem>>) src(%dma_wait3A_281 : memref<1x128xi32, #tpu.memory_space<hbm>>) dst(%dma_wait3A_279 : memref<1x128xi32, #tpu.memory_space<vmem>>)
          "tpu.trace_stop"() : () -> ()
        } else {
        }
        %ne3A_185 = arith.cmpi ne, %add3A_131, %add3A_140 : i32
        %or3A_186 = arith.constant false
        %or3A_187 = arith.ori %or3A_186, %ne3A_185 : i1
        %or3A_188 = arith.constant false
        %or3A_189 = arith.ori %or3A_187, %or3A_188 : i1
        %or3A_190 = arith.ori %or3A_189, %eq3A_128 : i1
        %convert_element_type3A_191 = arith.extui %or3A_190 : i1 to i32
        %cond3A_192 = arith.constant 0 : i32
        %cond3A_193 = arith.cmpi ne, %convert_element_type3A_191, %cond3A_192 : i32
        scf.if %cond3A_193 {
        } else {
        }
        %rem3A_194 = arith.constant 2 : i32
        %rem3A_195 = arith.remui %scan3A_123, %rem3A_194 : i32
        %rem3A_196 = arith.constant 2 : i32
        %rem3A_197 = arith.remui %scan3A_124, %rem3A_196 : i32
        %run_scoped3A_198 = arith.constant 0 : i32
        "tpu.trace_start"() <{level = 10 : i32, message = "ep_run_kernel"}> : () -> ()
        "tpu.region"() ({
          %run_scoped3A_264 = tpu.sem_alloc : memref<!tpu.dma_semaphore, #tpu.memory_space<semaphore_mem>>
          %dma_start3A_265 = arith.constant 0 : i32
          %dma_start3A_266 = arith.constant 0 : i32
          %dma_start3A_267 = tpu.memref_slice %run_scoped3A_8[%rem3A_197, %dma_start3A_265, %dma_start3A_266] : memref<2x128x128xf32, #tpu.memory_space<vmem>> -> memref<1x128x128xf32, #tpu.memory_space<vmem>>
          %dma_start3A_268 = tpu.memref_squeeze %dma_start3A_267 : memref<1x128x128xf32, #tpu.memory_space<vmem>> -> memref<128x128xf32, #tpu.memory_space<vmem>>
          %dma_start3A_269 = arith.constant 0 : i32
          %dma_start3A_270 = arith.constant 0 : i32
          %dma_start3A_271 = tpu.memref_slice %run_scoped3A[%rem3A_195, %dma_start3A_269, %dma_start3A_270] : memref<2x1x128xi32, #tpu.memory_space<vmem>> -> memref<1x1x128xi32, #tpu.memory_space<vmem>>
          %dma_start3A_272 = tpu.memref_squeeze %dma_start3A_271 : memref<1x1x128xi32, #tpu.memory_space<vmem>> -> memref<1x128xi32, #tpu.memory_space<vmem>>
          %dma_start3A_273 = arith.constant 0 : i32
          %dma_start3A_274 = tpu.memref_slice %dma_start3A_272[%run_scoped3A_198, %dma_start3A_273] : memref<1x128xi32, #tpu.memory_space<vmem>> -> memref<1x128xi32, #tpu.memory_space<vmem>>
          %dma_start3A_275 = tpu.memref_squeeze %dma_start3A_274 : memref<1x128xi32, #tpu.memory_space<vmem>> -> memref<128xi32, #tpu.memory_space<vmem>>
          %dma_start3A_276 = arith.constant 0 : i32
          %dma_start3A_277 = arith.constant 0 : i32
          %dma_start3A_278 = tpu.memref_slice %arg2[%dma_start3A_276, %dma_start3A_277] : memref<8192x128xf32, #tpu.memory_space<hbm>> -> memref<8192x128xf32, #tpu.memory_space<hbm>>
          tpu.enqueue_indirect_dma source(%dma_start3A_278 : memref<8192x128xf32, #tpu.memory_space<hbm>>) target(%dma_start3A_268 : memref<128x128xf32, #tpu.memory_space<vmem>>) offsets(%dma_start3A_275 : memref<128xi32, #tpu.memory_space<vmem>>) semaphore(%run_scoped3A_264 : memref<!tpu.dma_semaphore, #tpu.memory_space<semaphore_mem>>)
          %dma_wait3A_279 = arith.constant 0 : i32
          %dma_wait3A_280 = arith.constant 0 : i32
          %dma_wait3A_281 = tpu.memref_slice %run_scoped3A_8[%rem3A_197, %dma_wait3A_279, %dma_wait3A_280] : memref<2x128x128xf32, #tpu.memory_space<vmem>> -> memref<1x128x128xf32, #tpu.memory_space<vmem>>
          %dma_wait3A_282 = tpu.memref_squeeze %dma_wait3A_281 : memref<1x128x128xf32, #tpu.memory_space<vmem>> -> memref<128x128xf32, #tpu.memory_space<vmem>>
          %dma_wait3A_283 = arith.constant 0 : i32
          %dma_wait3A_284 = arith.constant 0 : i32
          %dma_wait3A_285 = tpu.memref_slice %run_scoped3A[%rem3A_195, %dma_wait3A_283, %dma_wait3A_284] : memref<2x1x128xi32, #tpu.memory_space<vmem>> -> memref<1x1x128xi32, #tpu.memory_space<vmem>>
          %dma_wait3A_286 = tpu.memref_squeeze %dma_wait3A_285 : memref<1x1x128xi32, #tpu.memory_space<vmem>> -> memref<1x128xi32, #tpu.memory_space<vmem>>
          %dma_wait3A_287 = arith.constant 0 : i32
          %dma_wait3A_288 = tpu.memref_slice %dma_wait3A_286[%run_scoped3A_198, %dma_wait3A_287] : memref<1x128xi32, #tpu.memory_space<vmem>> -> memref<1x128xi32, #tpu.memory_space<vmem>>
          %dma_wait3A_289 = tpu.memref_squeeze %dma_wait3A_288 : memref<1x128xi32, #tpu.memory_space<vmem>> -> memref<128xi32, #tpu.memory_space<vmem>>
          %dma_wait3A_290 = arith.constant 0 : i32
          %dma_wait3A_291 = arith.constant 0 : i32
          %dma_wait3A_292 = tpu.memref_slice %arg2[%dma_wait3A_290, %dma_wait3A_291] : memref<8192x128xf32, #tpu.memory_space<hbm>> -> memref<8192x128xf32, #tpu.memory_space<hbm>>
          tpu.wait_indirect_dma semaphore(%run_scoped3A_264 : memref<!tpu.dma_semaphore, #tpu.memory_space<semaphore_mem>>) src(%dma_wait3A_292 : memref<8192x128xf32, #tpu.memory_space<hbm>>) dst(%dma_wait3A_282 : memref<128x128xf32, #tpu.memory_space<vmem>>)
          tpu.yield
        }) : () -> ()
        "tpu.trace_stop"() : () -> ()
        %ne3A_199 = arith.cmpi ne, %add3A_131, %add3A_149 : i32
        %or3A_200 = arith.constant false
        %or3A_201 = arith.ori %or3A_200, %ne3A_199 : i1
        %or3A_202 = arith.ori %or3A_201, %eq3A_130 : i1
        %convert_element_type3A_203 = arith.extui %or3A_202 : i1 to i32
        %cond3A_204 = arith.constant 0 : i32
        %cond3A_205 = arith.cmpi ne, %convert_element_type3A_203, %cond3A_204 : i32
        scf.if %cond3A_205 {
        } else {
        }
        %and3A_206 = arith.constant false
        %and3A_207 = arith.andi %or3A_202, %and3A_206 : i1
        %ne3A_208 = arith.cmpi ne, %add3A_131, %add3A_149 : i32
        %or3A_209 = arith.constant false
        %or3A_210 = arith.ori %or3A_209, %ne3A_208 : i1
        %or3A_211 = arith.constant false
        %or3A_212 = arith.ori %or3A_210, %or3A_211 : i1
        %or3A_213 = arith.ori %or3A_212, %eq3A_130 : i1
        %convert_element_type3A_214 = arith.extui %or3A_213 : i1 to i32
        %cond3A_215 = arith.constant 0 : i32
        %cond3A_216 = arith.cmpi ne, %convert_element_type3A_214, %cond3A_215 : i32
        scf.if %cond3A_216 {
          "tpu.trace_start"() <{level = 10 : i32, message = "ep_copy_out"}> : () -> ()
          %rem3A_264 = arith.constant 2 : i32
          %rem3A_265 = arith.remui %scan3A_124, %rem3A_264 : i32
          %mul3A_266 = arith.constant 128 : i32
          %mul3A_267 = arith.muli %mul3A_266, %add3A_131 : i32
          %dma_start3A_268 = arith.constant 0 : i32
          %dma_start3A_269 = arith.constant 0 : i32
          %dma_start3A_270 = tpu.memref_slice %run_scoped3A_8[%rem3A_265, %dma_start3A_268, %dma_start3A_269] : memref<2x128x128xf32, #tpu.memory_space<vmem>> -> memref<1x128x128xf32, #tpu.memory_space<vmem>>
          %dma_start3A_271 = tpu.memref_squeeze %dma_start3A_270 : memref<1x128x128xf32, #tpu.memory_space<vmem>> -> memref<128x128xf32, #tpu.memory_space<vmem>>
          %dma_start3A_272 = arith.constant 0 : i32
          %dma_start3A_273 = tpu.memref_slice %arg4[%mul3A_267, %dma_start3A_272] : memref<262144x128xf32, #tpu.memory_space<hbm>> -> memref<128x128xf32, #tpu.memory_space<hbm>>
          %dma_start3A_274 = tpu.memref_slice %run_scoped3A_9[%rem3A_265] : memref<2x!tpu.dma_semaphore, #tpu.memory_space<semaphore_mem>> -> memref<1x!tpu.dma_semaphore, #tpu.memory_space<semaphore_mem>>
          %dma_start3A_275 = tpu.memref_squeeze %dma_start3A_274 : memref<1x!tpu.dma_semaphore, #tpu.memory_space<semaphore_mem>> -> memref<!tpu.dma_semaphore, #tpu.memory_space<semaphore_mem>>
          %dma_start3A_276 = arith.constant 0 : i32
          %dma_start3A_277 = tpu.memref_slice %arg4[%mul3A_267, %dma_start3A_276] : memref<262144x128xf32, #tpu.memory_space<hbm>> -> memref<128x128xf32, #tpu.memory_space<hbm>>
          %dma_start3A_278 = arith.constant 0 : i32
          %dma_start3A_279 = arith.constant 0 : i32
          %dma_start3A_280 = tpu.memref_slice %run_scoped3A_8[%rem3A_265, %dma_start3A_278, %dma_start3A_279] : memref<2x128x128xf32, #tpu.memory_space<vmem>> -> memref<1x128x128xf32, #tpu.memory_space<vmem>>
          %dma_start3A_281 = tpu.memref_squeeze %dma_start3A_280 : memref<1x128x128xf32, #tpu.memory_space<vmem>> -> memref<128x128xf32, #tpu.memory_space<vmem>>
          tpu.enqueue_dma source(%dma_start3A_281 : memref<128x128xf32, #tpu.memory_space<vmem>>) target(%dma_start3A_277 : memref<128x128xf32, #tpu.memory_space<hbm>>) target_semaphore(%dma_start3A_275 : memref<!tpu.dma_semaphore, #tpu.memory_space<semaphore_mem>>)
          "tpu.trace_stop"() : () -> ()
        } else {
        }
        %and3A_217 = arith.constant true
        %and3A_218 = arith.andi %or3A_213, %and3A_217 : i1
        %add3A_219 = arith.constant 1 : i32
        %add3A_220 = arith.addi %scan3A_124, %add3A_219 : i32
        %select_n3A_221 = arith.select %and3A_218, %add3A_220, %scan3A_124 : i32
        %ne3A_222 = arith.cmpi ne, %add3A_131, %add3A_140 : i32
        %or3A_223 = arith.constant false
        %or3A_224 = arith.ori %or3A_223, %ne3A_222 : i1
        %not3A_225 = arith.constant true
        %not3A_226 = arith.xori %eq3A_128, %not3A_225 : i1
        %and3A_227 = arith.andi %or3A_224, %not3A_226 : i1
        %convert_element_type3A_228 = arith.extui %and3A_227 : i1 to i32
        %cond3A_229 = arith.constant 0 : i32
        %cond3A_230 = arith.cmpi ne, %convert_element_type3A_228, %cond3A_229 : i32
        scf.if %cond3A_230 {
        } else {
        }
        %and3A_231 = arith.constant false
        %and3A_232 = arith.andi %and3A_227, %and3A_231 : i1
        %ne3A_233 = arith.cmpi ne, %add3A_131, %add3A_140 : i32
        %or3A_234 = arith.constant false
        %or3A_235 = arith.ori %or3A_234, %ne3A_233 : i1
        %or3A_236 = arith.constant false
        %or3A_237 = arith.ori %or3A_235, %or3A_236 : i1
        %not3A_238 = arith.constant true
        %not3A_239 = arith.xori %eq3A_128, %not3A_238 : i1
        %and3A_240 = arith.andi %or3A_237, %not3A_239 : i1
        %convert_element_type3A_241 = arith.extui %and3A_240 : i1 to i32
        %cond3A_242 = arith.constant 0 : i32
        %cond3A_243 = arith.cmpi ne, %convert_element_type3A_241, %cond3A_242 : i32
        scf.if %cond3A_243 {
          "tpu.trace_start"() <{level = 10 : i32, message = "ep_wait_out"}> : () -> ()
          %rem3A_264 = arith.constant 2 : i32
          %rem3A_265 = arith.remui %scan3A_125, %rem3A_264 : i32
          %mul3A_266 = arith.constant 128 : i32
          %mul3A_267 = arith.muli %mul3A_266, %add3A_140 : i32
          %dma_wait3A_268 = arith.constant 0 : i32
          %dma_wait3A_269 = arith.constant 0 : i32
          %dma_wait3A_270 = tpu.memref_slice %run_scoped3A_8[%rem3A_265, %dma_wait3A_268, %dma_wait3A_269] : memref<2x128x128xf32, #tpu.memory_space<vmem>> -> memref<1x128x128xf32, #tpu.memory_space<vmem>>
          %dma_wait3A_271 = tpu.memref_squeeze %dma_wait3A_270 : memref<1x128x128xf32, #tpu.memory_space<vmem>> -> memref<128x128xf32, #tpu.memory_space<vmem>>
          %dma_wait3A_272 = arith.constant 0 : i32
          %dma_wait3A_273 = tpu.memref_slice %arg4[%mul3A_267, %dma_wait3A_272] : memref<262144x128xf32, #tpu.memory_space<hbm>> -> memref<128x128xf32, #tpu.memory_space<hbm>>
          %dma_wait3A_274 = tpu.memref_slice %run_scoped3A_9[%rem3A_265] : memref<2x!tpu.dma_semaphore, #tpu.memory_space<semaphore_mem>> -> memref<1x!tpu.dma_semaphore, #tpu.memory_space<semaphore_mem>>
          %dma_wait3A_275 = tpu.memref_squeeze %dma_wait3A_274 : memref<1x!tpu.dma_semaphore, #tpu.memory_space<semaphore_mem>> -> memref<!tpu.dma_semaphore, #tpu.memory_space<semaphore_mem>>
          %dma_wait3A_276 = arith.constant 0 : i32
          %dma_wait3A_277 = tpu.memref_slice %arg4[%mul3A_267, %dma_wait3A_276] : memref<262144x128xf32, #tpu.memory_space<hbm>> -> memref<128x128xf32, #tpu.memory_space<hbm>>
          %dma_wait3A_278 = arith.constant 0 : i32
          %dma_wait3A_279 = arith.constant 0 : i32
          %dma_wait3A_280 = tpu.memref_slice %run_scoped3A_8[%rem3A_265, %dma_wait3A_278, %dma_wait3A_279] : memref<2x128x128xf32, #tpu.memory_space<vmem>> -> memref<1x128x128xf32, #tpu.memory_space<vmem>>
          %dma_wait3A_281 = tpu.memref_squeeze %dma_wait3A_280 : memref<1x128x128xf32, #tpu.memory_space<vmem>> -> memref<128x128xf32, #tpu.memory_space<vmem>>
          tpu.wait_dma2 semaphore(%dma_wait3A_275 : memref<!tpu.dma_semaphore, #tpu.memory_space<semaphore_mem>>) src(%dma_wait3A_281 : memref<128x128xf32, #tpu.memory_space<vmem>>) dst(%dma_wait3A_277 : memref<128x128xf32, #tpu.memory_space<hbm>>)
          "tpu.trace_stop"() : () -> ()
        } else {
        }
        %and3A_244 = arith.constant true
        %and3A_245 = arith.andi %and3A_240, %and3A_244 : i1
        %add3A_246 = arith.constant 1 : i32
        %add3A_247 = arith.addi %scan3A_125, %add3A_246 : i32
        %select_n3A_248 = arith.select %and3A_245, %add3A_247, %scan3A_125 : i32
        %ne3A_249 = arith.cmpi ne, %add3A_131, %add3A_149 : i32
        %or3A_250 = arith.constant false
        %or3A_251 = arith.ori %or3A_250, %ne3A_249 : i1
        %or3A_252 = arith.ori %or3A_251, %eq3A_130 : i1
        %add3A_253 = arith.constant 1 : i32
        %add3A_254 = arith.addi %scan3A_123, %add3A_253 : i32
        %select_n3A_255 = arith.select %or3A_252, %add3A_254, %scan3A_123 : i32
        %add3A_256 = arith.constant 1 : i32
        %add3A_257 = arith.addi %scan3A_126, %add3A_256 : i32
        %select_n3A_258 = arith.constant true
        %select_n3A_259 = arith.select %select_n3A_258, %add3A_257, %scan3A_126 : i32
        %eq3A_260 = arith.constant 64 : i32
        %eq3A_261 = arith.cmpi eq, %select_n3A_259, %eq3A_260 : i32
        %select_n3A_262 = arith.constant 0 : i32
        %select_n3A_263 = arith.select %eq3A_261, %select_n3A_262, %select_n3A_259 : i32
        scf.yield %select_n3A_167, %select_n3A_255, %select_n3A_221, %select_n3A_248, %select_n3A_263 : i32, i32, i32, i32, i32
      }
      %scan3A_68 = arith.constant 64 : i32
      %sub3A = arith.constant 1 : i32
      %sub3A_69 = arith.subi %scan3A_67#4, %sub3A : i32
      %select_n3A_70 = arith.constant true
      %select_n3A_71 = arith.select %select_n3A_70, %sub3A_69, %scan3A_67#4 : i32
      %eq3A_72 = arith.constant -1 : i32
      %eq3A_73 = arith.cmpi eq, %select_n3A_71, %eq3A_72 : i32
      %select_n3A_74 = arith.constant 63 : i32
      %select_n3A_75 = arith.select %eq3A_73, %select_n3A_74, %select_n3A_71 : i32
      %add3A_76 = arith.addi %select_n3A_75, %mul3A_6 : i32
      %sub3A_77 = arith.constant 1 : i32
      %sub3A_78 = arith.subi %select_n3A_75, %sub3A_77 : i32
      %select_n3A_79 = arith.constant true
      %select_n3A_80 = arith.select %select_n3A_79, %sub3A_78, %select_n3A_75 : i32
      %eq3A_81 = arith.constant -1 : i32
      %eq3A_82 = arith.cmpi eq, %select_n3A_80, %eq3A_81 : i32
      %select_n3A_83 = arith.constant 63 : i32
      %select_n3A_84 = arith.select %eq3A_82, %select_n3A_83, %select_n3A_80 : i32
      %add3A_85 = arith.addi %select_n3A_84, %mul3A_6 : i32
      %add3A_86 = arith.constant 1 : i32
      %add3A_87 = arith.addi %select_n3A_75, %add3A_86 : i32
      %select_n3A_88 = arith.constant true
      %select_n3A_89 = arith.select %select_n3A_88, %add3A_87, %select_n3A_75 : i32
      %eq3A_90 = arith.constant 64 : i32
      %eq3A_91 = arith.cmpi eq, %select_n3A_89, %eq3A_90 : i32
      %select_n3A_92 = arith.constant 0 : i32
      %select_n3A_93 = arith.select %eq3A_91, %select_n3A_92, %select_n3A_89 : i32
      %add3A_94 = arith.addi %select_n3A_93, %mul3A_6 : i32
      %add3A_95 = arith.constant 1 : i32
      %add3A_96 = arith.addi %select_n3A_93, %add3A_95 : i32
      %select_n3A_97 = arith.constant true
      %select_n3A_98 = arith.select %select_n3A_97, %add3A_96, %select_n3A_93 : i32
      %eq3A_99 = arith.constant 64 : i32
      %eq3A_100 = arith.cmpi eq, %select_n3A_98, %eq3A_99 : i32
      %select_n3A_101 = arith.constant 0 : i32
      %select_n3A_102 = arith.select %eq3A_100, %select_n3A_101, %select_n3A_98 : i32
      %add3A_103 = arith.addi %select_n3A_102, %mul3A_6 : i32
      "tpu.trace_start"() <{level = 10 : i32, message = "ep_finalize"}> : () -> ()
      %rem3A_104 = arith.constant 2 : i32
      %rem3A_105 = arith.remui %scan3A_67#3, %rem3A_104 : i32
      %mul3A_106 = arith.constant 128 : i32
      %mul3A_107 = arith.muli %mul3A_106, %add3A_76 : i32
      %dma_wait3A = arith.constant 0 : i32
      %dma_wait3A_108 = arith.constant 0 : i32
      %dma_wait3A_109 = tpu.memref_slice %run_scoped3A_8[%rem3A_105, %dma_wait3A, %dma_wait3A_108] : memref<2x128x128xf32, #tpu.memory_space<vmem>> -> memref<1x128x128xf32, #tpu.memory_space<vmem>>
      %dma_wait3A_110 = tpu.memref_squeeze %dma_wait3A_109 : memref<1x128x128xf32, #tpu.memory_space<vmem>> -> memref<128x128xf32, #tpu.memory_space<vmem>>
      %dma_wait3A_111 = arith.constant 0 : i32
      %dma_wait3A_112 = tpu.memref_slice %arg4[%mul3A_107, %dma_wait3A_111] : memref<262144x128xf32, #tpu.memory_space<hbm>> -> memref<128x128xf32, #tpu.memory_space<hbm>>
      %dma_wait3A_113 = tpu.memref_slice %run_scoped3A_9[%rem3A_105] : memref<2x!tpu.dma_semaphore, #tpu.memory_space<semaphore_mem>> -> memref<1x!tpu.dma_semaphore, #tpu.memory_space<semaphore_mem>>
      %dma_wait3A_114 = tpu.memref_squeeze %dma_wait3A_113 : memref<1x!tpu.dma_semaphore, #tpu.memory_space<semaphore_mem>> -> memref<!tpu.dma_semaphore, #tpu.memory_space<semaphore_mem>>
      %dma_wait3A_115 = arith.constant 0 : i32
      %dma_wait3A_116 = tpu.memref_slice %arg4[%mul3A_107, %dma_wait3A_115] : memref<262144x128xf32, #tpu.memory_space<hbm>> -> memref<128x128xf32, #tpu.memory_space<hbm>>
      %dma_wait3A_117 = arith.constant 0 : i32
      %dma_wait3A_118 = arith.constant 0 : i32
      %dma_wait3A_119 = tpu.memref_slice %run_scoped3A_8[%rem3A_105, %dma_wait3A_117, %dma_wait3A_118] : memref<2x128x128xf32, #tpu.memory_space<vmem>> -> memref<1x128x128xf32, #tpu.memory_space<vmem>>
      %dma_wait3A_120 = tpu.memref_squeeze %dma_wait3A_119 : memref<1x128x128xf32, #tpu.memory_space<vmem>> -> memref<128x128xf32, #tpu.memory_space<vmem>>
      tpu.wait_dma2 semaphore(%dma_wait3A_114 : memref<!tpu.dma_semaphore, #tpu.memory_space<semaphore_mem>>) src(%dma_wait3A_120 : memref<128x128xf32, #tpu.memory_space<vmem>>) dst(%dma_wait3A_116 : memref<128x128xf32, #tpu.memory_space<hbm>>)
      "tpu.trace_stop"() : () -> ()
      tpu.yield
    }) : () -> ()
    return
  }
}

module attributes {stable_mosaic.version = 14 : i64} {
  func.func @_knn_body(%arg0: i32, %arg1: i32, %arg2: memref<1x256x3xf32, #tpu.memory_space<vmem>>, %arg3: memref<1x3x4096xf32, #tpu.memory_space<vmem>>, %arg4: memref<1x256x32xi32, #tpu.memory_space<vmem>>) attributes {dimension_semantics = [#tpu.dimension_semantics<arbitrary>, #tpu.dimension_semantics<arbitrary>], iteration_bounds = array<i64: 2, 16>, scalar_prefetch = 0 : i64, scratch_operands = 0 : i64, tpu.core_type = #tpu.core_type<tc>, window_params = [{transform_indices = @transform_0, window_bounds = array<i64: 1, 256, 3>}, {transform_indices = @transform_1, window_bounds = array<i64: 1, 3, 4096>}, {transform_indices = @transform_2, window_bounds = array<i64: 1, 256, 32>}]} {
    %get3A = arith.constant 0 : index
    %get3A_0 = arith.constant 0 : index
    %get3A_1 = arith.constant 0 : index
    %get3A_2 = vector.load %arg2[%get3A, %get3A_0, %get3A_1] : memref<1x256x3xf32, #tpu.memory_space<vmem>>, vector<1x256x3xf32>
    %get3A_3 = vector.shape_cast %get3A_2 : vector<1x256x3xf32> to vector<256x3xf32>
    %get3A_4 = arith.constant 0 : index
    %get3A_5 = arith.constant 0 : index
    %get3A_6 = arith.constant 0 : index
    %get3A_7 = vector.load %arg3[%get3A_4, %get3A_5, %get3A_6] : memref<1x3x4096xf32, #tpu.memory_space<vmem>>, vector<1x3x4096xf32>
    %get3A_8 = vector.shape_cast %get3A_7 : vector<1x3x4096xf32> to vector<3x4096xf32>
    %mul3A = arith.mulf %get3A_3, %get3A_3 : vector<256x3xf32>
    %reduce_sum3A = arith.constant dense<0.000000e+00> : vector<256xf32>
    %reduce_sum3A_9 = vector.multi_reduction <add>, %mul3A, %reduce_sum3A [1] : vector<256x3xf32> to vector<256xf32>
    %broadcast_in_dim3A = vector.shape_cast %reduce_sum3A_9 : vector<256xf32> to vector<256x1xf32>
    %mul3A_10 = arith.mulf %get3A_8, %get3A_8 : vector<3x4096xf32>
    %reduce_sum3A_11 = arith.constant dense<0.000000e+00> : vector<4096xf32>
    %reduce_sum3A_12 = vector.multi_reduction <add>, %mul3A_10, %reduce_sum3A_11 [0] : vector<3x4096xf32> to vector<4096xf32>
    %broadcast_in_dim3A_13 = vector.shape_cast %reduce_sum3A_12 : vector<4096xf32> to vector<1x4096xf32>
    %convert_element_type3A = arith.truncf %get3A_3 : vector<256x3xf32> to vector<256x3xbf16>
    %convert_element_type3A_14 = arith.truncf %get3A_8 : vector<3x4096xf32> to vector<3x4096xbf16>
    %dot_general3A = arith.constant dense<0.000000e+00> : vector<256x4096xf32>
    %dot_general3A_15 = tpu.matmul %convert_element_type3A, %convert_element_type3A_14, %dot_general3A {dimension_numbers = #tpu.dot_dimension_numbers<[1], [0], [0], [1], [0, 0, 1, 1], [], []>, transpose_lhs_hint = false} : vector<256x3xbf16>, vector<3x4096xbf16>, vector<256x4096xf32> -> vector<256x4096xf32>
    %add3A = vector.broadcast %broadcast_in_dim3A : vector<256x1xf32> to vector<256x4096xf32>
    %add3A_16 = vector.broadcast %broadcast_in_dim3A_13 : vector<1x4096xf32> to vector<256x4096xf32>
    %add3A_17 = arith.addf %add3A, %add3A_16 : vector<256x4096xf32>
    %mul3A_18 = arith.constant 2.000000e+00 : f32
    %mul3A_19 = vector.broadcast %mul3A_18 : f32 to vector<256x4096xf32>
    %mul3A_20 = arith.mulf %mul3A_19, %dot_general3A_15 : vector<256x4096xf32>
    %sub3A = arith.subf %add3A_17, %mul3A_20 : vector<256x4096xf32>
    %iota3A = tpu.iota {dimensions = array<i32: 1>} : vector<256x4096xi32>
    %iota3A_21 = tpu.iota {dimensions = array<i32: 1>} : vector<256x32xi32>
    %broadcast_in_dim3A_22 = arith.constant 0 : i32
    %broadcast_in_dim3A_23 = vector.broadcast %broadcast_in_dim3A_22 : i32 to vector<256x32xi32>
    %scan3A = arith.constant 0 : i32
    %scan3A_24 = arith.constant 32 : i32
    %scan3A_25 = arith.addi %scan3A, %scan3A_24 : i32
    %scan3A_26 = arith.constant 1 : i32
    %scan3A_27:2 = scf.for %scan3A_38 = %scan3A to %scan3A_25 step %scan3A_26 iter_args(%scan3A_39 = %sub3A, %scan3A_40 = %broadcast_in_dim3A_23) -> (vector<256x4096xf32>, vector<256x32xi32>)  : i32 {
      %reduce_min3A = arith.constant dense<0x7F800000> : vector<256xf32>
      %reduce_min3A_41 = vector.multi_reduction <minimumf>, %scan3A_39, %reduce_min3A [1] : vector<256x4096xf32> to vector<256xf32>
      %broadcast_in_dim3A_42 = vector.shape_cast %reduce_min3A_41 : vector<256xf32> to vector<256x1xf32>
      %eq3A = vector.broadcast %broadcast_in_dim3A_42 : vector<256x1xf32> to vector<256x4096xf32>
      %eq3A_43 = arith.cmpf oeq, %scan3A_39, %eq3A : vector<256x4096xf32>
      %jit3A = arith.constant 4096 : i32
      %broadcast_in_dim3A_44 = vector.broadcast %jit3A : i32 to vector<256x4096xi32>
      %select_n3A = arith.select %eq3A_43, %iota3A, %broadcast_in_dim3A_44 : vector<256x4096xi1>, vector<256x4096xi32>
      %reduce_min3A_45 = arith.constant dense<2147483647> : vector<256xi32>
      %reduce_min3A_46 = vector.multi_reduction <minsi>, %select_n3A, %reduce_min3A_45 [1] : vector<256x4096xi32> to vector<256xi32>
      %broadcast_in_dim3A_47 = vector.shape_cast %reduce_min3A_46 : vector<256xi32> to vector<256x1xi32>
      %eq3A_48 = vector.broadcast %scan3A_38 : i32 to vector<256x32xi32>
      %eq3A_49 = arith.cmpi eq, %iota3A_21, %eq3A_48 : vector<256x32xi32>
      %broadcast_in_dim3A_50 = vector.shape_cast %broadcast_in_dim3A_47 : vector<256x1xi32> to vector<256x1xi32>
      %broadcast_in_dim3A_51 = vector.broadcast %broadcast_in_dim3A_50 : vector<256x1xi32> to vector<256x32xi32>
      %select_n3A_52 = arith.select %eq3A_49, %broadcast_in_dim3A_51, %scan3A_40 : vector<256x32xi1>, vector<256x32xi32>
      %eq3A_53 = vector.broadcast %broadcast_in_dim3A_47 : vector<256x1xi32> to vector<256x4096xi32>
      %eq3A_54 = arith.cmpi eq, %iota3A, %eq3A_53 : vector<256x4096xi32>
      %jit3A_55 = arith.constant 0x7F800000 : f32
      %broadcast_in_dim3A_56 = vector.broadcast %jit3A_55 : f32 to vector<256x4096xf32>
      %select_n3A_57 = arith.select %eq3A_54, %broadcast_in_dim3A_56, %scan3A_39 : vector<256x4096xi1>, vector<256x4096xf32>
      scf.yield %select_n3A_57, %select_n3A_52 : vector<256x4096xf32>, vector<256x32xi32>
    }
    %scan3A_28 = arith.constant 32 : i32
    %mul3A_29 = arith.constant 4096 : i32
    %mul3A_30 = arith.muli %arg0, %mul3A_29 : i32
    %add3A_31 = vector.broadcast %mul3A_30 : i32 to vector<256x32xi32>
    %add3A_32 = arith.addi %scan3A_27#1, %add3A_31 : vector<256x32xi32>
    %swap3A = arith.constant 0 : index
    %swap3A_33 = arith.constant 0 : index
    %swap3A_34 = arith.constant 0 : index
    %swap3A_35 = vector.load %arg4[%swap3A, %swap3A_33, %swap3A_34] : memref<1x256x32xi32, #tpu.memory_space<vmem>>, vector<1x256x32xi32>
    %swap3A_36 = vector.shape_cast %swap3A_35 : vector<1x256x32xi32> to vector<256x32xi32>
    %swap3A_37 = vector.shape_cast %add3A_32 : vector<256x32xi32> to vector<1x256x32xi32>
    tpu.vector_store %arg4[%swap3A, %swap3A_33, %swap3A_34], %swap3A_37 {strides = array<i32>} : memref<1x256x32xi32, #tpu.memory_space<vmem>>, vector<1x256x32xi32>,
    return
  }
  func.func @transform_0(%arg0: i32, %arg1: i32) -> (i32, i32, i32) {
    %c0_i32 = arith.constant 0 : i32
    %c0_i32_0 = arith.constant 0 : i32
    return %arg0, %arg1, %c0_i32 : i32, i32, i32
  }
  func.func @transform_1(%arg0: i32, %arg1: i32) -> (i32, i32, i32) {
    %c0_i32 = arith.constant 0 : i32
    %c0_i32_0 = arith.constant 0 : i32
    %c0_i32_1 = arith.constant 0 : i32
    return %arg0, %c0_i32, %c0_i32_0 : i32, i32, i32
  }
  func.func @transform_2(%arg0: i32, %arg1: i32) -> (i32, i32, i32) {
    %c0_i32 = arith.constant 0 : i32
    %c0_i32_0 = arith.constant 0 : i32
    return %arg0, %arg1, %c0_i32 : i32, i32, i32
  }
}

module attributes {stable_mosaic.version = 14 : i64} {
  func.func @_l1p1_body(%arg0: i32, %arg1: i32, %arg2: memref<1x8192x128xf32, #tpu.memory_space<vmem>>, %arg3: memref<1x256x3xf32, #tpu.memory_space<vmem>>, %arg4: memref<6x16xf32, #tpu.memory_space<vmem>>, %arg5: memref<1x16x8192xf32, #tpu.memory_space<vmem>>, %arg6: memref<1x8x8192xf32, #tpu.memory_space<vmem>>, %arg7: memref<1x16x8xf32, #tpu.memory_space<vmem>>) attributes {dimension_semantics = [#tpu.dimension_semantics<arbitrary>, #tpu.dimension_semantics<arbitrary>], iteration_bounds = array<i64: 2, 16>, scalar_prefetch = 0 : i64, scratch_operands = 0 : i64, tpu.core_type = #tpu.core_type<tc>, window_params = [{transform_indices = @transform_0, window_bounds = array<i64: 1, 8192, 128>}, {transform_indices = @transform_1, window_bounds = array<i64: 1, 256, 3>}, {pipeline_mode = #tpu.pipeline_mode<synchronous>, transform_indices = @transform_2, window_bounds = array<i64: 6, 16>}, {transform_indices = @transform_3, window_bounds = array<i64: 1, 16, 8192>}, {transform_indices = @transform_4, window_bounds = array<i64: 1, 8, 8192>}, {transform_indices = @transform_5, window_bounds = array<i64: 1, 16, 8>}]} {
    %get3A = arith.constant 0 : index
    %get3A_0 = arith.constant 0 : index
    %get3A_1 = arith.constant 0 : index
    %get3A_2 = vector.load %arg2[%get3A, %get3A_0, %get3A_1] : memref<1x8192x128xf32, #tpu.memory_space<vmem>>, vector<1x8192x128xf32>
    %get3A_3 = vector.shape_cast %get3A_2 : vector<1x8192x128xf32> to vector<8192x128xf32>
    %get3A_4 = arith.constant 0 : index
    %get3A_5 = arith.constant 0 : index
    %get3A_6 = arith.constant 0 : index
    %get3A_7 = vector.load %arg3[%get3A_4, %get3A_5, %get3A_6] : memref<1x256x3xf32, #tpu.memory_space<vmem>>, vector<1x256x3xf32>
    %get3A_8 = vector.shape_cast %get3A_7 : vector<1x256x3xf32> to vector<256x3xf32>
    %slice3A = vector.extract_strided_slice %get3A_3 {offsets = [0, 0], sizes = [8192, 3], strides = [1, 1]} : vector<8192x128xf32> to vector<8192x3xf32>
    %reshape3A = vector.shape_cast %slice3A : vector<8192x3xf32> to vector<256x32x3xf32>
    %broadcast_in_dim3A = vector.shape_cast %get3A_8 : vector<256x3xf32> to vector<256x1x3xf32>
    %sub3A = vector.broadcast %broadcast_in_dim3A : vector<256x1x3xf32> to vector<256x32x3xf32>
    %sub3A_9 = arith.subf %reshape3A, %sub3A : vector<256x32x3xf32>
    %reshape3A_10 = vector.shape_cast %sub3A_9 : vector<256x32x3xf32> to vector<8192x3xf32>
    %transpose3A = tpu.transpose %reshape3A_10, [1, 0] : vector<8192x3xf32> -> vector<3x8192xf32>
    %get3A_11 = arith.constant 0 : index
    %get3A_12 = arith.constant 0 : index
    %get3A_13 = vector.load %arg4[%get3A_11, %get3A_12] : memref<6x16xf32, #tpu.memory_space<vmem>>, vector<3x16xf32>
    %slice3A_14 = vector.extract_strided_slice %get3A_3 {offsets = [0, 3], sizes = [8192, 3], strides = [1, 1]} : vector<8192x128xf32> to vector<8192x3xf32>
    %transpose3A_15 = tpu.transpose %slice3A_14, [1, 0] : vector<8192x3xf32> -> vector<3x8192xf32>
    %convert_element_type3A = arith.truncf %get3A_13 : vector<3x16xf32> to vector<3x16xbf16>
    %convert_element_type3A_16 = arith.truncf %transpose3A_15 : vector<3x8192xf32> to vector<3x8192xbf16>
    %dot_general3A = arith.constant dense<0.000000e+00> : vector<16x8192xf32>
    %dot_general3A_17 = tpu.matmul %convert_element_type3A, %convert_element_type3A_16, %dot_general3A {dimension_numbers = #tpu.dot_dimension_numbers<[0], [0], [1], [1], [0, 1, 1, 1], [], []>, transpose_lhs_hint = false} : vector<3x16xbf16>, vector<3x8192xbf16>, vector<16x8192xf32> -> vector<16x8192xf32>
    %get3A_18 = arith.constant 3 : index
    %get3A_19 = arith.constant 0 : index
    %get3A_20 = vector.load %arg4[%get3A_18, %get3A_19] : memref<6x16xf32, #tpu.memory_space<vmem>>, vector<3x16xf32>
    %convert_element_type3A_21 = arith.truncf %get3A_20 : vector<3x16xf32> to vector<3x16xbf16>
    %convert_element_type3A_22 = arith.truncf %transpose3A : vector<3x8192xf32> to vector<3x8192xbf16>
    %dot_general3A_23 = arith.constant dense<0.000000e+00> : vector<16x8192xf32>
    %dot_general3A_24 = tpu.matmul %convert_element_type3A_21, %convert_element_type3A_22, %dot_general3A_23 {dimension_numbers = #tpu.dot_dimension_numbers<[0], [0], [1], [1], [0, 1, 1, 1], [], []>, transpose_lhs_hint = false} : vector<3x16xbf16>, vector<3x8192xbf16>, vector<16x8192xf32> -> vector<16x8192xf32>
    %add3A = arith.addf %dot_general3A_17, %dot_general3A_24 : vector<16x8192xf32>
    %broadcast_in_dim3A_25 = arith.constant 0.000000e+00 : f32
    %broadcast_in_dim3A_26 = vector.broadcast %broadcast_in_dim3A_25 : f32 to vector<5x8192xf32>
    %concatenate3A = tpu.concatenate %transpose3A, %broadcast_in_dim3A_26 in 0 : vector<3x8192xf32>, vector<5x8192xf32> -> vector<8x8192xf32>
    %swap3A = arith.constant 0 : index
    %swap3A_27 = arith.constant 0 : index
    %swap3A_28 = arith.constant 0 : index
    %swap3A_29 = vector.load %arg6[%swap3A, %swap3A_27, %swap3A_28] : memref<1x8x8192xf32, #tpu.memory_space<vmem>>, vector<1x8x8192xf32>
    %swap3A_30 = vector.shape_cast %swap3A_29 : vector<1x8x8192xf32> to vector<8x8192xf32>
    %swap3A_31 = vector.shape_cast %concatenate3A : vector<8x8192xf32> to vector<1x8x8192xf32>
    tpu.vector_store %arg6[%swap3A, %swap3A_27, %swap3A_28], %swap3A_31 {strides = array<i32>} : memref<1x8x8192xf32, #tpu.memory_space<vmem>>, vector<1x8x8192xf32>,
    %swap3A_32 = arith.constant 0 : index
    %swap3A_33 = arith.constant 0 : index
    %swap3A_34 = arith.constant 0 : index
    %swap3A_35 = vector.load %arg5[%swap3A_32, %swap3A_33, %swap3A_34] : memref<1x16x8192xf32, #tpu.memory_space<vmem>>, vector<1x16x8192xf32>
    %swap3A_36 = vector.shape_cast %swap3A_35 : vector<1x16x8192xf32> to vector<16x8192xf32>
    %swap3A_37 = vector.shape_cast %add3A : vector<16x8192xf32> to vector<1x16x8192xf32>
    tpu.vector_store %arg5[%swap3A_32, %swap3A_33, %swap3A_34], %swap3A_37 {strides = array<i32>} : memref<1x16x8192xf32, #tpu.memory_space<vmem>>, vector<1x16x8192xf32>,
    %eq3A = arith.constant 0 : i32
    %eq3A_38 = arith.cmpi eq, %arg1, %eq3A : i32
    %convert_element_type3A_39 = arith.extui %eq3A_38 : i1 to i32
    %cond3A = arith.constant 0 : i32
    %cond3A_40 = arith.cmpi ne, %convert_element_type3A_39, %cond3A : i32
    scf.if %cond3A_40 {
      %broadcast_in_dim3A_70 = arith.constant 0.000000e+00 : f32
      %broadcast_in_dim3A_71 = vector.broadcast %broadcast_in_dim3A_70 : f32 to vector<1x16x8xf32>
      %swap3A_72 = arith.constant 0 : index
      %swap3A_73 = arith.constant 0 : index
      %swap3A_74 = arith.constant 0 : index
      %swap3A_75 = vector.load %arg7[%swap3A_72, %swap3A_73, %swap3A_74] : memref<1x16x8xf32, #tpu.memory_space<vmem>>, vector<1x16x8xf32>
      tpu.vector_store %arg7[%swap3A_72, %swap3A_73, %swap3A_74], %broadcast_in_dim3A_71 {strides = array<i32>} : memref<1x16x8xf32, #tpu.memory_space<vmem>>, vector<1x16x8xf32>,
    } else {
    }
    %get3A_41 = arith.constant 0 : index
    %get3A_42 = arith.constant 0 : index
    %get3A_43 = arith.constant 0 : index
    %get3A_44 = vector.load %arg7[%get3A_41, %get3A_42, %get3A_43] : memref<1x16x8xf32, #tpu.memory_space<vmem>>, vector<1x16x1xf32>
    %get3A_45 = vector.shape_cast %get3A_44 : vector<1x16x1xf32> to vector<16x1xf32>
    %reduce_sum3A = arith.constant dense<0.000000e+00> : vector<16xf32>
    %reduce_sum3A_46 = vector.multi_reduction <add>, %add3A, %reduce_sum3A [1] : vector<16x8192xf32> to vector<16xf32>
    %broadcast_in_dim3A_47 = vector.shape_cast %reduce_sum3A_46 : vector<16xf32> to vector<16x1xf32>
    %add3A_48 = arith.addf %get3A_45, %broadcast_in_dim3A_47 : vector<16x1xf32>
    %swap3A_49 = arith.constant 0 : index
    %swap3A_50 = arith.constant 0 : index
    %swap3A_51 = arith.constant 0 : index
    %swap3A_52 = vector.load %arg7[%swap3A_49, %swap3A_50, %swap3A_51] : memref<1x16x8xf32, #tpu.memory_space<vmem>>, vector<1x16x1xf32>
    %swap3A_53 = vector.shape_cast %swap3A_52 : vector<1x16x1xf32> to vector<16x1xf32>
    %swap3A_54 = vector.shape_cast %add3A_48 : vector<16x1xf32> to vector<1x16x1xf32>
    tpu.vector_store %arg7[%swap3A_49, %swap3A_50, %swap3A_51], %swap3A_54 {strides = array<i32>} : memref<1x16x8xf32, #tpu.memory_space<vmem>>, vector<1x16x1xf32>,
    %get3A_55 = arith.constant 0 : index
    %get3A_56 = arith.constant 0 : index
    %get3A_57 = arith.constant 1 : index
    %get3A_58 = vector.load %arg7[%get3A_55, %get3A_56, %get3A_57] : memref<1x16x8xf32, #tpu.memory_space<vmem>>, vector<1x16x1xf32>
    %get3A_59 = vector.shape_cast %get3A_58 : vector<1x16x1xf32> to vector<16x1xf32>
    %mul3A = arith.mulf %add3A, %add3A : vector<16x8192xf32>
    %reduce_sum3A_60 = arith.constant dense<0.000000e+00> : vector<16xf32>
    %reduce_sum3A_61 = vector.multi_reduction <add>, %mul3A, %reduce_sum3A_60 [1] : vector<16x8192xf32> to vector<16xf32>
    %broadcast_in_dim3A_62 = vector.shape_cast %reduce_sum3A_61 : vector<16xf32> to vector<16x1xf32>
    %add3A_63 = arith.addf %get3A_59, %broadcast_in_dim3A_62 : vector<16x1xf32>
    %swap3A_64 = arith.constant 0 : index
    %swap3A_65 = arith.constant 0 : index
    %swap3A_66 = arith.constant 1 : index
    %swap3A_67 = vector.load %arg7[%swap3A_64, %swap3A_65, %swap3A_66] : memref<1x16x8xf32, #tpu.memory_space<vmem>>, vector<1x16x1xf32>
    %swap3A_68 = vector.shape_cast %swap3A_67 : vector<1x16x1xf32> to vector<16x1xf32>
    %swap3A_69 = vector.shape_cast %add3A_63 : vector<16x1xf32> to vector<1x16x1xf32>
    tpu.vector_store %arg7[%swap3A_64, %swap3A_65, %swap3A_66], %swap3A_69 {strides = array<i32>} : memref<1x16x8xf32, #tpu.memory_space<vmem>>, vector<1x16x1xf32>,
    return
  }
  func.func @transform_0(%arg0: i32, %arg1: i32) -> (i32, i32, i32) {
    %c0_i32 = arith.constant 0 : i32
    %c0_i32_0 = arith.constant 0 : i32
    return %arg0, %arg1, %c0_i32 : i32, i32, i32
  }
  func.func @transform_1(%arg0: i32, %arg1: i32) -> (i32, i32, i32) {
    %c0_i32 = arith.constant 0 : i32
    %c0_i32_0 = arith.constant 0 : i32
    return %arg0, %arg1, %c0_i32 : i32, i32, i32
  }
  func.func @transform_2(%arg0: i32, %arg1: i32) -> (i32, i32) {
    %c0_i32 = arith.constant 0 : i32
    %c0_i32_0 = arith.constant 0 : i32
    %c0_i32_1 = arith.constant 0 : i32
    return %c0_i32, %c0_i32_0 : i32, i32
  }
  func.func @transform_3(%arg0: i32, %arg1: i32) -> (i32, i32, i32) {
    %c0_i32 = arith.constant 0 : i32
    %c0_i32_0 = arith.constant 0 : i32
    return %arg0, %c0_i32, %arg1 : i32, i32, i32
  }
  func.func @transform_4(%arg0: i32, %arg1: i32) -> (i32, i32, i32) {
    %c0_i32 = arith.constant 0 : i32
    %c0_i32_0 = arith.constant 0 : i32
    return %arg0, %c0_i32, %arg1 : i32, i32, i32
  }
  func.func @transform_5(%arg0: i32, %arg1: i32) -> (i32, i32, i32) {
    %c0_i32 = arith.constant 0 : i32
    %c0_i32_0 = arith.constant 0 : i32
    %c0_i32_1 = arith.constant 0 : i32
    return %arg0, %c0_i32, %c0_i32_0 : i32, i32, i32
  }
}

module attributes {stable_mosaic.version = 14 : i64} {
  func.func @_mid_body(%arg0: i32, %arg1: i32, %arg2: memref<1x16x8192xf32, #tpu.memory_space<vmem>>, %arg3: memref<1x16x8xf32, #tpu.memory_space<vmem>>, %arg4: memref<16x16xf32, #tpu.memory_space<vmem>>, %arg5: memref<1x16x8192xf32, #tpu.memory_space<vmem>>, %arg6: memref<1x16x8xf32, #tpu.memory_space<vmem>>) attributes {dimension_semantics = [#tpu.dimension_semantics<arbitrary>, #tpu.dimension_semantics<arbitrary>], iteration_bounds = array<i64: 2, 16>, scalar_prefetch = 0 : i64, scratch_operands = 0 : i64, tpu.core_type = #tpu.core_type<tc>, window_params = [{transform_indices = @transform_0, window_bounds = array<i64: 1, 16, 8192>}, {transform_indices = @transform_1, window_bounds = array<i64: 1, 16, 8>}, {pipeline_mode = #tpu.pipeline_mode<synchronous>, transform_indices = @transform_2, window_bounds = array<i64: 16, 16>}, {transform_indices = @transform_3, window_bounds = array<i64: 1, 16, 8192>}, {transform_indices = @transform_4, window_bounds = array<i64: 1, 16, 8>}]} {
    %get3A = arith.constant 0 : index
    %get3A_0 = arith.constant 0 : index
    %get3A_1 = arith.constant 0 : index
    %get3A_2 = vector.load %arg2[%get3A, %get3A_0, %get3A_1] : memref<1x16x8192xf32, #tpu.memory_space<vmem>>, vector<1x16x8192xf32>
    %get3A_3 = vector.shape_cast %get3A_2 : vector<1x16x8192xf32> to vector<16x8192xf32>
    %get3A_4 = arith.constant 0 : index
    %get3A_5 = arith.constant 0 : index
    %get3A_6 = arith.constant 0 : index
    %get3A_7 = vector.load %arg3[%get3A_4, %get3A_5, %get3A_6] : memref<1x16x8xf32, #tpu.memory_space<vmem>>, vector<1x16x8xf32>
    %get3A_8 = vector.shape_cast %get3A_7 : vector<1x16x8xf32> to vector<16x8xf32>
    %slice3A = vector.extract_strided_slice %get3A_8 {offsets = [0, 0], sizes = [16, 1], strides = [1, 1]} : vector<16x8xf32> to vector<16x1xf32>
    %mul3A = vector.broadcast %slice3A : vector<16x1xf32> to vector<16x8192xf32>
    %mul3A_9 = arith.mulf %get3A_3, %mul3A : vector<16x8192xf32>
    %get3A_10 = arith.constant 0 : index
    %get3A_11 = arith.constant 0 : index
    %get3A_12 = arith.constant 0 : index
    %get3A_13 = vector.load %arg3[%get3A_10, %get3A_11, %get3A_12] : memref<1x16x8xf32, #tpu.memory_space<vmem>>, vector<1x16x8xf32>
    %get3A_14 = vector.shape_cast %get3A_13 : vector<1x16x8xf32> to vector<16x8xf32>
    %slice3A_15 = vector.extract_strided_slice %get3A_14 {offsets = [0, 1], sizes = [16, 1], strides = [1, 1]} : vector<16x8xf32> to vector<16x1xf32>
    %add3A = vector.broadcast %slice3A_15 : vector<16x1xf32> to vector<16x8192xf32>
    %add3A_16 = arith.addf %mul3A_9, %add3A : vector<16x8192xf32>
    %ge3A = arith.constant 0.000000e+00 : f32
    %ge3A_17 = vector.broadcast %ge3A : f32 to vector<16x8192xf32>
    %ge3A_18 = arith.cmpf oge, %add3A_16, %ge3A_17 : vector<16x8192xf32>
    %mul3A_19 = arith.constant 1.000000e-01 : f32
    %mul3A_20 = vector.broadcast %mul3A_19 : f32 to vector<16x8192xf32>
    %mul3A_21 = arith.mulf %mul3A_20, %add3A_16 : vector<16x8192xf32>
    %select_n3A = arith.select %ge3A_18, %add3A_16, %mul3A_21 : vector<16x8192xi1>, vector<16x8192xf32>
    %get3A_22 = arith.constant 0 : index
    %get3A_23 = arith.constant 0 : index
    %get3A_24 = vector.load %arg4[%get3A_22, %get3A_23] : memref<16x16xf32, #tpu.memory_space<vmem>>, vector<16x16xf32>
    %convert_element_type3A = arith.truncf %get3A_24 : vector<16x16xf32> to vector<16x16xbf16>
    %convert_element_type3A_25 = arith.truncf %select_n3A : vector<16x8192xf32> to vector<16x8192xbf16>
    %dot_general3A = arith.constant dense<0.000000e+00> : vector<16x8192xf32>
    %dot_general3A_26 = tpu.matmul %convert_element_type3A, %convert_element_type3A_25, %dot_general3A {dimension_numbers = #tpu.dot_dimension_numbers<[0], [0], [1], [1], [0, 1, 1, 1], [], []>, transpose_lhs_hint = false} : vector<16x16xbf16>, vector<16x8192xbf16>, vector<16x8192xf32> -> vector<16x8192xf32>
    %eq3A = arith.constant 0 : i32
    %eq3A_27 = arith.cmpi eq, %arg1, %eq3A : i32
    %convert_element_type3A_28 = arith.extui %eq3A_27 : i1 to i32
    %cond3A = arith.constant 0 : i32
    %cond3A_29 = arith.cmpi ne, %convert_element_type3A_28, %cond3A : i32
    scf.if %cond3A_29 {
      %broadcast_in_dim3A_64 = arith.constant 0.000000e+00 : f32
      %broadcast_in_dim3A_65 = vector.broadcast %broadcast_in_dim3A_64 : f32 to vector<1x16x8xf32>
      %swap3A_66 = arith.constant 0 : index
      %swap3A_67 = arith.constant 0 : index
      %swap3A_68 = arith.constant 0 : index
      %swap3A_69 = vector.load %arg6[%swap3A_66, %swap3A_67, %swap3A_68] : memref<1x16x8xf32, #tpu.memory_space<vmem>>, vector<1x16x8xf32>
      tpu.vector_store %arg6[%swap3A_66, %swap3A_67, %swap3A_68], %broadcast_in_dim3A_65 {strides = array<i32>} : memref<1x16x8xf32, #tpu.memory_space<vmem>>, vector<1x16x8xf32>,
    } else {
    }
    %get3A_30 = arith.constant 0 : index
    %get3A_31 = arith.constant 0 : index
    %get3A_32 = arith.constant 0 : index
    %get3A_33 = vector.load %arg6[%get3A_30, %get3A_31, %get3A_32] : memref<1x16x8xf32, #tpu.memory_space<vmem>>, vector<1x16x1xf32>
    %get3A_34 = vector.shape_cast %get3A_33 : vector<1x16x1xf32> to vector<16x1xf32>
    %reduce_sum3A = arith.constant dense<0.000000e+00> : vector<16xf32>
    %reduce_sum3A_35 = vector.multi_reduction <add>, %dot_general3A_26, %reduce_sum3A [1] : vector<16x8192xf32> to vector<16xf32>
    %broadcast_in_dim3A = vector.shape_cast %reduce_sum3A_35 : vector<16xf32> to vector<16x1xf32>
    %add3A_36 = arith.addf %get3A_34, %broadcast_in_dim3A : vector<16x1xf32>
    %swap3A = arith.constant 0 : index
    %swap3A_37 = arith.constant 0 : index
    %swap3A_38 = arith.constant 0 : index
    %swap3A_39 = vector.load %arg6[%swap3A, %swap3A_37, %swap3A_38] : memref<1x16x8xf32, #tpu.memory_space<vmem>>, vector<1x16x1xf32>
    %swap3A_40 = vector.shape_cast %swap3A_39 : vector<1x16x1xf32> to vector<16x1xf32>
    %swap3A_41 = vector.shape_cast %add3A_36 : vector<16x1xf32> to vector<1x16x1xf32>
    tpu.vector_store %arg6[%swap3A, %swap3A_37, %swap3A_38], %swap3A_41 {strides = array<i32>} : memref<1x16x8xf32, #tpu.memory_space<vmem>>, vector<1x16x1xf32>,
    %get3A_42 = arith.constant 0 : index
    %get3A_43 = arith.constant 0 : index
    %get3A_44 = arith.constant 1 : index
    %get3A_45 = vector.load %arg6[%get3A_42, %get3A_43, %get3A_44] : memref<1x16x8xf32, #tpu.memory_space<vmem>>, vector<1x16x1xf32>
    %get3A_46 = vector.shape_cast %get3A_45 : vector<1x16x1xf32> to vector<16x1xf32>
    %mul3A_47 = arith.mulf %dot_general3A_26, %dot_general3A_26 : vector<16x8192xf32>
    %reduce_sum3A_48 = arith.constant dense<0.000000e+00> : vector<16xf32>
    %reduce_sum3A_49 = vector.multi_reduction <add>, %mul3A_47, %reduce_sum3A_48 [1] : vector<16x8192xf32> to vector<16xf32>
    %broadcast_in_dim3A_50 = vector.shape_cast %reduce_sum3A_49 : vector<16xf32> to vector<16x1xf32>
    %add3A_51 = arith.addf %get3A_46, %broadcast_in_dim3A_50 : vector<16x1xf32>
    %swap3A_52 = arith.constant 0 : index
    %swap3A_53 = arith.constant 0 : index
    %swap3A_54 = arith.constant 1 : index
    %swap3A_55 = vector.load %arg6[%swap3A_52, %swap3A_53, %swap3A_54] : memref<1x16x8xf32, #tpu.memory_space<vmem>>, vector<1x16x1xf32>
    %swap3A_56 = vector.shape_cast %swap3A_55 : vector<1x16x1xf32> to vector<16x1xf32>
    %swap3A_57 = vector.shape_cast %add3A_51 : vector<16x1xf32> to vector<1x16x1xf32>
    tpu.vector_store %arg6[%swap3A_52, %swap3A_53, %swap3A_54], %swap3A_57 {strides = array<i32>} : memref<1x16x8xf32, #tpu.memory_space<vmem>>, vector<1x16x1xf32>,
    %swap3A_58 = arith.constant 0 : index
    %swap3A_59 = arith.constant 0 : index
    %swap3A_60 = arith.constant 0 : index
    %swap3A_61 = vector.load %arg5[%swap3A_58, %swap3A_59, %swap3A_60] : memref<1x16x8192xf32, #tpu.memory_space<vmem>>, vector<1x16x8192xf32>
    %swap3A_62 = vector.shape_cast %swap3A_61 : vector<1x16x8192xf32> to vector<16x8192xf32>
    %swap3A_63 = vector.shape_cast %dot_general3A_26 : vector<16x8192xf32> to vector<1x16x8192xf32>
    tpu.vector_store %arg5[%swap3A_58, %swap3A_59, %swap3A_60], %swap3A_63 {strides = array<i32>} : memref<1x16x8192xf32, #tpu.memory_space<vmem>>, vector<1x16x8192xf32>,
    return
  }
  func.func @transform_0(%arg0: i32, %arg1: i32) -> (i32, i32, i32) {
    %c0_i32 = arith.constant 0 : i32
    %c0_i32_0 = arith.constant 0 : i32
    return %arg0, %c0_i32, %arg1 : i32, i32, i32
  }
  func.func @transform_1(%arg0: i32, %arg1: i32) -> (i32, i32, i32) {
    %c0_i32 = arith.constant 0 : i32
    %c0_i32_0 = arith.constant 0 : i32
    %c0_i32_1 = arith.constant 0 : i32
    return %arg0, %c0_i32, %c0_i32_0 : i32, i32, i32
  }
  func.func @transform_2(%arg0: i32, %arg1: i32) -> (i32, i32) {
    %c0_i32 = arith.constant 0 : i32
    %c0_i32_0 = arith.constant 0 : i32
    %c0_i32_1 = arith.constant 0 : i32
    return %c0_i32, %c0_i32_0 : i32, i32
  }
  func.func @transform_3(%arg0: i32, %arg1: i32) -> (i32, i32, i32) {
    %c0_i32 = arith.constant 0 : i32
    %c0_i32_0 = arith.constant 0 : i32
    return %arg0, %c0_i32, %arg1 : i32, i32, i32
  }
  func.func @transform_4(%arg0: i32, %arg1: i32) -> (i32, i32, i32) {
    %c0_i32 = arith.constant 0 : i32
    %c0_i32_0 = arith.constant 0 : i32
    %c0_i32_1 = arith.constant 0 : i32
    return %arg0, %c0_i32, %c0_i32_0 : i32, i32, i32
  }
}

module attributes {stable_mosaic.version = 14 : i64} {
  func.func @_mid_body(%arg0: i32, %arg1: i32, %arg2: memref<1x16x8192xf32, #tpu.memory_space<vmem>>, %arg3: memref<1x16x8xf32, #tpu.memory_space<vmem>>, %arg4: memref<16x32xf32, #tpu.memory_space<vmem>>, %arg5: memref<1x256x128xf32, #tpu.memory_space<vmem>>, %arg6: memref<1x8x32xf32, #tpu.memory_space<vmem>>) attributes {dimension_semantics = [#tpu.dimension_semantics<arbitrary>, #tpu.dimension_semantics<arbitrary>], iteration_bounds = array<i64: 2, 16>, scalar_prefetch = 0 : i64, scratch_operands = 0 : i64, tpu.core_type = #tpu.core_type<tc>, window_params = [{transform_indices = @transform_0, window_bounds = array<i64: 1, 16, 8192>}, {transform_indices = @transform_1, window_bounds = array<i64: 1, 16, 8>}, {pipeline_mode = #tpu.pipeline_mode<synchronous>, transform_indices = @transform_2, window_bounds = array<i64: 16, 32>}, {transform_indices = @transform_3, window_bounds = array<i64: 1, 256, 128>}, {transform_indices = @transform_4, window_bounds = array<i64: 1, 8, 32>}]} {
    %get3A = arith.constant 0 : index
    %get3A_0 = arith.constant 0 : index
    %get3A_1 = arith.constant 0 : index
    %get3A_2 = vector.load %arg2[%get3A, %get3A_0, %get3A_1] : memref<1x16x8192xf32, #tpu.memory_space<vmem>>, vector<1x16x8192xf32>
    %get3A_3 = vector.shape_cast %get3A_2 : vector<1x16x8192xf32> to vector<16x8192xf32>
    %get3A_4 = arith.constant 0 : index
    %get3A_5 = arith.constant 0 : index
    %get3A_6 = arith.constant 0 : index
    %get3A_7 = vector.load %arg3[%get3A_4, %get3A_5, %get3A_6] : memref<1x16x8xf32, #tpu.memory_space<vmem>>, vector<1x16x8xf32>
    %get3A_8 = vector.shape_cast %get3A_7 : vector<1x16x8xf32> to vector<16x8xf32>
    %slice3A = vector.extract_strided_slice %get3A_8 {offsets = [0, 0], sizes = [16, 1], strides = [1, 1]} : vector<16x8xf32> to vector<16x1xf32>
    %mul3A = vector.broadcast %slice3A : vector<16x1xf32> to vector<16x8192xf32>
    %mul3A_9 = arith.mulf %get3A_3, %mul3A : vector<16x8192xf32>
    %get3A_10 = arith.constant 0 : index
    %get3A_11 = arith.constant 0 : index
    %get3A_12 = arith.constant 0 : index
    %get3A_13 = vector.load %arg3[%get3A_10, %get3A_11, %get3A_12] : memref<1x16x8xf32, #tpu.memory_space<vmem>>, vector<1x16x8xf32>
    %get3A_14 = vector.shape_cast %get3A_13 : vector<1x16x8xf32> to vector<16x8xf32>
    %slice3A_15 = vector.extract_strided_slice %get3A_14 {offsets = [0, 1], sizes = [16, 1], strides = [1, 1]} : vector<16x8xf32> to vector<16x1xf32>
    %add3A = vector.broadcast %slice3A_15 : vector<16x1xf32> to vector<16x8192xf32>
    %add3A_16 = arith.addf %mul3A_9, %add3A : vector<16x8192xf32>
    %ge3A = arith.constant 0.000000e+00 : f32
    %ge3A_17 = vector.broadcast %ge3A : f32 to vector<16x8192xf32>
    %ge3A_18 = arith.cmpf oge, %add3A_16, %ge3A_17 : vector<16x8192xf32>
    %mul3A_19 = arith.constant 1.000000e-01 : f32
    %mul3A_20 = vector.broadcast %mul3A_19 : f32 to vector<16x8192xf32>
    %mul3A_21 = arith.mulf %mul3A_20, %add3A_16 : vector<16x8192xf32>
    %select_n3A = arith.select %ge3A_18, %add3A_16, %mul3A_21 : vector<16x8192xi1>, vector<16x8192xf32>
    %convert_element_type3A = arith.truncf %select_n3A : vector<16x8192xf32> to vector<16x8192xbf16>
    %get3A_22 = arith.constant 0 : index
    %get3A_23 = arith.constant 0 : index
    %get3A_24 = vector.load %arg4[%get3A_22, %get3A_23] : memref<16x32xf32, #tpu.memory_space<vmem>>, vector<16x32xf32>
    %convert_element_type3A_25 = arith.truncf %get3A_24 : vector<16x32xf32> to vector<16x32xbf16>
    %dot_general3A = arith.constant dense<0.000000e+00> : vector<8192x32xf32>
    %dot_general3A_26 = tpu.matmul %convert_element_type3A, %convert_element_type3A_25, %dot_general3A {dimension_numbers = #tpu.dot_dimension_numbers<[0], [0], [1], [1], [0, 1, 1, 1], [], []>, transpose_lhs_hint = false} : vector<16x8192xbf16>, vector<16x32xbf16>, vector<8192x32xf32> -> vector<8192x32xf32>
    %eq3A = arith.constant 0 : i32
    %eq3A_27 = arith.cmpi eq, %arg1, %eq3A : i32
    %convert_element_type3A_28 = arith.extui %eq3A_27 : i1 to i32
    %cond3A = arith.constant 0 : i32
    %cond3A_29 = arith.cmpi ne, %convert_element_type3A_28, %cond3A : i32
    scf.if %cond3A_29 {
      %broadcast_in_dim3A_67 = arith.constant 0.000000e+00 : f32
      %broadcast_in_dim3A_68 = vector.broadcast %broadcast_in_dim3A_67 : f32 to vector<1x8x32xf32>
      %swap3A_69 = arith.constant 0 : index
      %swap3A_70 = arith.constant 0 : index
      %swap3A_71 = arith.constant 0 : index
      %swap3A_72 = vector.load %arg6[%swap3A_69, %swap3A_70, %swap3A_71] : memref<1x8x32xf32, #tpu.memory_space<vmem>>, vector<1x8x32xf32>
      tpu.vector_store %arg6[%swap3A_69, %swap3A_70, %swap3A_71], %broadcast_in_dim3A_68 {strides = array<i32>} : memref<1x8x32xf32, #tpu.memory_space<vmem>>, vector<1x8x32xf32>,
    } else {
    }
    %get3A_30 = arith.constant 0 : index
    %get3A_31 = arith.constant 0 : index
    %get3A_32 = arith.constant 0 : index
    %get3A_33 = vector.load %arg6[%get3A_30, %get3A_31, %get3A_32] : memref<1x8x32xf32, #tpu.memory_space<vmem>>, vector<1x1x32xf32>
    %get3A_34 = vector.shape_cast %get3A_33 : vector<1x1x32xf32> to vector<1x32xf32>
    %reduce_sum3A = arith.constant dense<0.000000e+00> : vector<32xf32>
    %reduce_sum3A_35 = vector.multi_reduction <add>, %dot_general3A_26, %reduce_sum3A [0] : vector<8192x32xf32> to vector<32xf32>
    %broadcast_in_dim3A = vector.shape_cast %reduce_sum3A_35 : vector<32xf32> to vector<1x32xf32>
    %add3A_36 = arith.addf %get3A_34, %broadcast_in_dim3A : vector<1x32xf32>
    %swap3A = arith.constant 0 : index
    %swap3A_37 = arith.constant 0 : index
    %swap3A_38 = arith.constant 0 : index
    %swap3A_39 = vector.load %arg6[%swap3A, %swap3A_37, %swap3A_38] : memref<1x8x32xf32, #tpu.memory_space<vmem>>, vector<1x1x32xf32>
    %swap3A_40 = vector.shape_cast %swap3A_39 : vector<1x1x32xf32> to vector<1x32xf32>
    %swap3A_41 = vector.shape_cast %add3A_36 : vector<1x32xf32> to vector<1x1x32xf32>
    tpu.vector_store %arg6[%swap3A, %swap3A_37, %swap3A_38], %swap3A_41 {strides = array<i32>} : memref<1x8x32xf32, #tpu.memory_space<vmem>>, vector<1x1x32xf32>,
    %get3A_42 = arith.constant 0 : index
    %get3A_43 = arith.constant 1 : index
    %get3A_44 = arith.constant 0 : index
    %get3A_45 = vector.load %arg6[%get3A_42, %get3A_43, %get3A_44] : memref<1x8x32xf32, #tpu.memory_space<vmem>>, vector<1x1x32xf32>
    %get3A_46 = vector.shape_cast %get3A_45 : vector<1x1x32xf32> to vector<1x32xf32>
    %mul3A_47 = arith.mulf %dot_general3A_26, %dot_general3A_26 : vector<8192x32xf32>
    %reduce_sum3A_48 = arith.constant dense<0.000000e+00> : vector<32xf32>
    %reduce_sum3A_49 = vector.multi_reduction <add>, %mul3A_47, %reduce_sum3A_48 [0] : vector<8192x32xf32> to vector<32xf32>
    %broadcast_in_dim3A_50 = vector.shape_cast %reduce_sum3A_49 : vector<32xf32> to vector<1x32xf32>
    %add3A_51 = arith.addf %get3A_46, %broadcast_in_dim3A_50 : vector<1x32xf32>
    %swap3A_52 = arith.constant 0 : index
    %swap3A_53 = arith.constant 1 : index
    %swap3A_54 = arith.constant 0 : index
    %swap3A_55 = vector.load %arg6[%swap3A_52, %swap3A_53, %swap3A_54] : memref<1x8x32xf32, #tpu.memory_space<vmem>>, vector<1x1x32xf32>
    %swap3A_56 = vector.shape_cast %swap3A_55 : vector<1x1x32xf32> to vector<1x32xf32>
    %swap3A_57 = vector.shape_cast %add3A_51 : vector<1x32xf32> to vector<1x1x32xf32>
    tpu.vector_store %arg6[%swap3A_52, %swap3A_53, %swap3A_54], %swap3A_57 {strides = array<i32>} : memref<1x8x32xf32, #tpu.memory_space<vmem>>, vector<1x1x32xf32>,
    %reshape3A = vector.shape_cast %dot_general3A_26 : vector<8192x32xf32> to vector<256x32x32xf32>
    %reduce_max3A = arith.constant dense<0xFF800000> : vector<256x32xf32>
    %reduce_max3A_58 = vector.multi_reduction <maximumf>, %reshape3A, %reduce_max3A [1] : vector<256x32x32xf32> to vector<256x32xf32>
    %broadcast_in_dim3A_59 = arith.constant 0.000000e+00 : f32
    %broadcast_in_dim3A_60 = vector.broadcast %broadcast_in_dim3A_59 : f32 to vector<256x96xf32>
    %concatenate3A = tpu.concatenate %reduce_max3A_58, %broadcast_in_dim3A_60 in 1 : vector<256x32xf32>, vector<256x96xf32> -> vector<256x128xf32>
    %swap3A_61 = arith.constant 0 : index
    %swap3A_62 = arith.constant 0 : index
    %swap3A_63 = arith.constant 0 : index
    %swap3A_64 = vector.load %arg5[%swap3A_61, %swap3A_62, %swap3A_63] : memref<1x256x128xf32, #tpu.memory_space<vmem>>, vector<1x256x128xf32>
    %swap3A_65 = vector.shape_cast %swap3A_64 : vector<1x256x128xf32> to vector<256x128xf32>
    %swap3A_66 = vector.shape_cast %concatenate3A : vector<256x128xf32> to vector<1x256x128xf32>
    tpu.vector_store %arg5[%swap3A_61, %swap3A_62, %swap3A_63], %swap3A_66 {strides = array<i32>} : memref<1x256x128xf32, #tpu.memory_space<vmem>>, vector<1x256x128xf32>,
    return
  }
  func.func @transform_0(%arg0: i32, %arg1: i32) -> (i32, i32, i32) {
    %c0_i32 = arith.constant 0 : i32
    %c0_i32_0 = arith.constant 0 : i32
    return %arg0, %c0_i32, %arg1 : i32, i32, i32
  }
  func.func @transform_1(%arg0: i32, %arg1: i32) -> (i32, i32, i32) {
    %c0_i32 = arith.constant 0 : i32
    %c0_i32_0 = arith.constant 0 : i32
    %c0_i32_1 = arith.constant 0 : i32
    return %arg0, %c0_i32, %c0_i32_0 : i32, i32, i32
  }
  func.func @transform_2(%arg0: i32, %arg1: i32) -> (i32, i32) {
    %c0_i32 = arith.constant 0 : i32
    %c0_i32_0 = arith.constant 0 : i32
    %c0_i32_1 = arith.constant 0 : i32
    return %c0_i32, %c0_i32_0 : i32, i32
  }
  func.func @transform_3(%arg0: i32, %arg1: i32) -> (i32, i32, i32) {
    %c0_i32 = arith.constant 0 : i32
    %c0_i32_0 = arith.constant 0 : i32
    return %arg0, %arg1, %c0_i32 : i32, i32, i32
  }
  func.func @transform_4(%arg0: i32, %arg1: i32) -> (i32, i32, i32) {
    %c0_i32 = arith.constant 0 : i32
    %c0_i32_0 = arith.constant 0 : i32
    %c0_i32_1 = arith.constant 0 : i32
    return %arg0, %c0_i32, %c0_i32_0 : i32, i32, i32
  }
}

module attributes {stable_mosaic.version = 14 : i64} {
  func.func @_p1_body(%arg0: i32, %arg1: i32, %arg2: memref<1x8192x128xf32, #tpu.memory_space<vmem>>, %arg3: memref<1x8x32xf32, #tpu.memory_space<vmem>>, %arg4: memref<1x8x8192xf32, #tpu.memory_space<vmem>>, %arg5: memref<35x32xf32, #tpu.memory_space<vmem>>, %arg6: memref<1x32x8192xf32, #tpu.memory_space<vmem>>, %arg7: memref<1x32x8xf32, #tpu.memory_space<vmem>>) attributes {dimension_semantics = [#tpu.dimension_semantics<arbitrary>, #tpu.dimension_semantics<arbitrary>], iteration_bounds = array<i64: 2, 16>, scalar_prefetch = 0 : i64, scratch_operands = 0 : i64, tpu.core_type = #tpu.core_type<tc>, window_params = [{transform_indices = @transform_0, window_bounds = array<i64: 1, 8192, 128>}, {transform_indices = @transform_1, window_bounds = array<i64: 1, 8, 32>}, {transform_indices = @transform_2, window_bounds = array<i64: 1, 8, 8192>}, {pipeline_mode = #tpu.pipeline_mode<synchronous>, transform_indices = @transform_3, window_bounds = array<i64: 35, 32>}, {transform_indices = @transform_4, window_bounds = array<i64: 1, 32, 8192>}, {transform_indices = @transform_5, window_bounds = array<i64: 1, 32, 8>}]} {
    %get3A = arith.constant 0 : index
    %get3A_0 = arith.constant 0 : index
    %get3A_1 = arith.constant 0 : index
    %get3A_2 = vector.load %arg2[%get3A, %get3A_0, %get3A_1] : memref<1x8192x128xf32, #tpu.memory_space<vmem>>, vector<1x8192x128xf32>
    %get3A_3 = vector.shape_cast %get3A_2 : vector<1x8192x128xf32> to vector<8192x128xf32>
    %slice3A = vector.extract_strided_slice %get3A_3 {offsets = [0, 0], sizes = [8192, 32], strides = [1, 1]} : vector<8192x128xf32> to vector<8192x32xf32>
    %get3A_4 = arith.constant 0 : index
    %get3A_5 = arith.constant 0 : index
    %get3A_6 = arith.constant 0 : index
    %get3A_7 = vector.load %arg3[%get3A_4, %get3A_5, %get3A_6] : memref<1x8x32xf32, #tpu.memory_space<vmem>>, vector<1x1x32xf32>
    %get3A_8 = vector.shape_cast %get3A_7 : vector<1x1x32xf32> to vector<1x32xf32>
    %mul3A = vector.broadcast %get3A_8 : vector<1x32xf32> to vector<8192x32xf32>
    %mul3A_9 = arith.mulf %slice3A, %mul3A : vector<8192x32xf32>
    %get3A_10 = arith.constant 0 : index
    %get3A_11 = arith.constant 1 : index
    %get3A_12 = arith.constant 0 : index
    %get3A_13 = vector.load %arg3[%get3A_10, %get3A_11, %get3A_12] : memref<1x8x32xf32, #tpu.memory_space<vmem>>, vector<1x1x32xf32>
    %get3A_14 = vector.shape_cast %get3A_13 : vector<1x1x32xf32> to vector<1x32xf32>
    %add3A = vector.broadcast %get3A_14 : vector<1x32xf32> to vector<8192x32xf32>
    %add3A_15 = arith.addf %mul3A_9, %add3A : vector<8192x32xf32>
    %ge3A = arith.constant 0.000000e+00 : f32
    %ge3A_16 = vector.broadcast %ge3A : f32 to vector<8192x32xf32>
    %ge3A_17 = arith.cmpf oge, %add3A_15, %ge3A_16 : vector<8192x32xf32>
    %mul3A_18 = arith.constant 1.000000e-01 : f32
    %mul3A_19 = vector.broadcast %mul3A_18 : f32 to vector<8192x32xf32>
    %mul3A_20 = arith.mulf %mul3A_19, %add3A_15 : vector<8192x32xf32>
    %select_n3A = arith.select %ge3A_17, %add3A_15, %mul3A_20 : vector<8192x32xi1>, vector<8192x32xf32>
    %get3A_21 = arith.constant 0 : index
    %get3A_22 = arith.constant 0 : index
    %get3A_23 = arith.constant 0 : index
    %get3A_24 = vector.load %arg4[%get3A_21, %get3A_22, %get3A_23] : memref<1x8x8192xf32, #tpu.memory_space<vmem>>, vector<1x8x8192xf32>
    %get3A_25 = vector.shape_cast %get3A_24 : vector<1x8x8192xf32> to vector<8x8192xf32>
    %slice3A_26 = vector.extract_strided_slice %get3A_25 {offsets = [0, 0], sizes = [3, 8192], strides = [1, 1]} : vector<8x8192xf32> to vector<3x8192xf32>
    %get3A_27 = arith.constant 0 : index
    %get3A_28 = arith.constant 0 : index
    %get3A_29 = vector.load %arg5[%get3A_27, %get3A_28] : memref<35x32xf32, #tpu.memory_space<vmem>>, vector<32x32xf32>
    %transpose3A = tpu.transpose %select_n3A, [1, 0] : vector<8192x32xf32> -> vector<32x8192xf32>
    %convert_element_type3A = arith.truncf %get3A_29 : vector<32x32xf32> to vector<32x32xbf16>
    %convert_element_type3A_30 = arith.truncf %transpose3A : vector<32x8192xf32> to vector<32x8192xbf16>
    %dot_general3A = arith.constant dense<0.000000e+00> : vector<32x8192xf32>
    %dot_general3A_31 = tpu.matmul %convert_element_type3A, %convert_element_type3A_30, %dot_general3A {dimension_numbers = #tpu.dot_dimension_numbers<[0], [0], [1], [1], [0, 1, 1, 1], [], []>, transpose_lhs_hint = false} : vector<32x32xbf16>, vector<32x8192xbf16>, vector<32x8192xf32> -> vector<32x8192xf32>
    %get3A_32 = arith.constant 32 : index
    %get3A_33 = arith.constant 0 : index
    %get3A_34 = vector.load %arg5[%get3A_32, %get3A_33] : memref<35x32xf32, #tpu.memory_space<vmem>>, vector<3x32xf32>
    %convert_element_type3A_35 = arith.truncf %get3A_34 : vector<3x32xf32> to vector<3x32xbf16>
    %convert_element_type3A_36 = arith.truncf %slice3A_26 : vector<3x8192xf32> to vector<3x8192xbf16>
    %dot_general3A_37 = arith.constant dense<0.000000e+00> : vector<32x8192xf32>
    %dot_general3A_38 = tpu.matmul %convert_element_type3A_35, %convert_element_type3A_36, %dot_general3A_37 {dimension_numbers = #tpu.dot_dimension_numbers<[0], [0], [1], [1], [0, 1, 1, 1], [], []>, transpose_lhs_hint = false} : vector<3x32xbf16>, vector<3x8192xbf16>, vector<32x8192xf32> -> vector<32x8192xf32>
    %add3A_39 = arith.addf %dot_general3A_31, %dot_general3A_38 : vector<32x8192xf32>
    %swap3A = arith.constant 0 : index
    %swap3A_40 = arith.constant 0 : index
    %swap3A_41 = arith.constant 0 : index
    %swap3A_42 = vector.load %arg6[%swap3A, %swap3A_40, %swap3A_41] : memref<1x32x8192xf32, #tpu.memory_space<vmem>>, vector<1x32x8192xf32>
    %swap3A_43 = vector.shape_cast %swap3A_42 : vector<1x32x8192xf32> to vector<32x8192xf32>
    %swap3A_44 = vector.shape_cast %add3A_39 : vector<32x8192xf32> to vector<1x32x8192xf32>
    tpu.vector_store %arg6[%swap3A, %swap3A_40, %swap3A_41], %swap3A_44 {strides = array<i32>} : memref<1x32x8192xf32, #tpu.memory_space<vmem>>, vector<1x32x8192xf32>,
    %eq3A = arith.constant 0 : i32
    %eq3A_45 = arith.cmpi eq, %arg1, %eq3A : i32
    %convert_element_type3A_46 = arith.extui %eq3A_45 : i1 to i32
    %cond3A = arith.constant 0 : i32
    %cond3A_47 = arith.cmpi ne, %convert_element_type3A_46, %cond3A : i32
    scf.if %cond3A_47 {
      %broadcast_in_dim3A_77 = arith.constant 0.000000e+00 : f32
      %broadcast_in_dim3A_78 = vector.broadcast %broadcast_in_dim3A_77 : f32 to vector<1x32x8xf32>
      %swap3A_79 = arith.constant 0 : index
      %swap3A_80 = arith.constant 0 : index
      %swap3A_81 = arith.constant 0 : index
      %swap3A_82 = vector.load %arg7[%swap3A_79, %swap3A_80, %swap3A_81] : memref<1x32x8xf32, #tpu.memory_space<vmem>>, vector<1x32x8xf32>
      tpu.vector_store %arg7[%swap3A_79, %swap3A_80, %swap3A_81], %broadcast_in_dim3A_78 {strides = array<i32>} : memref<1x32x8xf32, #tpu.memory_space<vmem>>, vector<1x32x8xf32>,
    } else {
    }
    %get3A_48 = arith.constant 0 : index
    %get3A_49 = arith.constant 0 : index
    %get3A_50 = arith.constant 0 : index
    %get3A_51 = vector.load %arg7[%get3A_48, %get3A_49, %get3A_50] : memref<1x32x8xf32, #tpu.memory_space<vmem>>, vector<1x32x1xf32>
    %get3A_52 = vector.shape_cast %get3A_51 : vector<1x32x1xf32> to vector<32x1xf32>
    %reduce_sum3A = arith.constant dense<0.000000e+00> : vector<32xf32>
    %reduce_sum3A_53 = vector.multi_reduction <add>, %add3A_39, %reduce_sum3A [1] : vector<32x8192xf32> to vector<32xf32>
    %broadcast_in_dim3A = vector.shape_cast %reduce_sum3A_53 : vector<32xf32> to vector<32x1xf32>
    %add3A_54 = arith.addf %get3A_52, %broadcast_in_dim3A : vector<32x1xf32>
    %swap3A_55 = arith.constant 0 : index
    %swap3A_56 = arith.constant 0 : index
    %swap3A_57 = arith.constant 0 : index
    %swap3A_58 = vector.load %arg7[%swap3A_55, %swap3A_56, %swap3A_57] : memref<1x32x8xf32, #tpu.memory_space<vmem>>, vector<1x32x1xf32>
    %swap3A_59 = vector.shape_cast %swap3A_58 : vector<1x32x1xf32> to vector<32x1xf32>
    %swap3A_60 = vector.shape_cast %add3A_54 : vector<32x1xf32> to vector<1x32x1xf32>
    tpu.vector_store %arg7[%swap3A_55, %swap3A_56, %swap3A_57], %swap3A_60 {strides = array<i32>} : memref<1x32x8xf32, #tpu.memory_space<vmem>>, vector<1x32x1xf32>,
    %get3A_61 = arith.constant 0 : index
    %get3A_62 = arith.constant 0 : index
    %get3A_63 = arith.constant 1 : index
    %get3A_64 = vector.load %arg7[%get3A_61, %get3A_62, %get3A_63] : memref<1x32x8xf32, #tpu.memory_space<vmem>>, vector<1x32x1xf32>
    %get3A_65 = vector.shape_cast %get3A_64 : vector<1x32x1xf32> to vector<32x1xf32>
    %mul3A_66 = arith.mulf %add3A_39, %add3A_39 : vector<32x8192xf32>
    %reduce_sum3A_67 = arith.constant dense<0.000000e+00> : vector<32xf32>
    %reduce_sum3A_68 = vector.multi_reduction <add>, %mul3A_66, %reduce_sum3A_67 [1] : vector<32x8192xf32> to vector<32xf32>
    %broadcast_in_dim3A_69 = vector.shape_cast %reduce_sum3A_68 : vector<32xf32> to vector<32x1xf32>
    %add3A_70 = arith.addf %get3A_65, %broadcast_in_dim3A_69 : vector<32x1xf32>
    %swap3A_71 = arith.constant 0 : index
    %swap3A_72 = arith.constant 0 : index
    %swap3A_73 = arith.constant 1 : index
    %swap3A_74 = vector.load %arg7[%swap3A_71, %swap3A_72, %swap3A_73] : memref<1x32x8xf32, #tpu.memory_space<vmem>>, vector<1x32x1xf32>
    %swap3A_75 = vector.shape_cast %swap3A_74 : vector<1x32x1xf32> to vector<32x1xf32>
    %swap3A_76 = vector.shape_cast %add3A_70 : vector<32x1xf32> to vector<1x32x1xf32>
    tpu.vector_store %arg7[%swap3A_71, %swap3A_72, %swap3A_73], %swap3A_76 {strides = array<i32>} : memref<1x32x8xf32, #tpu.memory_space<vmem>>, vector<1x32x1xf32>,
    return
  }
  func.func @transform_0(%arg0: i32, %arg1: i32) -> (i32, i32, i32) {
    %c0_i32 = arith.constant 0 : i32
    %c0_i32_0 = arith.constant 0 : i32
    return %arg0, %arg1, %c0_i32 : i32, i32, i32
  }
  func.func @transform_1(%arg0: i32, %arg1: i32) -> (i32, i32, i32) {
    %c0_i32 = arith.constant 0 : i32
    %c0_i32_0 = arith.constant 0 : i32
    %c0_i32_1 = arith.constant 0 : i32
    return %arg0, %c0_i32, %c0_i32_0 : i32, i32, i32
  }
  func.func @transform_2(%arg0: i32, %arg1: i32) -> (i32, i32, i32) {
    %c0_i32 = arith.constant 0 : i32
    %c0_i32_0 = arith.constant 0 : i32
    return %arg0, %c0_i32, %arg1 : i32, i32, i32
  }
  func.func @transform_3(%arg0: i32, %arg1: i32) -> (i32, i32) {
    %c0_i32 = arith.constant 0 : i32
    %c0_i32_0 = arith.constant 0 : i32
    %c0_i32_1 = arith.constant 0 : i32
    return %c0_i32, %c0_i32_0 : i32, i32
  }
  func.func @transform_4(%arg0: i32, %arg1: i32) -> (i32, i32, i32) {
    %c0_i32 = arith.constant 0 : i32
    %c0_i32_0 = arith.constant 0 : i32
    return %arg0, %c0_i32, %arg1 : i32, i32, i32
  }
  func.func @transform_5(%arg0: i32, %arg1: i32) -> (i32, i32, i32) {
    %c0_i32 = arith.constant 0 : i32
    %c0_i32_0 = arith.constant 0 : i32
    %c0_i32_1 = arith.constant 0 : i32
    return %arg0, %c0_i32, %c0_i32_0 : i32, i32, i32
  }
}

module attributes {stable_mosaic.version = 14 : i64} {
  func.func @_mid_body(%arg0: i32, %arg1: i32, %arg2: memref<1x32x8192xf32, #tpu.memory_space<vmem>>, %arg3: memref<1x32x8xf32, #tpu.memory_space<vmem>>, %arg4: memref<32x32xf32, #tpu.memory_space<vmem>>, %arg5: memref<1x32x8192xf32, #tpu.memory_space<vmem>>, %arg6: memref<1x32x8xf32, #tpu.memory_space<vmem>>) attributes {dimension_semantics = [#tpu.dimension_semantics<arbitrary>, #tpu.dimension_semantics<arbitrary>], iteration_bounds = array<i64: 2, 16>, scalar_prefetch = 0 : i64, scratch_operands = 0 : i64, tpu.core_type = #tpu.core_type<tc>, window_params = [{transform_indices = @transform_0, window_bounds = array<i64: 1, 32, 8192>}, {transform_indices = @transform_1, window_bounds = array<i64: 1, 32, 8>}, {pipeline_mode = #tpu.pipeline_mode<synchronous>, transform_indices = @transform_2, window_bounds = array<i64: 32, 32>}, {transform_indices = @transform_3, window_bounds = array<i64: 1, 32, 8192>}, {transform_indices = @transform_4, window_bounds = array<i64: 1, 32, 8>}]} {
    %get3A = arith.constant 0 : index
    %get3A_0 = arith.constant 0 : index
    %get3A_1 = arith.constant 0 : index
    %get3A_2 = vector.load %arg2[%get3A, %get3A_0, %get3A_1] : memref<1x32x8192xf32, #tpu.memory_space<vmem>>, vector<1x32x8192xf32>
    %get3A_3 = vector.shape_cast %get3A_2 : vector<1x32x8192xf32> to vector<32x8192xf32>
    %get3A_4 = arith.constant 0 : index
    %get3A_5 = arith.constant 0 : index
    %get3A_6 = arith.constant 0 : index
    %get3A_7 = vector.load %arg3[%get3A_4, %get3A_5, %get3A_6] : memref<1x32x8xf32, #tpu.memory_space<vmem>>, vector<1x32x8xf32>
    %get3A_8 = vector.shape_cast %get3A_7 : vector<1x32x8xf32> to vector<32x8xf32>
    %slice3A = vector.extract_strided_slice %get3A_8 {offsets = [0, 0], sizes = [32, 1], strides = [1, 1]} : vector<32x8xf32> to vector<32x1xf32>
    %mul3A = vector.broadcast %slice3A : vector<32x1xf32> to vector<32x8192xf32>
    %mul3A_9 = arith.mulf %get3A_3, %mul3A : vector<32x8192xf32>
    %get3A_10 = arith.constant 0 : index
    %get3A_11 = arith.constant 0 : index
    %get3A_12 = arith.constant 0 : index
    %get3A_13 = vector.load %arg3[%get3A_10, %get3A_11, %get3A_12] : memref<1x32x8xf32, #tpu.memory_space<vmem>>, vector<1x32x8xf32>
    %get3A_14 = vector.shape_cast %get3A_13 : vector<1x32x8xf32> to vector<32x8xf32>
    %slice3A_15 = vector.extract_strided_slice %get3A_14 {offsets = [0, 1], sizes = [32, 1], strides = [1, 1]} : vector<32x8xf32> to vector<32x1xf32>
    %add3A = vector.broadcast %slice3A_15 : vector<32x1xf32> to vector<32x8192xf32>
    %add3A_16 = arith.addf %mul3A_9, %add3A : vector<32x8192xf32>
    %ge3A = arith.constant 0.000000e+00 : f32
    %ge3A_17 = vector.broadcast %ge3A : f32 to vector<32x8192xf32>
    %ge3A_18 = arith.cmpf oge, %add3A_16, %ge3A_17 : vector<32x8192xf32>
    %mul3A_19 = arith.constant 1.000000e-01 : f32
    %mul3A_20 = vector.broadcast %mul3A_19 : f32 to vector<32x8192xf32>
    %mul3A_21 = arith.mulf %mul3A_20, %add3A_16 : vector<32x8192xf32>
    %select_n3A = arith.select %ge3A_18, %add3A_16, %mul3A_21 : vector<32x8192xi1>, vector<32x8192xf32>
    %get3A_22 = arith.constant 0 : index
    %get3A_23 = arith.constant 0 : index
    %get3A_24 = vector.load %arg4[%get3A_22, %get3A_23] : memref<32x32xf32, #tpu.memory_space<vmem>>, vector<32x32xf32>
    %convert_element_type3A = arith.truncf %get3A_24 : vector<32x32xf32> to vector<32x32xbf16>
    %convert_element_type3A_25 = arith.truncf %select_n3A : vector<32x8192xf32> to vector<32x8192xbf16>
    %dot_general3A = arith.constant dense<0.000000e+00> : vector<32x8192xf32>
    %dot_general3A_26 = tpu.matmul %convert_element_type3A, %convert_element_type3A_25, %dot_general3A {dimension_numbers = #tpu.dot_dimension_numbers<[0], [0], [1], [1], [0, 1, 1, 1], [], []>, transpose_lhs_hint = false} : vector<32x32xbf16>, vector<32x8192xbf16>, vector<32x8192xf32> -> vector<32x8192xf32>
    %eq3A = arith.constant 0 : i32
    %eq3A_27 = arith.cmpi eq, %arg1, %eq3A : i32
    %convert_element_type3A_28 = arith.extui %eq3A_27 : i1 to i32
    %cond3A = arith.constant 0 : i32
    %cond3A_29 = arith.cmpi ne, %convert_element_type3A_28, %cond3A : i32
    scf.if %cond3A_29 {
      %broadcast_in_dim3A_64 = arith.constant 0.000000e+00 : f32
      %broadcast_in_dim3A_65 = vector.broadcast %broadcast_in_dim3A_64 : f32 to vector<1x32x8xf32>
      %swap3A_66 = arith.constant 0 : index
      %swap3A_67 = arith.constant 0 : index
      %swap3A_68 = arith.constant 0 : index
      %swap3A_69 = vector.load %arg6[%swap3A_66, %swap3A_67, %swap3A_68] : memref<1x32x8xf32, #tpu.memory_space<vmem>>, vector<1x32x8xf32>
      tpu.vector_store %arg6[%swap3A_66, %swap3A_67, %swap3A_68], %broadcast_in_dim3A_65 {strides = array<i32>} : memref<1x32x8xf32, #tpu.memory_space<vmem>>, vector<1x32x8xf32>,
    } else {
    }
    %get3A_30 = arith.constant 0 : index
    %get3A_31 = arith.constant 0 : index
    %get3A_32 = arith.constant 0 : index
    %get3A_33 = vector.load %arg6[%get3A_30, %get3A_31, %get3A_32] : memref<1x32x8xf32, #tpu.memory_space<vmem>>, vector<1x32x1xf32>
    %get3A_34 = vector.shape_cast %get3A_33 : vector<1x32x1xf32> to vector<32x1xf32>
    %reduce_sum3A = arith.constant dense<0.000000e+00> : vector<32xf32>
    %reduce_sum3A_35 = vector.multi_reduction <add>, %dot_general3A_26, %reduce_sum3A [1] : vector<32x8192xf32> to vector<32xf32>
    %broadcast_in_dim3A = vector.shape_cast %reduce_sum3A_35 : vector<32xf32> to vector<32x1xf32>
    %add3A_36 = arith.addf %get3A_34, %broadcast_in_dim3A : vector<32x1xf32>
    %swap3A = arith.constant 0 : index
    %swap3A_37 = arith.constant 0 : index
    %swap3A_38 = arith.constant 0 : index
    %swap3A_39 = vector.load %arg6[%swap3A, %swap3A_37, %swap3A_38] : memref<1x32x8xf32, #tpu.memory_space<vmem>>, vector<1x32x1xf32>
    %swap3A_40 = vector.shape_cast %swap3A_39 : vector<1x32x1xf32> to vector<32x1xf32>
    %swap3A_41 = vector.shape_cast %add3A_36 : vector<32x1xf32> to vector<1x32x1xf32>
    tpu.vector_store %arg6[%swap3A, %swap3A_37, %swap3A_38], %swap3A_41 {strides = array<i32>} : memref<1x32x8xf32, #tpu.memory_space<vmem>>, vector<1x32x1xf32>,
    %get3A_42 = arith.constant 0 : index
    %get3A_43 = arith.constant 0 : index
    %get3A_44 = arith.constant 1 : index
    %get3A_45 = vector.load %arg6[%get3A_42, %get3A_43, %get3A_44] : memref<1x32x8xf32, #tpu.memory_space<vmem>>, vector<1x32x1xf32>
    %get3A_46 = vector.shape_cast %get3A_45 : vector<1x32x1xf32> to vector<32x1xf32>
    %mul3A_47 = arith.mulf %dot_general3A_26, %dot_general3A_26 : vector<32x8192xf32>
    %reduce_sum3A_48 = arith.constant dense<0.000000e+00> : vector<32xf32>
    %reduce_sum3A_49 = vector.multi_reduction <add>, %mul3A_47, %reduce_sum3A_48 [1] : vector<32x8192xf32> to vector<32xf32>
    %broadcast_in_dim3A_50 = vector.shape_cast %reduce_sum3A_49 : vector<32xf32> to vector<32x1xf32>
    %add3A_51 = arith.addf %get3A_46, %broadcast_in_dim3A_50 : vector<32x1xf32>
    %swap3A_52 = arith.constant 0 : index
    %swap3A_53 = arith.constant 0 : index
    %swap3A_54 = arith.constant 1 : index
    %swap3A_55 = vector.load %arg6[%swap3A_52, %swap3A_53, %swap3A_54] : memref<1x32x8xf32, #tpu.memory_space<vmem>>, vector<1x32x1xf32>
    %swap3A_56 = vector.shape_cast %swap3A_55 : vector<1x32x1xf32> to vector<32x1xf32>
    %swap3A_57 = vector.shape_cast %add3A_51 : vector<32x1xf32> to vector<1x32x1xf32>
    tpu.vector_store %arg6[%swap3A_52, %swap3A_53, %swap3A_54], %swap3A_57 {strides = array<i32>} : memref<1x32x8xf32, #tpu.memory_space<vmem>>, vector<1x32x1xf32>,
    %swap3A_58 = arith.constant 0 : index
    %swap3A_59 = arith.constant 0 : index
    %swap3A_60 = arith.constant 0 : index
    %swap3A_61 = vector.load %arg5[%swap3A_58, %swap3A_59, %swap3A_60] : memref<1x32x8192xf32, #tpu.memory_space<vmem>>, vector<1x32x8192xf32>
    %swap3A_62 = vector.shape_cast %swap3A_61 : vector<1x32x8192xf32> to vector<32x8192xf32>
    %swap3A_63 = vector.shape_cast %dot_general3A_26 : vector<32x8192xf32> to vector<1x32x8192xf32>
    tpu.vector_store %arg5[%swap3A_58, %swap3A_59, %swap3A_60], %swap3A_63 {strides = array<i32>} : memref<1x32x8192xf32, #tpu.memory_space<vmem>>, vector<1x32x8192xf32>,
    return
  }
  func.func @transform_0(%arg0: i32, %arg1: i32) -> (i32, i32, i32) {
    %c0_i32 = arith.constant 0 : i32
    %c0_i32_0 = arith.constant 0 : i32
    return %arg0, %c0_i32, %arg1 : i32, i32, i32
  }
  func.func @transform_1(%arg0: i32, %arg1: i32) -> (i32, i32, i32) {
    %c0_i32 = arith.constant 0 : i32
    %c0_i32_0 = arith.constant 0 : i32
    %c0_i32_1 = arith.constant 0 : i32
    return %arg0, %c0_i32, %c0_i32_0 : i32, i32, i32
  }
  func.func @transform_2(%arg0: i32, %arg1: i32) -> (i32, i32) {
    %c0_i32 = arith.constant 0 : i32
    %c0_i32_0 = arith.constant 0 : i32
    %c0_i32_1 = arith.constant 0 : i32
    return %c0_i32, %c0_i32_0 : i32, i32
  }
  func.func @transform_3(%arg0: i32, %arg1: i32) -> (i32, i32, i32) {
    %c0_i32 = arith.constant 0 : i32
    %c0_i32_0 = arith.constant 0 : i32
    return %arg0, %c0_i32, %arg1 : i32, i32, i32
  }
  func.func @transform_4(%arg0: i32, %arg1: i32) -> (i32, i32, i32) {
    %c0_i32 = arith.constant 0 : i32
    %c0_i32_0 = arith.constant 0 : i32
    %c0_i32_1 = arith.constant 0 : i32
    return %arg0, %c0_i32, %c0_i32_0 : i32, i32, i32
  }
}

module attributes {stable_mosaic.version = 14 : i64} {
  func.func @_mid_body(%arg0: i32, %arg1: i32, %arg2: memref<1x32x8192xf32, #tpu.memory_space<vmem>>, %arg3: memref<1x32x8xf32, #tpu.memory_space<vmem>>, %arg4: memref<32x64xf32, #tpu.memory_space<vmem>>, %arg5: memref<1x256x128xf32, #tpu.memory_space<vmem>>, %arg6: memref<1x8x64xf32, #tpu.memory_space<vmem>>) attributes {dimension_semantics = [#tpu.dimension_semantics<arbitrary>, #tpu.dimension_semantics<arbitrary>], iteration_bounds = array<i64: 2, 16>, scalar_prefetch = 0 : i64, scratch_operands = 0 : i64, tpu.core_type = #tpu.core_type<tc>, window_params = [{transform_indices = @transform_0, window_bounds = array<i64: 1, 32, 8192>}, {transform_indices = @transform_1, window_bounds = array<i64: 1, 32, 8>}, {pipeline_mode = #tpu.pipeline_mode<synchronous>, transform_indices = @transform_2, window_bounds = array<i64: 32, 64>}, {transform_indices = @transform_3, window_bounds = array<i64: 1, 256, 128>}, {transform_indices = @transform_4, window_bounds = array<i64: 1, 8, 64>}]} {
    %get3A = arith.constant 0 : index
    %get3A_0 = arith.constant 0 : index
    %get3A_1 = arith.constant 0 : index
    %get3A_2 = vector.load %arg2[%get3A, %get3A_0, %get3A_1] : memref<1x32x8192xf32, #tpu.memory_space<vmem>>, vector<1x32x8192xf32>
    %get3A_3 = vector.shape_cast %get3A_2 : vector<1x32x8192xf32> to vector<32x8192xf32>
    %get3A_4 = arith.constant 0 : index
    %get3A_5 = arith.constant 0 : index
    %get3A_6 = arith.constant 0 : index
    %get3A_7 = vector.load %arg3[%get3A_4, %get3A_5, %get3A_6] : memref<1x32x8xf32, #tpu.memory_space<vmem>>, vector<1x32x8xf32>
    %get3A_8 = vector.shape_cast %get3A_7 : vector<1x32x8xf32> to vector<32x8xf32>
    %slice3A = vector.extract_strided_slice %get3A_8 {offsets = [0, 0], sizes = [32, 1], strides = [1, 1]} : vector<32x8xf32> to vector<32x1xf32>
    %mul3A = vector.broadcast %slice3A : vector<32x1xf32> to vector<32x8192xf32>
    %mul3A_9 = arith.mulf %get3A_3, %mul3A : vector<32x8192xf32>
    %get3A_10 = arith.constant 0 : index
    %get3A_11 = arith.constant 0 : index
    %get3A_12 = arith.constant 0 : index
    %get3A_13 = vector.load %arg3[%get3A_10, %get3A_11, %get3A_12] : memref<1x32x8xf32, #tpu.memory_space<vmem>>, vector<1x32x8xf32>
    %get3A_14 = vector.shape_cast %get3A_13 : vector<1x32x8xf32> to vector<32x8xf32>
    %slice3A_15 = vector.extract_strided_slice %get3A_14 {offsets = [0, 1], sizes = [32, 1], strides = [1, 1]} : vector<32x8xf32> to vector<32x1xf32>
    %add3A = vector.broadcast %slice3A_15 : vector<32x1xf32> to vector<32x8192xf32>
    %add3A_16 = arith.addf %mul3A_9, %add3A : vector<32x8192xf32>
    %ge3A = arith.constant 0.000000e+00 : f32
    %ge3A_17 = vector.broadcast %ge3A : f32 to vector<32x8192xf32>
    %ge3A_18 = arith.cmpf oge, %add3A_16, %ge3A_17 : vector<32x8192xf32>
    %mul3A_19 = arith.constant 1.000000e-01 : f32
    %mul3A_20 = vector.broadcast %mul3A_19 : f32 to vector<32x8192xf32>
    %mul3A_21 = arith.mulf %mul3A_20, %add3A_16 : vector<32x8192xf32>
    %select_n3A = arith.select %ge3A_18, %add3A_16, %mul3A_21 : vector<32x8192xi1>, vector<32x8192xf32>
    %convert_element_type3A = arith.truncf %select_n3A : vector<32x8192xf32> to vector<32x8192xbf16>
    %get3A_22 = arith.constant 0 : index
    %get3A_23 = arith.constant 0 : index
    %get3A_24 = vector.load %arg4[%get3A_22, %get3A_23] : memref<32x64xf32, #tpu.memory_space<vmem>>, vector<32x64xf32>
    %convert_element_type3A_25 = arith.truncf %get3A_24 : vector<32x64xf32> to vector<32x64xbf16>
    %dot_general3A = arith.constant dense<0.000000e+00> : vector<8192x64xf32>
    %dot_general3A_26 = tpu.matmul %convert_element_type3A, %convert_element_type3A_25, %dot_general3A {dimension_numbers = #tpu.dot_dimension_numbers<[0], [0], [1], [1], [0, 1, 1, 1], [], []>, transpose_lhs_hint = false} : vector<32x8192xbf16>, vector<32x64xbf16>, vector<8192x64xf32> -> vector<8192x64xf32>
    %eq3A = arith.constant 0 : i32
    %eq3A_27 = arith.cmpi eq, %arg1, %eq3A : i32
    %convert_element_type3A_28 = arith.extui %eq3A_27 : i1 to i32
    %cond3A = arith.constant 0 : i32
    %cond3A_29 = arith.cmpi ne, %convert_element_type3A_28, %cond3A : i32
    scf.if %cond3A_29 {
      %broadcast_in_dim3A_67 = arith.constant 0.000000e+00 : f32
      %broadcast_in_dim3A_68 = vector.broadcast %broadcast_in_dim3A_67 : f32 to vector<1x8x64xf32>
      %swap3A_69 = arith.constant 0 : index
      %swap3A_70 = arith.constant 0 : index
      %swap3A_71 = arith.constant 0 : index
      %swap3A_72 = vector.load %arg6[%swap3A_69, %swap3A_70, %swap3A_71] : memref<1x8x64xf32, #tpu.memory_space<vmem>>, vector<1x8x64xf32>
      tpu.vector_store %arg6[%swap3A_69, %swap3A_70, %swap3A_71], %broadcast_in_dim3A_68 {strides = array<i32>} : memref<1x8x64xf32, #tpu.memory_space<vmem>>, vector<1x8x64xf32>,
    } else {
    }
    %get3A_30 = arith.constant 0 : index
    %get3A_31 = arith.constant 0 : index
    %get3A_32 = arith.constant 0 : index
    %get3A_33 = vector.load %arg6[%get3A_30, %get3A_31, %get3A_32] : memref<1x8x64xf32, #tpu.memory_space<vmem>>, vector<1x1x64xf32>
    %get3A_34 = vector.shape_cast %get3A_33 : vector<1x1x64xf32> to vector<1x64xf32>
    %reduce_sum3A = arith.constant dense<0.000000e+00> : vector<64xf32>
    %reduce_sum3A_35 = vector.multi_reduction <add>, %dot_general3A_26, %reduce_sum3A [0] : vector<8192x64xf32> to vector<64xf32>
    %broadcast_in_dim3A = vector.shape_cast %reduce_sum3A_35 : vector<64xf32> to vector<1x64xf32>
    %add3A_36 = arith.addf %get3A_34, %broadcast_in_dim3A : vector<1x64xf32>
    %swap3A = arith.constant 0 : index
    %swap3A_37 = arith.constant 0 : index
    %swap3A_38 = arith.constant 0 : index
    %swap3A_39 = vector.load %arg6[%swap3A, %swap3A_37, %swap3A_38] : memref<1x8x64xf32, #tpu.memory_space<vmem>>, vector<1x1x64xf32>
    %swap3A_40 = vector.shape_cast %swap3A_39 : vector<1x1x64xf32> to vector<1x64xf32>
    %swap3A_41 = vector.shape_cast %add3A_36 : vector<1x64xf32> to vector<1x1x64xf32>
    tpu.vector_store %arg6[%swap3A, %swap3A_37, %swap3A_38], %swap3A_41 {strides = array<i32>} : memref<1x8x64xf32, #tpu.memory_space<vmem>>, vector<1x1x64xf32>,
    %get3A_42 = arith.constant 0 : index
    %get3A_43 = arith.constant 1 : index
    %get3A_44 = arith.constant 0 : index
    %get3A_45 = vector.load %arg6[%get3A_42, %get3A_43, %get3A_44] : memref<1x8x64xf32, #tpu.memory_space<vmem>>, vector<1x1x64xf32>
    %get3A_46 = vector.shape_cast %get3A_45 : vector<1x1x64xf32> to vector<1x64xf32>
    %mul3A_47 = arith.mulf %dot_general3A_26, %dot_general3A_26 : vector<8192x64xf32>
    %reduce_sum3A_48 = arith.constant dense<0.000000e+00> : vector<64xf32>
    %reduce_sum3A_49 = vector.multi_reduction <add>, %mul3A_47, %reduce_sum3A_48 [0] : vector<8192x64xf32> to vector<64xf32>
    %broadcast_in_dim3A_50 = vector.shape_cast %reduce_sum3A_49 : vector<64xf32> to vector<1x64xf32>
    %add3A_51 = arith.addf %get3A_46, %broadcast_in_dim3A_50 : vector<1x64xf32>
    %swap3A_52 = arith.constant 0 : index
    %swap3A_53 = arith.constant 1 : index
    %swap3A_54 = arith.constant 0 : index
    %swap3A_55 = vector.load %arg6[%swap3A_52, %swap3A_53, %swap3A_54] : memref<1x8x64xf32, #tpu.memory_space<vmem>>, vector<1x1x64xf32>
    %swap3A_56 = vector.shape_cast %swap3A_55 : vector<1x1x64xf32> to vector<1x64xf32>
    %swap3A_57 = vector.shape_cast %add3A_51 : vector<1x64xf32> to vector<1x1x64xf32>
    tpu.vector_store %arg6[%swap3A_52, %swap3A_53, %swap3A_54], %swap3A_57 {strides = array<i32>} : memref<1x8x64xf32, #tpu.memory_space<vmem>>, vector<1x1x64xf32>,
    %reshape3A = vector.shape_cast %dot_general3A_26 : vector<8192x64xf32> to vector<256x32x64xf32>
    %reduce_max3A = arith.constant dense<0xFF800000> : vector<256x64xf32>
    %reduce_max3A_58 = vector.multi_reduction <maximumf>, %reshape3A, %reduce_max3A [1] : vector<256x32x64xf32> to vector<256x64xf32>
    %broadcast_in_dim3A_59 = arith.constant 0.000000e+00 : f32
    %broadcast_in_dim3A_60 = vector.broadcast %broadcast_in_dim3A_59 : f32 to vector<256x64xf32>
    %concatenate3A = tpu.concatenate %reduce_max3A_58, %broadcast_in_dim3A_60 in 1 : vector<256x64xf32>, vector<256x64xf32> -> vector<256x128xf32>
    %swap3A_61 = arith.constant 0 : index
    %swap3A_62 = arith.constant 0 : index
    %swap3A_63 = arith.constant 0 : index
    %swap3A_64 = vector.load %arg5[%swap3A_61, %swap3A_62, %swap3A_63] : memref<1x256x128xf32, #tpu.memory_space<vmem>>, vector<1x256x128xf32>
    %swap3A_65 = vector.shape_cast %swap3A_64 : vector<1x256x128xf32> to vector<256x128xf32>
    %swap3A_66 = vector.shape_cast %concatenate3A : vector<256x128xf32> to vector<1x256x128xf32>
    tpu.vector_store %arg5[%swap3A_61, %swap3A_62, %swap3A_63], %swap3A_66 {strides = array<i32>} : memref<1x256x128xf32, #tpu.memory_space<vmem>>, vector<1x256x128xf32>,
    return
  }
  func.func @transform_0(%arg0: i32, %arg1: i32) -> (i32, i32, i32) {
    %c0_i32 = arith.constant 0 : i32
    %c0_i32_0 = arith.constant 0 : i32
    return %arg0, %c0_i32, %arg1 : i32, i32, i32
  }
  func.func @transform_1(%arg0: i32, %arg1: i32) -> (i32, i32, i32) {
    %c0_i32 = arith.constant 0 : i32
    %c0_i32_0 = arith.constant 0 : i32
    %c0_i32_1 = arith.constant 0 : i32
    return %arg0, %c0_i32, %c0_i32_0 : i32, i32, i32
  }
  func.func @transform_2(%arg0: i32, %arg1: i32) -> (i32, i32) {
    %c0_i32 = arith.constant 0 : i32
    %c0_i32_0 = arith.constant 0 : i32
    %c0_i32_1 = arith.constant 0 : i32
    return %c0_i32, %c0_i32_0 : i32, i32
  }
  func.func @transform_3(%arg0: i32, %arg1: i32) -> (i32, i32, i32) {
    %c0_i32 = arith.constant 0 : i32
    %c0_i32_0 = arith.constant 0 : i32
    return %arg0, %arg1, %c0_i32 : i32, i32, i32
  }
  func.func @transform_4(%arg0: i32, %arg1: i32) -> (i32, i32, i32) {
    %c0_i32 = arith.constant 0 : i32
    %c0_i32_0 = arith.constant 0 : i32
    %c0_i32_1 = arith.constant 0 : i32
    return %arg0, %c0_i32, %c0_i32_0 : i32, i32, i32
  }
}

module attributes {stable_mosaic.version = 14 : i64} {
  func.func @_p1_body(%arg0: i32, %arg1: i32, %arg2: memref<1x8192x128xf32, #tpu.memory_space<vmem>>, %arg3: memref<1x8x64xf32, #tpu.memory_space<vmem>>, %arg4: memref<1x8x8192xf32, #tpu.memory_space<vmem>>, %arg5: memref<67x64xf32, #tpu.memory_space<vmem>>, %arg6: memref<1x64x8192xf32, #tpu.memory_space<vmem>>, %arg7: memref<1x64x8xf32, #tpu.memory_space<vmem>>) attributes {dimension_semantics = [#tpu.dimension_semantics<arbitrary>, #tpu.dimension_semantics<arbitrary>], iteration_bounds = array<i64: 2, 16>, scalar_prefetch = 0 : i64, scratch_operands = 0 : i64, tpu.core_type = #tpu.core_type<tc>, window_params = [{transform_indices = @transform_0, window_bounds = array<i64: 1, 8192, 128>}, {transform_indices = @transform_1, window_bounds = array<i64: 1, 8, 64>}, {transform_indices = @transform_2, window_bounds = array<i64: 1, 8, 8192>}, {pipeline_mode = #tpu.pipeline_mode<synchronous>, transform_indices = @transform_3, window_bounds = array<i64: 67, 64>}, {transform_indices = @transform_4, window_bounds = array<i64: 1, 64, 8192>}, {transform_indices = @transform_5, window_bounds = array<i64: 1, 64, 8>}]} {
    %get3A = arith.constant 0 : index
    %get3A_0 = arith.constant 0 : index
    %get3A_1 = arith.constant 0 : index
    %get3A_2 = vector.load %arg2[%get3A, %get3A_0, %get3A_1] : memref<1x8192x128xf32, #tpu.memory_space<vmem>>, vector<1x8192x128xf32>
    %get3A_3 = vector.shape_cast %get3A_2 : vector<1x8192x128xf32> to vector<8192x128xf32>
    %slice3A = vector.extract_strided_slice %get3A_3 {offsets = [0, 0], sizes = [8192, 64], strides = [1, 1]} : vector<8192x128xf32> to vector<8192x64xf32>
    %get3A_4 = arith.constant 0 : index
    %get3A_5 = arith.constant 0 : index
    %get3A_6 = arith.constant 0 : index
    %get3A_7 = vector.load %arg3[%get3A_4, %get3A_5, %get3A_6] : memref<1x8x64xf32, #tpu.memory_space<vmem>>, vector<1x1x64xf32>
    %get3A_8 = vector.shape_cast %get3A_7 : vector<1x1x64xf32> to vector<1x64xf32>
    %mul3A = vector.broadcast %get3A_8 : vector<1x64xf32> to vector<8192x64xf32>
    %mul3A_9 = arith.mulf %slice3A, %mul3A : vector<8192x64xf32>
    %get3A_10 = arith.constant 0 : index
    %get3A_11 = arith.constant 1 : index
    %get3A_12 = arith.constant 0 : index
    %get3A_13 = vector.load %arg3[%get3A_10, %get3A_11, %get3A_12] : memref<1x8x64xf32, #tpu.memory_space<vmem>>, vector<1x1x64xf32>
    %get3A_14 = vector.shape_cast %get3A_13 : vector<1x1x64xf32> to vector<1x64xf32>
    %add3A = vector.broadcast %get3A_14 : vector<1x64xf32> to vector<8192x64xf32>
    %add3A_15 = arith.addf %mul3A_9, %add3A : vector<8192x64xf32>
    %ge3A = arith.constant 0.000000e+00 : f32
    %ge3A_16 = vector.broadcast %ge3A : f32 to vector<8192x64xf32>
    %ge3A_17 = arith.cmpf oge, %add3A_15, %ge3A_16 : vector<8192x64xf32>
    %mul3A_18 = arith.constant 1.000000e-01 : f32
    %mul3A_19 = vector.broadcast %mul3A_18 : f32 to vector<8192x64xf32>
    %mul3A_20 = arith.mulf %mul3A_19, %add3A_15 : vector<8192x64xf32>
    %select_n3A = arith.select %ge3A_17, %add3A_15, %mul3A_20 : vector<8192x64xi1>, vector<8192x64xf32>
    %get3A_21 = arith.constant 0 : index
    %get3A_22 = arith.constant 0 : index
    %get3A_23 = arith.constant 0 : index
    %get3A_24 = vector.load %arg4[%get3A_21, %get3A_22, %get3A_23] : memref<1x8x8192xf32, #tpu.memory_space<vmem>>, vector<1x8x8192xf32>
    %get3A_25 = vector.shape_cast %get3A_24 : vector<1x8x8192xf32> to vector<8x8192xf32>
    %slice3A_26 = vector.extract_strided_slice %get3A_25 {offsets = [0, 0], sizes = [3, 8192], strides = [1, 1]} : vector<8x8192xf32> to vector<3x8192xf32>
    %get3A_27 = arith.constant 0 : index
    %get3A_28 = arith.constant 0 : index
    %get3A_29 = vector.load %arg5[%get3A_27, %get3A_28] : memref<67x64xf32, #tpu.memory_space<vmem>>, vector<64x64xf32>
    %transpose3A = tpu.transpose %select_n3A, [1, 0] : vector<8192x64xf32> -> vector<64x8192xf32>
    %convert_element_type3A = arith.truncf %get3A_29 : vector<64x64xf32> to vector<64x64xbf16>
    %convert_element_type3A_30 = arith.truncf %transpose3A : vector<64x8192xf32> to vector<64x8192xbf16>
    %dot_general3A = arith.constant dense<0.000000e+00> : vector<64x8192xf32>
    %dot_general3A_31 = tpu.matmul %convert_element_type3A, %convert_element_type3A_30, %dot_general3A {dimension_numbers = #tpu.dot_dimension_numbers<[0], [0], [1], [1], [0, 1, 1, 1], [], []>, transpose_lhs_hint = false} : vector<64x64xbf16>, vector<64x8192xbf16>, vector<64x8192xf32> -> vector<64x8192xf32>
    %get3A_32 = arith.constant 64 : index
    %get3A_33 = arith.constant 0 : index
    %get3A_34 = vector.load %arg5[%get3A_32, %get3A_33] : memref<67x64xf32, #tpu.memory_space<vmem>>, vector<3x64xf32>
    %convert_element_type3A_35 = arith.truncf %get3A_34 : vector<3x64xf32> to vector<3x64xbf16>
    %convert_element_type3A_36 = arith.truncf %slice3A_26 : vector<3x8192xf32> to vector<3x8192xbf16>
    %dot_general3A_37 = arith.constant dense<0.000000e+00> : vector<64x8192xf32>
    %dot_general3A_38 = tpu.matmul %convert_element_type3A_35, %convert_element_type3A_36, %dot_general3A_37 {dimension_numbers = #tpu.dot_dimension_numbers<[0], [0], [1], [1], [0, 1, 1, 1], [], []>, transpose_lhs_hint = false} : vector<3x64xbf16>, vector<3x8192xbf16>, vector<64x8192xf32> -> vector<64x8192xf32>
    %add3A_39 = arith.addf %dot_general3A_31, %dot_general3A_38 : vector<64x8192xf32>
    %swap3A = arith.constant 0 : index
    %swap3A_40 = arith.constant 0 : index
    %swap3A_41 = arith.constant 0 : index
    %swap3A_42 = vector.load %arg6[%swap3A, %swap3A_40, %swap3A_41] : memref<1x64x8192xf32, #tpu.memory_space<vmem>>, vector<1x64x8192xf32>
    %swap3A_43 = vector.shape_cast %swap3A_42 : vector<1x64x8192xf32> to vector<64x8192xf32>
    %swap3A_44 = vector.shape_cast %add3A_39 : vector<64x8192xf32> to vector<1x64x8192xf32>
    tpu.vector_store %arg6[%swap3A, %swap3A_40, %swap3A_41], %swap3A_44 {strides = array<i32>} : memref<1x64x8192xf32, #tpu.memory_space<vmem>>, vector<1x64x8192xf32>,
    %eq3A = arith.constant 0 : i32
    %eq3A_45 = arith.cmpi eq, %arg1, %eq3A : i32
    %convert_element_type3A_46 = arith.extui %eq3A_45 : i1 to i32
    %cond3A = arith.constant 0 : i32
    %cond3A_47 = arith.cmpi ne, %convert_element_type3A_46, %cond3A : i32
    scf.if %cond3A_47 {
      %broadcast_in_dim3A_77 = arith.constant 0.000000e+00 : f32
      %broadcast_in_dim3A_78 = vector.broadcast %broadcast_in_dim3A_77 : f32 to vector<1x64x8xf32>
      %swap3A_79 = arith.constant 0 : index
      %swap3A_80 = arith.constant 0 : index
      %swap3A_81 = arith.constant 0 : index
      %swap3A_82 = vector.load %arg7[%swap3A_79, %swap3A_80, %swap3A_81] : memref<1x64x8xf32, #tpu.memory_space<vmem>>, vector<1x64x8xf32>
      tpu.vector_store %arg7[%swap3A_79, %swap3A_80, %swap3A_81], %broadcast_in_dim3A_78 {strides = array<i32>} : memref<1x64x8xf32, #tpu.memory_space<vmem>>, vector<1x64x8xf32>,
    } else {
    }
    %get3A_48 = arith.constant 0 : index
    %get3A_49 = arith.constant 0 : index
    %get3A_50 = arith.constant 0 : index
    %get3A_51 = vector.load %arg7[%get3A_48, %get3A_49, %get3A_50] : memref<1x64x8xf32, #tpu.memory_space<vmem>>, vector<1x64x1xf32>
    %get3A_52 = vector.shape_cast %get3A_51 : vector<1x64x1xf32> to vector<64x1xf32>
    %reduce_sum3A = arith.constant dense<0.000000e+00> : vector<64xf32>
    %reduce_sum3A_53 = vector.multi_reduction <add>, %add3A_39, %reduce_sum3A [1] : vector<64x8192xf32> to vector<64xf32>
    %broadcast_in_dim3A = vector.shape_cast %reduce_sum3A_53 : vector<64xf32> to vector<64x1xf32>
    %add3A_54 = arith.addf %get3A_52, %broadcast_in_dim3A : vector<64x1xf32>
    %swap3A_55 = arith.constant 0 : index
    %swap3A_56 = arith.constant 0 : index
    %swap3A_57 = arith.constant 0 : index
    %swap3A_58 = vector.load %arg7[%swap3A_55, %swap3A_56, %swap3A_57] : memref<1x64x8xf32, #tpu.memory_space<vmem>>, vector<1x64x1xf32>
    %swap3A_59 = vector.shape_cast %swap3A_58 : vector<1x64x1xf32> to vector<64x1xf32>
    %swap3A_60 = vector.shape_cast %add3A_54 : vector<64x1xf32> to vector<1x64x1xf32>
    tpu.vector_store %arg7[%swap3A_55, %swap3A_56, %swap3A_57], %swap3A_60 {strides = array<i32>} : memref<1x64x8xf32, #tpu.memory_space<vmem>>, vector<1x64x1xf32>,
    %get3A_61 = arith.constant 0 : index
    %get3A_62 = arith.constant 0 : index
    %get3A_63 = arith.constant 1 : index
    %get3A_64 = vector.load %arg7[%get3A_61, %get3A_62, %get3A_63] : memref<1x64x8xf32, #tpu.memory_space<vmem>>, vector<1x64x1xf32>
    %get3A_65 = vector.shape_cast %get3A_64 : vector<1x64x1xf32> to vector<64x1xf32>
    %mul3A_66 = arith.mulf %add3A_39, %add3A_39 : vector<64x8192xf32>
    %reduce_sum3A_67 = arith.constant dense<0.000000e+00> : vector<64xf32>
    %reduce_sum3A_68 = vector.multi_reduction <add>, %mul3A_66, %reduce_sum3A_67 [1] : vector<64x8192xf32> to vector<64xf32>
    %broadcast_in_dim3A_69 = vector.shape_cast %reduce_sum3A_68 : vector<64xf32> to vector<64x1xf32>
    %add3A_70 = arith.addf %get3A_65, %broadcast_in_dim3A_69 : vector<64x1xf32>
    %swap3A_71 = arith.constant 0 : index
    %swap3A_72 = arith.constant 0 : index
    %swap3A_73 = arith.constant 1 : index
    %swap3A_74 = vector.load %arg7[%swap3A_71, %swap3A_72, %swap3A_73] : memref<1x64x8xf32, #tpu.memory_space<vmem>>, vector<1x64x1xf32>
    %swap3A_75 = vector.shape_cast %swap3A_74 : vector<1x64x1xf32> to vector<64x1xf32>
    %swap3A_76 = vector.shape_cast %add3A_70 : vector<64x1xf32> to vector<1x64x1xf32>
    tpu.vector_store %arg7[%swap3A_71, %swap3A_72, %swap3A_73], %swap3A_76 {strides = array<i32>} : memref<1x64x8xf32, #tpu.memory_space<vmem>>, vector<1x64x1xf32>,
    return
  }
  func.func @transform_0(%arg0: i32, %arg1: i32) -> (i32, i32, i32) {
    %c0_i32 = arith.constant 0 : i32
    %c0_i32_0 = arith.constant 0 : i32
    return %arg0, %arg1, %c0_i32 : i32, i32, i32
  }
  func.func @transform_1(%arg0: i32, %arg1: i32) -> (i32, i32, i32) {
    %c0_i32 = arith.constant 0 : i32
    %c0_i32_0 = arith.constant 0 : i32
    %c0_i32_1 = arith.constant 0 : i32
    return %arg0, %c0_i32, %c0_i32_0 : i32, i32, i32
  }
  func.func @transform_2(%arg0: i32, %arg1: i32) -> (i32, i32, i32) {
    %c0_i32 = arith.constant 0 : i32
    %c0_i32_0 = arith.constant 0 : i32
    return %arg0, %c0_i32, %arg1 : i32, i32, i32
  }
  func.func @transform_3(%arg0: i32, %arg1: i32) -> (i32, i32) {
    %c0_i32 = arith.constant 0 : i32
    %c0_i32_0 = arith.constant 0 : i32
    %c0_i32_1 = arith.constant 0 : i32
    return %c0_i32, %c0_i32_0 : i32, i32
  }
  func.func @transform_4(%arg0: i32, %arg1: i32) -> (i32, i32, i32) {
    %c0_i32 = arith.constant 0 : i32
    %c0_i32_0 = arith.constant 0 : i32
    return %arg0, %c0_i32, %arg1 : i32, i32, i32
  }
  func.func @transform_5(%arg0: i32, %arg1: i32) -> (i32, i32, i32) {
    %c0_i32 = arith.constant 0 : i32
    %c0_i32_0 = arith.constant 0 : i32
    %c0_i32_1 = arith.constant 0 : i32
    return %arg0, %c0_i32, %c0_i32_0 : i32, i32, i32
  }
}

module attributes {stable_mosaic.version = 14 : i64} {
  func.func @_mid_body(%arg0: i32, %arg1: i32, %arg2: memref<1x64x8192xf32, #tpu.memory_space<vmem>>, %arg3: memref<1x64x8xf32, #tpu.memory_space<vmem>>, %arg4: memref<64x64xf32, #tpu.memory_space<vmem>>, %arg5: memref<1x64x8192xf32, #tpu.memory_space<vmem>>, %arg6: memref<1x64x8xf32, #tpu.memory_space<vmem>>) attributes {dimension_semantics = [#tpu.dimension_semantics<arbitrary>, #tpu.dimension_semantics<arbitrary>], iteration_bounds = array<i64: 2, 16>, scalar_prefetch = 0 : i64, scratch_operands = 0 : i64, tpu.core_type = #tpu.core_type<tc>, window_params = [{transform_indices = @transform_0, window_bounds = array<i64: 1, 64, 8192>}, {transform_indices = @transform_1, window_bounds = array<i64: 1, 64, 8>}, {pipeline_mode = #tpu.pipeline_mode<synchronous>, transform_indices = @transform_2, window_bounds = array<i64: 64, 64>}, {transform_indices = @transform_3, window_bounds = array<i64: 1, 64, 8192>}, {transform_indices = @transform_4, window_bounds = array<i64: 1, 64, 8>}]} {
    %get3A = arith.constant 0 : index
    %get3A_0 = arith.constant 0 : index
    %get3A_1 = arith.constant 0 : index
    %get3A_2 = vector.load %arg2[%get3A, %get3A_0, %get3A_1] : memref<1x64x8192xf32, #tpu.memory_space<vmem>>, vector<1x64x8192xf32>
    %get3A_3 = vector.shape_cast %get3A_2 : vector<1x64x8192xf32> to vector<64x8192xf32>
    %get3A_4 = arith.constant 0 : index
    %get3A_5 = arith.constant 0 : index
    %get3A_6 = arith.constant 0 : index
    %get3A_7 = vector.load %arg3[%get3A_4, %get3A_5, %get3A_6] : memref<1x64x8xf32, #tpu.memory_space<vmem>>, vector<1x64x8xf32>
    %get3A_8 = vector.shape_cast %get3A_7 : vector<1x64x8xf32> to vector<64x8xf32>
    %slice3A = vector.extract_strided_slice %get3A_8 {offsets = [0, 0], sizes = [64, 1], strides = [1, 1]} : vector<64x8xf32> to vector<64x1xf32>
    %mul3A = vector.broadcast %slice3A : vector<64x1xf32> to vector<64x8192xf32>
    %mul3A_9 = arith.mulf %get3A_3, %mul3A : vector<64x8192xf32>
    %get3A_10 = arith.constant 0 : index
    %get3A_11 = arith.constant 0 : index
    %get3A_12 = arith.constant 0 : index
    %get3A_13 = vector.load %arg3[%get3A_10, %get3A_11, %get3A_12] : memref<1x64x8xf32, #tpu.memory_space<vmem>>, vector<1x64x8xf32>
    %get3A_14 = vector.shape_cast %get3A_13 : vector<1x64x8xf32> to vector<64x8xf32>
    %slice3A_15 = vector.extract_strided_slice %get3A_14 {offsets = [0, 1], sizes = [64, 1], strides = [1, 1]} : vector<64x8xf32> to vector<64x1xf32>
    %add3A = vector.broadcast %slice3A_15 : vector<64x1xf32> to vector<64x8192xf32>
    %add3A_16 = arith.addf %mul3A_9, %add3A : vector<64x8192xf32>
    %ge3A = arith.constant 0.000000e+00 : f32
    %ge3A_17 = vector.broadcast %ge3A : f32 to vector<64x8192xf32>
    %ge3A_18 = arith.cmpf oge, %add3A_16, %ge3A_17 : vector<64x8192xf32>
    %mul3A_19 = arith.constant 1.000000e-01 : f32
    %mul3A_20 = vector.broadcast %mul3A_19 : f32 to vector<64x8192xf32>
    %mul3A_21 = arith.mulf %mul3A_20, %add3A_16 : vector<64x8192xf32>
    %select_n3A = arith.select %ge3A_18, %add3A_16, %mul3A_21 : vector<64x8192xi1>, vector<64x8192xf32>
    %get3A_22 = arith.constant 0 : index
    %get3A_23 = arith.constant 0 : index
    %get3A_24 = vector.load %arg4[%get3A_22, %get3A_23] : memref<64x64xf32, #tpu.memory_space<vmem>>, vector<64x64xf32>
    %convert_element_type3A = arith.truncf %get3A_24 : vector<64x64xf32> to vector<64x64xbf16>
    %convert_element_type3A_25 = arith.truncf %select_n3A : vector<64x8192xf32> to vector<64x8192xbf16>
    %dot_general3A = arith.constant dense<0.000000e+00> : vector<64x8192xf32>
    %dot_general3A_26 = tpu.matmul %convert_element_type3A, %convert_element_type3A_25, %dot_general3A {dimension_numbers = #tpu.dot_dimension_numbers<[0], [0], [1], [1], [0, 1, 1, 1], [], []>, transpose_lhs_hint = false} : vector<64x64xbf16>, vector<64x8192xbf16>, vector<64x8192xf32> -> vector<64x8192xf32>
    %eq3A = arith.constant 0 : i32
    %eq3A_27 = arith.cmpi eq, %arg1, %eq3A : i32
    %convert_element_type3A_28 = arith.extui %eq3A_27 : i1 to i32
    %cond3A = arith.constant 0 : i32
    %cond3A_29 = arith.cmpi ne, %convert_element_type3A_28, %cond3A : i32
    scf.if %cond3A_29 {
      %broadcast_in_dim3A_64 = arith.constant 0.000000e+00 : f32
      %broadcast_in_dim3A_65 = vector.broadcast %broadcast_in_dim3A_64 : f32 to vector<1x64x8xf32>
      %swap3A_66 = arith.constant 0 : index
      %swap3A_67 = arith.constant 0 : index
      %swap3A_68 = arith.constant 0 : index
      %swap3A_69 = vector.load %arg6[%swap3A_66, %swap3A_67, %swap3A_68] : memref<1x64x8xf32, #tpu.memory_space<vmem>>, vector<1x64x8xf32>
      tpu.vector_store %arg6[%swap3A_66, %swap3A_67, %swap3A_68], %broadcast_in_dim3A_65 {strides = array<i32>} : memref<1x64x8xf32, #tpu.memory_space<vmem>>, vector<1x64x8xf32>,
    } else {
    }
    %get3A_30 = arith.constant 0 : index
    %get3A_31 = arith.constant 0 : index
    %get3A_32 = arith.constant 0 : index
    %get3A_33 = vector.load %arg6[%get3A_30, %get3A_31, %get3A_32] : memref<1x64x8xf32, #tpu.memory_space<vmem>>, vector<1x64x1xf32>
    %get3A_34 = vector.shape_cast %get3A_33 : vector<1x64x1xf32> to vector<64x1xf32>
    %reduce_sum3A = arith.constant dense<0.000000e+00> : vector<64xf32>
    %reduce_sum3A_35 = vector.multi_reduction <add>, %dot_general3A_26, %reduce_sum3A [1] : vector<64x8192xf32> to vector<64xf32>
    %broadcast_in_dim3A = vector.shape_cast %reduce_sum3A_35 : vector<64xf32> to vector<64x1xf32>
    %add3A_36 = arith.addf %get3A_34, %broadcast_in_dim3A : vector<64x1xf32>
    %swap3A = arith.constant 0 : index
    %swap3A_37 = arith.constant 0 : index
    %swap3A_38 = arith.constant 0 : index
    %swap3A_39 = vector.load %arg6[%swap3A, %swap3A_37, %swap3A_38] : memref<1x64x8xf32, #tpu.memory_space<vmem>>, vector<1x64x1xf32>
    %swap3A_40 = vector.shape_cast %swap3A_39 : vector<1x64x1xf32> to vector<64x1xf32>
    %swap3A_41 = vector.shape_cast %add3A_36 : vector<64x1xf32> to vector<1x64x1xf32>
    tpu.vector_store %arg6[%swap3A, %swap3A_37, %swap3A_38], %swap3A_41 {strides = array<i32>} : memref<1x64x8xf32, #tpu.memory_space<vmem>>, vector<1x64x1xf32>,
    %get3A_42 = arith.constant 0 : index
    %get3A_43 = arith.constant 0 : index
    %get3A_44 = arith.constant 1 : index
    %get3A_45 = vector.load %arg6[%get3A_42, %get3A_43, %get3A_44] : memref<1x64x8xf32, #tpu.memory_space<vmem>>, vector<1x64x1xf32>
    %get3A_46 = vector.shape_cast %get3A_45 : vector<1x64x1xf32> to vector<64x1xf32>
    %mul3A_47 = arith.mulf %dot_general3A_26, %dot_general3A_26 : vector<64x8192xf32>
    %reduce_sum3A_48 = arith.constant dense<0.000000e+00> : vector<64xf32>
    %reduce_sum3A_49 = vector.multi_reduction <add>, %mul3A_47, %reduce_sum3A_48 [1] : vector<64x8192xf32> to vector<64xf32>
    %broadcast_in_dim3A_50 = vector.shape_cast %reduce_sum3A_49 : vector<64xf32> to vector<64x1xf32>
    %add3A_51 = arith.addf %get3A_46, %broadcast_in_dim3A_50 : vector<64x1xf32>
    %swap3A_52 = arith.constant 0 : index
    %swap3A_53 = arith.constant 0 : index
    %swap3A_54 = arith.constant 1 : index
    %swap3A_55 = vector.load %arg6[%swap3A_52, %swap3A_53, %swap3A_54] : memref<1x64x8xf32, #tpu.memory_space<vmem>>, vector<1x64x1xf32>
    %swap3A_56 = vector.shape_cast %swap3A_55 : vector<1x64x1xf32> to vector<64x1xf32>
    %swap3A_57 = vector.shape_cast %add3A_51 : vector<64x1xf32> to vector<1x64x1xf32>
    tpu.vector_store %arg6[%swap3A_52, %swap3A_53, %swap3A_54], %swap3A_57 {strides = array<i32>} : memref<1x64x8xf32, #tpu.memory_space<vmem>>, vector<1x64x1xf32>,
    %swap3A_58 = arith.constant 0 : index
    %swap3A_59 = arith.constant 0 : index
    %swap3A_60 = arith.constant 0 : index
    %swap3A_61 = vector.load %arg5[%swap3A_58, %swap3A_59, %swap3A_60] : memref<1x64x8192xf32, #tpu.memory_space<vmem>>, vector<1x64x8192xf32>
    %swap3A_62 = vector.shape_cast %swap3A_61 : vector<1x64x8192xf32> to vector<64x8192xf32>
    %swap3A_63 = vector.shape_cast %dot_general3A_26 : vector<64x8192xf32> to vector<1x64x8192xf32>
    tpu.vector_store %arg5[%swap3A_58, %swap3A_59, %swap3A_60], %swap3A_63 {strides = array<i32>} : memref<1x64x8192xf32, #tpu.memory_space<vmem>>, vector<1x64x8192xf32>,
    return
  }
  func.func @transform_0(%arg0: i32, %arg1: i32) -> (i32, i32, i32) {
    %c0_i32 = arith.constant 0 : i32
    %c0_i32_0 = arith.constant 0 : i32
    return %arg0, %c0_i32, %arg1 : i32, i32, i32
  }
  func.func @transform_1(%arg0: i32, %arg1: i32) -> (i32, i32, i32) {
    %c0_i32 = arith.constant 0 : i32
    %c0_i32_0 = arith.constant 0 : i32
    %c0_i32_1 = arith.constant 0 : i32
    return %arg0, %c0_i32, %c0_i32_0 : i32, i32, i32
  }
  func.func @transform_2(%arg0: i32, %arg1: i32) -> (i32, i32) {
    %c0_i32 = arith.constant 0 : i32
    %c0_i32_0 = arith.constant 0 : i32
    %c0_i32_1 = arith.constant 0 : i32
    return %c0_i32, %c0_i32_0 : i32, i32
  }
  func.func @transform_3(%arg0: i32, %arg1: i32) -> (i32, i32, i32) {
    %c0_i32 = arith.constant 0 : i32
    %c0_i32_0 = arith.constant 0 : i32
    return %arg0, %c0_i32, %arg1 : i32, i32, i32
  }
  func.func @transform_4(%arg0: i32, %arg1: i32) -> (i32, i32, i32) {
    %c0_i32 = arith.constant 0 : i32
    %c0_i32_0 = arith.constant 0 : i32
    %c0_i32_1 = arith.constant 0 : i32
    return %arg0, %c0_i32, %c0_i32_0 : i32, i32, i32
  }
}

module attributes {stable_mosaic.version = 14 : i64} {
  func.func @_mid_body(%arg0: i32, %arg1: i32, %arg2: memref<1x64x8192xf32, #tpu.memory_space<vmem>>, %arg3: memref<1x64x8xf32, #tpu.memory_space<vmem>>, %arg4: memref<64x128xf32, #tpu.memory_space<vmem>>, %arg5: memref<1x256x128xf32, #tpu.memory_space<vmem>>, %arg6: memref<1x8x128xf32, #tpu.memory_space<vmem>>) attributes {dimension_semantics = [#tpu.dimension_semantics<arbitrary>, #tpu.dimension_semantics<arbitrary>], iteration_bounds = array<i64: 2, 16>, scalar_prefetch = 0 : i64, scratch_operands = 0 : i64, tpu.core_type = #tpu.core_type<tc>, window_params = [{transform_indices = @transform_0, window_bounds = array<i64: 1, 64, 8192>}, {transform_indices = @transform_1, window_bounds = array<i64: 1, 64, 8>}, {pipeline_mode = #tpu.pipeline_mode<synchronous>, transform_indices = @transform_2, window_bounds = array<i64: 64, 128>}, {transform_indices = @transform_3, window_bounds = array<i64: 1, 256, 128>}, {transform_indices = @transform_4, window_bounds = array<i64: 1, 8, 128>}]} {
    %get3A = arith.constant 0 : index
    %get3A_0 = arith.constant 0 : index
    %get3A_1 = arith.constant 0 : index
    %get3A_2 = vector.load %arg2[%get3A, %get3A_0, %get3A_1] : memref<1x64x8192xf32, #tpu.memory_space<vmem>>, vector<1x64x8192xf32>
    %get3A_3 = vector.shape_cast %get3A_2 : vector<1x64x8192xf32> to vector<64x8192xf32>
    %get3A_4 = arith.constant 0 : index
    %get3A_5 = arith.constant 0 : index
    %get3A_6 = arith.constant 0 : index
    %get3A_7 = vector.load %arg3[%get3A_4, %get3A_5, %get3A_6] : memref<1x64x8xf32, #tpu.memory_space<vmem>>, vector<1x64x8xf32>
    %get3A_8 = vector.shape_cast %get3A_7 : vector<1x64x8xf32> to vector<64x8xf32>
    %slice3A = vector.extract_strided_slice %get3A_8 {offsets = [0, 0], sizes = [64, 1], strides = [1, 1]} : vector<64x8xf32> to vector<64x1xf32>
    %mul3A = vector.broadcast %slice3A : vector<64x1xf32> to vector<64x8192xf32>
    %mul3A_9 = arith.mulf %get3A_3, %mul3A : vector<64x8192xf32>
    %get3A_10 = arith.constant 0 : index
    %get3A_11 = arith.constant 0 : index
    %get3A_12 = arith.constant 0 : index
    %get3A_13 = vector.load %arg3[%get3A_10, %get3A_11, %get3A_12] : memref<1x64x8xf32, #tpu.memory_space<vmem>>, vector<1x64x8xf32>
    %get3A_14 = vector.shape_cast %get3A_13 : vector<1x64x8xf32> to vector<64x8xf32>
    %slice3A_15 = vector.extract_strided_slice %get3A_14 {offsets = [0, 1], sizes = [64, 1], strides = [1, 1]} : vector<64x8xf32> to vector<64x1xf32>
    %add3A = vector.broadcast %slice3A_15 : vector<64x1xf32> to vector<64x8192xf32>
    %add3A_16 = arith.addf %mul3A_9, %add3A : vector<64x8192xf32>
    %ge3A = arith.constant 0.000000e+00 : f32
    %ge3A_17 = vector.broadcast %ge3A : f32 to vector<64x8192xf32>
    %ge3A_18 = arith.cmpf oge, %add3A_16, %ge3A_17 : vector<64x8192xf32>
    %mul3A_19 = arith.constant 1.000000e-01 : f32
    %mul3A_20 = vector.broadcast %mul3A_19 : f32 to vector<64x8192xf32>
    %mul3A_21 = arith.mulf %mul3A_20, %add3A_16 : vector<64x8192xf32>
    %select_n3A = arith.select %ge3A_18, %add3A_16, %mul3A_21 : vector<64x8192xi1>, vector<64x8192xf32>
    %convert_element_type3A = arith.truncf %select_n3A : vector<64x8192xf32> to vector<64x8192xbf16>
    %get3A_22 = arith.constant 0 : index
    %get3A_23 = arith.constant 0 : index
    %get3A_24 = vector.load %arg4[%get3A_22, %get3A_23] : memref<64x128xf32, #tpu.memory_space<vmem>>, vector<64x128xf32>
    %convert_element_type3A_25 = arith.truncf %get3A_24 : vector<64x128xf32> to vector<64x128xbf16>
    %dot_general3A = arith.constant dense<0.000000e+00> : vector<8192x128xf32>
    %dot_general3A_26 = tpu.matmul %convert_element_type3A, %convert_element_type3A_25, %dot_general3A {dimension_numbers = #tpu.dot_dimension_numbers<[0], [0], [1], [1], [0, 1, 1, 1], [], []>, transpose_lhs_hint = false} : vector<64x8192xbf16>, vector<64x128xbf16>, vector<8192x128xf32> -> vector<8192x128xf32>
    %eq3A = arith.constant 0 : i32
    %eq3A_27 = arith.cmpi eq, %arg1, %eq3A : i32
    %convert_element_type3A_28 = arith.extui %eq3A_27 : i1 to i32
    %cond3A = arith.constant 0 : i32
    %cond3A_29 = arith.cmpi ne, %convert_element_type3A_28, %cond3A : i32
    scf.if %cond3A_29 {
      %broadcast_in_dim3A_65 = arith.constant 0.000000e+00 : f32
      %broadcast_in_dim3A_66 = vector.broadcast %broadcast_in_dim3A_65 : f32 to vector<1x8x128xf32>
      %swap3A_67 = arith.constant 0 : index
      %swap3A_68 = arith.constant 0 : index
      %swap3A_69 = arith.constant 0 : index
      %swap3A_70 = vector.load %arg6[%swap3A_67, %swap3A_68, %swap3A_69] : memref<1x8x128xf32, #tpu.memory_space<vmem>>, vector<1x8x128xf32>
      tpu.vector_store %arg6[%swap3A_67, %swap3A_68, %swap3A_69], %broadcast_in_dim3A_66 {strides = array<i32>} : memref<1x8x128xf32, #tpu.memory_space<vmem>>, vector<1x8x128xf32>,
    } else {
    }
    %get3A_30 = arith.constant 0 : index
    %get3A_31 = arith.constant 0 : index
    %get3A_32 = arith.constant 0 : index
    %get3A_33 = vector.load %arg6[%get3A_30, %get3A_31, %get3A_32] : memref<1x8x128xf32, #tpu.memory_space<vmem>>, vector<1x1x128xf32>
    %get3A_34 = vector.shape_cast %get3A_33 : vector<1x1x128xf32> to vector<1x128xf32>
    %reduce_sum3A = arith.constant dense<0.000000e+00> : vector<128xf32>
    %reduce_sum3A_35 = vector.multi_reduction <add>, %dot_general3A_26, %reduce_sum3A [0] : vector<8192x128xf32> to vector<128xf32>
    %broadcast_in_dim3A = vector.shape_cast %reduce_sum3A_35 : vector<128xf32> to vector<1x128xf32>
    %add3A_36 = arith.addf %get3A_34, %broadcast_in_dim3A : vector<1x128xf32>
    %swap3A = arith.constant 0 : index
    %swap3A_37 = arith.constant 0 : index
    %swap3A_38 = arith.constant 0 : index
    %swap3A_39 = vector.load %arg6[%swap3A, %swap3A_37, %swap3A_38] : memref<1x8x128xf32, #tpu.memory_space<vmem>>, vector<1x1x128xf32>
    %swap3A_40 = vector.shape_cast %swap3A_39 : vector<1x1x128xf32> to vector<1x128xf32>
    %swap3A_41 = vector.shape_cast %add3A_36 : vector<1x128xf32> to vector<1x1x128xf32>
    tpu.vector_store %arg6[%swap3A, %swap3A_37, %swap3A_38], %swap3A_41 {strides = array<i32>} : memref<1x8x128xf32, #tpu.memory_space<vmem>>, vector<1x1x128xf32>,
    %get3A_42 = arith.constant 0 : index
    %get3A_43 = arith.constant 1 : index
    %get3A_44 = arith.constant 0 : index
    %get3A_45 = vector.load %arg6[%get3A_42, %get3A_43, %get3A_44] : memref<1x8x128xf32, #tpu.memory_space<vmem>>, vector<1x1x128xf32>
    %get3A_46 = vector.shape_cast %get3A_45 : vector<1x1x128xf32> to vector<1x128xf32>
    %mul3A_47 = arith.mulf %dot_general3A_26, %dot_general3A_26 : vector<8192x128xf32>
    %reduce_sum3A_48 = arith.constant dense<0.000000e+00> : vector<128xf32>
    %reduce_sum3A_49 = vector.multi_reduction <add>, %mul3A_47, %reduce_sum3A_48 [0] : vector<8192x128xf32> to vector<128xf32>
    %broadcast_in_dim3A_50 = vector.shape_cast %reduce_sum3A_49 : vector<128xf32> to vector<1x128xf32>
    %add3A_51 = arith.addf %get3A_46, %broadcast_in_dim3A_50 : vector<1x128xf32>
    %swap3A_52 = arith.constant 0 : index
    %swap3A_53 = arith.constant 1 : index
    %swap3A_54 = arith.constant 0 : index
    %swap3A_55 = vector.load %arg6[%swap3A_52, %swap3A_53, %swap3A_54] : memref<1x8x128xf32, #tpu.memory_space<vmem>>, vector<1x1x128xf32>
    %swap3A_56 = vector.shape_cast %swap3A_55 : vector<1x1x128xf32> to vector<1x128xf32>
    %swap3A_57 = vector.shape_cast %add3A_51 : vector<1x128xf32> to vector<1x1x128xf32>
    tpu.vector_store %arg6[%swap3A_52, %swap3A_53, %swap3A_54], %swap3A_57 {strides = array<i32>} : memref<1x8x128xf32, #tpu.memory_space<vmem>>, vector<1x1x128xf32>,
    %reshape3A = vector.shape_cast %dot_general3A_26 : vector<8192x128xf32> to vector<256x32x128xf32>
    %reduce_max3A = arith.constant dense<0xFF800000> : vector<256x128xf32>
    %reduce_max3A_58 = vector.multi_reduction <maximumf>, %reshape3A, %reduce_max3A [1] : vector<256x32x128xf32> to vector<256x128xf32>
    %swap3A_59 = arith.constant 0 : index
    %swap3A_60 = arith.constant 0 : index
    %swap3A_61 = arith.constant 0 : index
    %swap3A_62 = vector.load %arg5[%swap3A_59, %swap3A_60, %swap3A_61] : memref<1x256x128xf32, #tpu.memory_space<vmem>>, vector<1x256x128xf32>
    %swap3A_63 = vector.shape_cast %swap3A_62 : vector<1x256x128xf32> to vector<256x128xf32>
    %swap3A_64 = vector.shape_cast %reduce_max3A_58 : vector<256x128xf32> to vector<1x256x128xf32>
    tpu.vector_store %arg5[%swap3A_59, %swap3A_60, %swap3A_61], %swap3A_64 {strides = array<i32>} : memref<1x256x128xf32, #tpu.memory_space<vmem>>, vector<1x256x128xf32>,
    return
  }
  func.func @transform_0(%arg0: i32, %arg1: i32) -> (i32, i32, i32) {
    %c0_i32 = arith.constant 0 : i32
    %c0_i32_0 = arith.constant 0 : i32
    return %arg0, %c0_i32, %arg1 : i32, i32, i32
  }
  func.func @transform_1(%arg0: i32, %arg1: i32) -> (i32, i32, i32) {
    %c0_i32 = arith.constant 0 : i32
    %c0_i32_0 = arith.constant 0 : i32
    %c0_i32_1 = arith.constant 0 : i32
    return %arg0, %c0_i32, %c0_i32_0 : i32, i32, i32
  }
  func.func @transform_2(%arg0: i32, %arg1: i32) -> (i32, i32) {
    %c0_i32 = arith.constant 0 : i32
    %c0_i32_0 = arith.constant 0 : i32
    %c0_i32_1 = arith.constant 0 : i32
    return %c0_i32, %c0_i32_0 : i32, i32
  }
  func.func @transform_3(%arg0: i32, %arg1: i32) -> (i32, i32, i32) {
    %c0_i32 = arith.constant 0 : i32
    %c0_i32_0 = arith.constant 0 : i32
    return %arg0, %arg1, %c0_i32 : i32, i32, i32
  }
  func.func @transform_4(%arg0: i32, %arg1: i32) -> (i32, i32, i32) {
    %c0_i32 = arith.constant 0 : i32
    %c0_i32_0 = arith.constant 0 : i32
    %c0_i32_1 = arith.constant 0 : i32
    return %arg0, %c0_i32, %c0_i32_0 : i32, i32, i32
  }
}

module attributes {stable_mosaic.version = 14 : i64} {
  func.func @_ep_body(%arg0: i32, %arg1: i32, %arg2: memref<1x512x128xf32, #tpu.memory_space<vmem>>, %arg3: memref<1x8x128xf32, #tpu.memory_space<vmem>>, %arg4: memref<1x128x512xf32, #tpu.memory_space<vmem>>) attributes {dimension_semantics = [#tpu.dimension_semantics<arbitrary>, #tpu.dimension_semantics<arbitrary>], iteration_bounds = array<i64: 2, 8>, scalar_prefetch = 0 : i64, scratch_operands = 0 : i64, tpu.core_type = #tpu.core_type<tc>, window_params = [{transform_indices = @transform_0, window_bounds = array<i64: 1, 512, 128>}, {transform_indices = @transform_1, window_bounds = array<i64: 1, 8, 128>}, {transform_indices = @transform_2, window_bounds = array<i64: 1, 128, 512>}]} {
    %get3A = arith.constant 0 : index
    %get3A_0 = arith.constant 0 : index
    %get3A_1 = arith.constant 0 : index
    %get3A_2 = vector.load %arg2[%get3A, %get3A_0, %get3A_1] : memref<1x512x128xf32, #tpu.memory_space<vmem>>, vector<1x512x128xf32>
    %get3A_3 = vector.shape_cast %get3A_2 : vector<1x512x128xf32> to vector<512x128xf32>
    %get3A_4 = arith.constant 0 : index
    %get3A_5 = arith.constant 0 : index
    %get3A_6 = arith.constant 0 : index
    %get3A_7 = vector.load %arg3[%get3A_4, %get3A_5, %get3A_6] : memref<1x8x128xf32, #tpu.memory_space<vmem>>, vector<1x1x128xf32>
    %get3A_8 = vector.shape_cast %get3A_7 : vector<1x1x128xf32> to vector<1x128xf32>
    %mul3A = vector.broadcast %get3A_8 : vector<1x128xf32> to vector<512x128xf32>
    %mul3A_9 = arith.mulf %get3A_3, %mul3A : vector<512x128xf32>
    %get3A_10 = arith.constant 0 : index
    %get3A_11 = arith.constant 1 : index
    %get3A_12 = arith.constant 0 : index
    %get3A_13 = vector.load %arg3[%get3A_10, %get3A_11, %get3A_12] : memref<1x8x128xf32, #tpu.memory_space<vmem>>, vector<1x1x128xf32>
    %get3A_14 = vector.shape_cast %get3A_13 : vector<1x1x128xf32> to vector<1x128xf32>
    %add3A = vector.broadcast %get3A_14 : vector<1x128xf32> to vector<512x128xf32>
    %add3A_15 = arith.addf %mul3A_9, %add3A : vector<512x128xf32>
    %ge3A = arith.constant 0.000000e+00 : f32
    %ge3A_16 = vector.broadcast %ge3A : f32 to vector<512x128xf32>
    %ge3A_17 = arith.cmpf oge, %add3A_15, %ge3A_16 : vector<512x128xf32>
    %mul3A_18 = arith.constant 1.000000e-01 : f32
    %mul3A_19 = vector.broadcast %mul3A_18 : f32 to vector<512x128xf32>
    %mul3A_20 = arith.mulf %mul3A_19, %add3A_15 : vector<512x128xf32>
    %select_n3A = arith.select %ge3A_17, %add3A_15, %mul3A_20 : vector<512x128xi1>, vector<512x128xf32>
    %transpose3A = tpu.transpose %select_n3A, [1, 0] : vector<512x128xf32> -> vector<128x512xf32>
    %swap3A = arith.constant 0 : index
    %swap3A_21 = arith.constant 0 : index
    %swap3A_22 = arith.constant 0 : index
    %swap3A_23 = vector.load %arg4[%swap3A, %swap3A_21, %swap3A_22] : memref<1x128x512xf32, #tpu.memory_space<vmem>>, vector<1x128x512xf32>
    %swap3A_24 = vector.shape_cast %swap3A_23 : vector<1x128x512xf32> to vector<128x512xf32>
    %swap3A_25 = vector.shape_cast %transpose3A : vector<128x512xf32> to vector<1x128x512xf32>
    tpu.vector_store %arg4[%swap3A, %swap3A_21, %swap3A_22], %swap3A_25 {strides = array<i32>} : memref<1x128x512xf32, #tpu.memory_space<vmem>>, vector<1x128x512xf32>,
    return
  }
  func.func @transform_0(%arg0: i32, %arg1: i32) -> (i32, i32, i32) {
    %c0_i32 = arith.constant 0 : i32
    %c0_i32_0 = arith.constant 0 : i32
    return %arg0, %arg1, %c0_i32 : i32, i32, i32
  }
  func.func @transform_1(%arg0: i32, %arg1: i32) -> (i32, i32, i32) {
    %c0_i32 = arith.constant 0 : i32
    %c0_i32_0 = arith.constant 0 : i32
    %c0_i32_1 = arith.constant 0 : i32
    return %arg0, %c0_i32, %c0_i32_0 : i32, i32, i32
  }
  func.func @transform_2(%arg0: i32, %arg1: i32) -> (i32, i32, i32) {
    %c0_i32 = arith.constant 0 : i32
    %c0_i32_0 = arith.constant 0 : i32
    return %arg0, %c0_i32, %arg1 : i32, i32, i32
  }
}

</mosaic_0001>

<sc_bundles>
// kernel: kernel.16.cloned.1.call-start
scs
__scs_entry_jumppad:
0x0: {  	(pc) =	sbr.rel $0x88, $3  }
0x1: {  	(tag) =	ssettag $0x0;
	lr =	simm.s32 $0x1  }
0x2: {  	[smem:$0x3F84] =	sst lr;
	_ =	strace $0xD0000000  }
0x3: {  	_ = 	snop  }
0x4: {  	_ = 	snop  }
0x5: {  	_ = 	snop  }
0x6: {  	_ = 	snop  }
0x7: {  	_ = 	snop  }
__scs_overlays_trampoline_lowered:
0x8: {  	[smem:$0x3F93] =	sst s0  }
0x9: {  	[smem:$0x3F94] =	sst s1  }
0xa: {  	[smem:$0x3F95] =	sst s2  }
0xb: {  	[smem:$0x3F96] =	sst s3  }
0xc: {  	[smem:$0x3F97] =	sst s4  }
0xd: {  	[smem:$0x3F98] =	sst s5  }
0xe: {  	[smem:$0x3F99] =	sst s6  }
0xf: {  	[smem:$0x3F9A] =	sst s7  }
0x10: {  	[smem:$0x3F9B] =	sst s8  }
0x11: {  	[smem:$0x3F9C] =	sst s9;
	s0 =	simm.s32 @!p0 $0x0  }
0x12: {  	s1 =	sld [smem:$0x3F82];
	s0 =	simm.s32 @p0 $0x1  }
0x13: {  	[smem:$0x3F9D] =	sst s0;
	s0 =	simm.s32 @!p1 $0x0  }
0x14: {  	s2 =	sld [smem:$0x3F81];
	s0 =	simm.s32 @p1 $0x1  }
0x15: {  	[smem:$0x3F9E] =	sst s0;
	s0 =	simm.s32 @!p2 $0x0  }
0x16: {  	s3 =	sld [smem:$0x3FDB];
	s0 =	simm.s32 @p2 $0x1  }
0x17: {  	s4 =	simm.s32 $0x1BF5;
	[smem:$0x3FA0] =	sst s0  }
0x18: {  	s0 =	sld [smem:$0x3F83];
	_ =	swait.ge [sflag:s4], $0x0  }
0x19: {  	s7 =	sld [smem:$0x3F84]  }
0x1a: {  	s8 =	sadd.s32 $0xFFFFE003, lr  }
0x1b: {  	s9 =	sadd.s32 $0xFFFFFEF7, lr;
	s5 =	simm.s32 $0xFFFFFFFF;
	p2 =	slt.u32 s8, $0xFFFFF086  }
0x1c: {  	p1 =	slt.u32 s9, $0xF7A;
	s5 =	simm.s32 @!p2 $0x0  }
0x1d: {  	s5 =	simm.s32 @p1 $0x1;
	p0 =	seq.s32 s7, s2  }
0x1e: {  	s7 =	smul.u32 @!p0 $0xF7A, s2;
	p2 =	seq.s32 @!p0 s5, $0x0  }
0x1f: {  	s9 =	smul.u32 $0xF7A, s1;
	s8 =	simm.s32 @!p0 $0x1BF5;
	p2 =	por !p2, p0  }
0x20: {  	[sflag:s8] =	ssyncset.s32 @!p0 $0xFFFFF086;
	s6 =	sadd.s32 @!p0 s3, s7;
	s7 =	simm.s32 @!p0 $0x108  }
0x21: {  	s3 =	sadd.s32 s3, s9;
	s6 =	sadd.s32 @!p0 $0x88, s6;
	s7 =	simm.s32 @p2 $0x1082  }
0x22: {  	[simem:s7], [sflag:s8] =	dma.local @!p0 [hbm:s6], $0xF7A  }
0x23: {  	s9 =	sor.u32 $0xD0000000, s2;
	s6 =	simm.s32 $0x108;
	_ =	swait.ge @!p0 [sflag:s8], $0x0  }
0x24: {  	s3 =	sadd.s32 $0x88, s3;
	s6 =	simm.s32 @!p1 $0x1082;
	[sflag:s4] =	ssyncset.s32 $0xFFFFF086  }
0x25: {  	[simem:s6], [sflag:s4] =	dma.local [hbm:s3], $0xF7A  }
0x26: {  	[smem:$0x3F84] =	sst s1;
	(tag) =	ssettag s2;
	_ =	strace s9  }
0x27: {  	s1 =	sld [smem:$0x3F94]  }
0x28: {  	s2 =	sld [smem:$0x3F95]  }
0x29: {  	s4 =	sld [smem:$0x3F97]  }
0x2a: {  	p0 =	seq.s32 s5, $0x0;
	s5 =	sld [smem:$0x3F98]  }
0x2b: {  	s6 =	sld [smem:$0x3F99]  }
0x2c: {  	s7 =	sld [smem:$0x3F9A]  }
0x2d: {  	s3 =	simm.s32 $0x108;
	s8 =	sld [smem:$0x3F9B]  }
0x2e: {  	s3 =	simm.s32 @!p0 $0x1082;
	s9 =	sld [smem:$0x3F9C]  }
0x2f: {  	lr =	sadd.s32 s0, s3;
	s0 =	sld [smem:$0x3F93]  }
0x30: {  	s3 =	sld [smem:$0x3F96]  }
0x31: {  	[smem:$0x3F9F] =	sst s10  }
0x32: {  	s10 =	sld [smem:$0x3F9D];
	_ =	sdelay $0x3  }
0x33: {  	p0 =	seq.s32 s10, $0x1;
	s10 =	sld [smem:$0x3F9F];
	_ =	sdelay $0x3  }
0x34: {  	[smem:$0x3F9F] =	sst s10  }
0x35: {  	s10 =	sld [smem:$0x3F9E];
	_ =	sdelay $0x3  }
0x36: {  	p1 =	seq.s32 s10, $0x1;
	s10 =	sld [smem:$0x3F9F];
	_ =	sdelay $0x3  }
0x37: {  	[smem:$0x3F9F] =	sst s10  }
0x38: {  	s10 =	sld [smem:$0x3FA0]  }
0x39: {  	_ = 	snop;
	(pc) =	sbr.ind lr, $3  }
0x3a: {  	_ = 	snop  }
0x3b: {  	_ = 	snop  }
0x3c: {  	p2 =	seq.s32 s10, $0x1;
	s10 =	sld [smem:$0x3F9F]  }
0x3d: {  	_ =	shalt  }
0x3e: {  	_ =	shalt  }
0x3f: {  	_ =	shalt  }
0x40: {  	_ =	shalt  }
0x41: {  	_ =	shalt  }
0x42: {  	_ =	shalt  }
0x43: {  	_ =	shalt  }
0x44: {  	_ =	shalt  }
0x45: {  	_ =	shalt  }
0x46: {  	_ =	shalt  }
0x47: {  	_ =	shalt  }
0x48: {  	_ =	shalt  }
0x49: {  	_ =	shalt  }
0x4a: {  	_ =	shalt  }
0x4b: {  	_ =	shalt  }
0x4c: {  	_ =	shalt  }
0x4d: {  	_ =	shalt  }
0x4e: {  	_ =	shalt  }
0x4f: {  	_ =	shalt  }
0x50: {  	_ =	shalt  }
0x51: {  	_ =	shalt  }
0x52: {  	_ =	shalt  }
0x53: {  	_ =	shalt  }
0x54: {  	_ =	shalt  }
0x55: {  	_ =	shalt  }
0x56: {  	_ =	shalt  }
0x57: {  	_ =	shalt  }
0x58: {  	_ =	shalt  }
0x59: {  	_ =	shalt  }
0x5a: {  	_ =	shalt  }
0x5b: {  	_ =	shalt  }
0x5c: {  	_ =	shalt  }
0x5d: {  	_ =	shalt  }
0x5e: {  	_ =	shalt  }
0x5f: {  	_ =	shalt  }
0x60: {  	_ =	shalt  }
0x61: {  	_ =	shalt  }
0x62: {  	_ =	shalt  }
0x63: {  	_ =	shalt  }
0x64: {  	_ =	shalt  }
0x65: {  	_ =	shalt  }
0x66: {  	_ =	shalt  }
0x67: {  	_ =	shalt  }
0x68: {  	_ =	shalt  }
0x69: {  	_ =	shalt  }
0x6a: {  	_ =	shalt  }
0x6b: {  	_ =	shalt  }
0x6c: {  	_ =	shalt  }
0x6d: {  	_ =	shalt  }
0x6e: {  	_ =	shalt  }
0x6f: {  	_ =	shalt  }
0x70: {  	_ =	shalt  }
0x71: {  	_ =	shalt  }
0x72: {  	_ =	shalt  }
0x73: {  	_ =	shalt  }
0x74: {  	_ =	shalt  }
0x75: {  	_ =	shalt  }
0x76: {  	_ =	shalt  }
0x77: {  	_ =	shalt  }
0x78: {  	_ =	shalt  }
0x79: {  	_ =	shalt  }
0x7a: {  	_ =	shalt  }
0x7b: {  	_ =	shalt  }
0x7c: {  	_ =	shalt  }
0x7d: {  	_ =	shalt  }
0x7e: {  	_ =	shalt  }
0x7f: {  	_ =	shalt  }
0x80: {  	_ =	shalt  }
0x81: {  	_ =	shalt  }
0x82: {  	_ =	shalt  }
0x83: {  	_ =	shalt  }
0x84: {  	_ =	shalt  }
0x85: {  	_ =	shalt  }
0x86: {  	_ =	shalt  }
0x87: {  	_ =	shalt  }
.Lfunc_end0:
.L_simem_size_0:
called_computation_lowered:
.L_overlay_start_0:
0x88: {  	s2 =	sld [smem:$0x3FD9]  }
0x89: {  	s3 =	sld [smem:$0x3FFE];
	_ =	sdelay $0x1  }
0x8a: {  	s1 =	srdreg.scid  }
0x8b: {  	s0 =	sand.u32 $0x1, s1  }
0x8c: {  	s17 =	sshll.u32 s0, $0xA;
	s2 =	sadd.s32 s3, s2  }
0x8d: {  	s2 =	sadd.s32 s2, s17  }
0x8e: {  	[smem:$0x3FAB] =	sst s2  }
0x8f: {  	_ = 	snop  }
0x90: {  	s2 =	sld [smem:$0x3FD0];
	(tm) =	ssettm $0x1  }
0x91: {  	s18 =	sld [smem:$0x3FFB];
	_ =	sdelay $0x3  }
0x92: {  	_ =	strace s18  }
0x93: {  	s3 =	sld [smem:$0x3FFC];
	_ =	sdelay $0x3  }
0x94: {  	_ =	strace s3  }
0x95: {  	s3 =	sld [smem:$0x3FFD];
	_ =	sdelay $0x3  }
0x96: {  	_ =	strace s3  }
0x97: {  	_ =	strace $0x8FFFFFFF  }
0x98: {  	s19 =	sld [smem:$0x3FDB];
	_ =	sdelay $0x1  }
0x99: {  	s4 =	simm.s32 $_scs_section_size  }
0x9a: {  	s5 =	simm.s32 $_size__tile_overlayer_lowered;
	s6 =	simm.s32 $_tile_overlayer_lowered  }
0x9b: {  	s22 =	simm.s32 $0x1BFF;
	s21 =	sshll.u32 s6, $0x1;
	s3 =	sadd.s32 s4, s19  }
0x9c: {  	s7 =	simm.s32 $0x0;
	s20 =	sshll.u32 s5, $0x1;
	s5 =	sadd.s32 s21, s3  }
0x9d: {  	[timem:s7], [sflag:s22] =	dma.local [hbm:s5], s20  }
0x9e: {  	_ =	swait.ge [sflag:s22], s20  }
0x9f: {  	s4 =	ssub.s32 $0x0, s20;
	[sflag:s22] =	ssyncset.done $0x0  }
0xa0: {  	[sflag:s22] =	ssyncadd.s32 s4;
	_ =	sdelay $0x1  }
0xa1: {  	s23 =	simm.s32 $0x1B8B  }
0xa2: {  	_ =	swait.ge [sflag:s23], $0x1  }
0xa3: {  	[sflag:s23] =	ssyncset.done $0x0  }
0xa4: {  	s25 =	simm.s32 $0x1B8E;
	s24 =	sld [smem:$0x3FFE];
	[sflag:s23] =	ssyncadd.s32 $0xFFFFFFFF  }
0xa5: {  	s26 =	simm.s32 $execute0_lowered;
	[smem:$0x3FD2] =	sst s25  }
0xa6: {  	s5 =	sshll.u32 s26, $0x1;
	_ =	strace $0x80000046;
	[dreg:$0x1] =	wrdreg $0xFFFFFFFF  }
0xa7: {  	s28 =	simm.s32 $_size_execute0_lowered;
	s3 =	sadd.s32 s3, s5;
	[dreg:$0x0] =	wrdreg $0x0  }
0xa8: {  	s5 =	sshll.u32 s28, $0x1;
	[dreg:$0x2] =	wrdreg s3  }
0xa9: {  	[dreg:$0x3] =	wrdreg s5  }
0xaa: {  	[dreg:$0x4] =	wrdreg $0xC0  }
0xab: {  	_ =	task [dreg:s7], $0x5FFFF  }
0xac: {  	[dreg:$0x1] =	wrdreg $0xFFFFFFFF  }
0xad: {  	[dreg:$0x0] =	wrdreg $0x60  }
0xae: {  	[dreg:$0x2] =	wrdreg s2  }
0xaf: {  	[dreg:$0x3] =	wrdreg s24  }
0xb0: {  	[dreg:$0x4] =	wrdreg $0x9  }
0xb1: {  	_ =	task.clear_ibuf [dreg:s7], $0x5FFFF;
	_ =	strace $0x90000046  }
0xb2: {  	s29 =	simm.s32 $0x9;
	_ =	strace $0x8000004F  }
0xb3: {  	_ =	swait.ge [sflag:s29], $0x1  }
0xb4: {  	[sflag:s29] =	ssyncadd.s32 $0xFFFFFFFF  }
0xb5: {  	_ =	strace $0x9000004F  }
0xb6: {  	_ =	sfence  }
0xb7: {  	s30 =	sld [smem:$0x0];
	_ =	sdelay $0x2  }
0xb8: {  	s31 =	sshll.u32 s1, $0xD;
	s1 =	sshrl.u32 s1, $0x2  }
0xb9: {  	s3 =	sand.u32 $0x4000, s31;
	s1 =	sadd.s32 s1, s30  }
0xba: {  	s0 =	sor.u32 s3, s0;
	s1 =	sshll.u32 s1, $0x11  }
0xbb: {  	s0 =	sor.u32 s1, s0  }
0xbc: {  	s0 =	sadd.s32 $0x8F2B, s0  }
0xbd: {  	[sflag:s0] =	ssyncadd.remote.s32 $0x1  }
0xbe: {  	_ =	sfence.sel $0xFFFF  }
0xbf: {  	[dreg:$0x0] =	wrdreg $0xFFFFFFFF;
	(pc) =	sbr.abs _section_cstart, $3  }
0xc0: {  	[dreg:$0x1] =	wrdreg $0xFFFFFFFF  }
0xc1: {  	_ =	task.clear_ibuf [dreg:s7], $0x2FFFF;
	_ =	strace $0x9FFFFFFF  }
0xc2: {  	(tm) =	ssettm $0x7FFFFFFF  }
0xc3: {  	_ =	shalt  }
tec
execute0_lowered:
.L_overlay_start_1:
0x0: {  	(tag) =	ssettag $0x1  }
0x1: {  	s0 =	rddreg [dreg:$0x0]  }
0x2: {  	s4 =	rddreg [dreg:$0x1]  }
0x3: {  	s1 =	simm.s32 $0x0;
	[dreg:$0x3] =	wrdreg s0  }
0x4: {  	s2 =	srdreg.scid;
	s8 =	simm.s32 $0x80;
	s0 =	rddreg [dreg:$0x2]  }
0x5: {  	s9 =	simm.s32 $0x4;
	s10 =	simm.s32 $0x0;
	[smem:$0x7FF] =	sst s1  }
0x6: {  	s3 =	sadd.s32 $0x28E00, s4;
	s5 =	sand.u32 $0x1, s2;
	s4 =	sadd.s32 $0x30E00, s4  }
0x7: {  	s2 =	stileid.u32;
	_ =	strace $0x80000047;
	[dreg:$0x5] =	wrdreg s4  }
0x8: {  	s6 =	ssub.s32 $0x2, s5;
	s5 =	sshll.u32 s5, $0x4;
	[dreg:$0x4] =	wrdreg s8  }
0x9: {  	s8 =	simm.s32 $0x5;
	s7 =	sshrl.u32 s6, $0x1;
	s5 =	sor.u32 s2, s5  }
0xa: {  	s6 =	ssub.s32 s6, s7;
	s31 =	sshll.u32 s5, $0xA;
	s4 =	sshll.u32 s5, $0x6  }
0xb: {  	s7 =	simm.s32 $0x1;
	s5 =	sadd.s32 s3, s31;
	s6 =	smax.u32 s6, $0x1  }
.LBB2_1:
0xc: {  	_ =	strace $0x80000048;
	s11 =	simm.s32 $0x1;
	p0 =	por $0x0, $0x0  }
0xd: {  	[tilespmem:s1], [sflag:$0x1] =	stream.linear.gather [hbm4b:s5+s1], $0x80, $0x200038;
	[tilespmem:$0x8100] =	vst v63  }
0xe: {  	s11 =	simm.s32 @p0 $0x0  }
0xf: {  	p4 =	por $0x1, $0x1;
	s20 =	sand.u32 $0x1, s1;
	p1 =	sne.s32 s11, $0x0  }
0x10: {  	p2 =	por $0x1, $0x1;
	s18 =	simm.s32 $0x3E;
	p0 =	por !p4, !p1  }
0x11: {  	s16 =	simm.s32 $0x0;
	p5 =	por $0x0, $0x0;
	p0 =	por !p0, !p0  }
0x12: {  	s23 =	sadd.s32 $0x0, s4;
	s30 =	sadd.s32 $0x1, s20;
	s12 =	sadd.s32 @p0 s4, s11  }
0x13: {  	_ =	strace $0x90000048;
	s13 =	sand.u32 @p0 $0x1, s7;
	s12 =	sshll.u32 @p0 s12, $0x4  }
0x14: {  	_ =	strace @p0 $0x80000049;
	s15 =	simm.s32 @p0 $0x0;
	s12 =	sand.u32 @p0 $0x1FFFFFF0, s12  }
0x15: {  	s14 =	sshll.u32 @p0 s13, $0x7;
	s13 =	sadd.s32 @p0 $0x1, s13;
	s12 =	sadd.s32 @p0 s3, s12  }
0x16: {  	[tilespmem:s14], [sflag:s13] =	stream.linear.gather @p0 [hbm4b:s12+s15], $0x80, $0x200038;
	[tilespmem:$0x8100] =	vst v63  }
0x17: {  	p3 =	por p2, p2;
	s21 =	sshll.u32 s20, $0xE;
	_ =	strace @p0 $0x90000049  }
0x18: {  	s16 =	sand.u32 $0x80, s16;
	p2 =	por p5, p5;
	_ =	strace $0x8000004A  }
0x19: {  	s17 =	sadd.s32 $0x1, s11;
	s22 =	sor.u32 $0x100, s21;
	_ =	swait.ge [sflag:s30], $0x80  }
0x1a: {  	s21 =	simm.s32 $0x1;
	p6 =	por p1, p1;
	[sflag:s30] =	ssyncset.done $0x0  }
0x1b: {  	p1 =	por p3, p3;
	p4 =	por $0x1, $0x1;
	[sflag:s30] =	ssyncadd.s32 $0xFFFFFF80  }
0x1c: {  	s12 =	simm.s32 $0x3F;
	s15 =	sand.u32 @!p3 $0x1, s1;
	_ =	strace $0x9000004A  }
0x1d: {  	s13 =	simm.s32 $0x1;
	p3 =	seq.s32 s17, $0x40;
	_ =	strace $0x8000004B  }
0x1e: {  	s13 =	simm.s32 @!p0 $0x0;
	s17 =	simm.s32 @p3 $0x0;
	s19 =	rddreg [dreg:$0x4]  }
0x1f: {  	p0 =	por $0x0, $0x0;
	s14 =	sadd.s32 $0x1, s13;
	s31 =	rddreg [dreg:$0x3]  }
0x20: {  	[tilespmem:s22], [sflag:$0x5] =	stream.indirect.gather [hbm4b:s31+s19], $0x80, s16, s19, $0x2000b8;
	[tilespmem:$0x8100] =	vst v63  }
0x21: {  	p3 =	sne.s32 s11, s17;
	s21 =	simm.s32 @!p0 $0x0;
	_ =	swait.ge [sflag:s8], $0x4000  }
0x22: {  	p5 =	por !p4, !p3;
	p4 =	por $0x0, $0x0;
	[sflag:s8] =	ssyncset.done $0x0  }
0x23: {  	s13 =	simm.s32 $0x0;
	p6 =	por p4, p6;
	[sflag:s8] =	ssyncadd.s32 $0xFFFFC000  }
0x24: {  	s16 =	simm.s32 $0x0;
	s19 =	simm.s32 $0x0;
	_ =	strace $0x9000004B  }
.LBB2_2:
0x25: {  	_ =	strace @p6 $0x8000004C;
	s13 =	sadd.s32 s21, s13;
	s21 =	smov.u32 s12  }
0x26: {  	s12 =	smov.u32 s18;
	s18 =	sadd.s32 $0xFFFFFFFF, s18;
	p0 =	por p3, p3  }
0x27: {  	s28 =	sshll.u32 @p6 s23, $0xB;
	s20 =	sadd.s32 @p6 $0x3, s20;
	s24 =	simm.s32 @!p0 $0x0  }
0x28: {  	s25 =	rddreg [dreg:$0x5];
	s28 =	sand.u32 @p6 $0x1FFFF800, s28;
	s24 =	simm.s32 @p0 $0x1  }
0x29: {  	s25 =	sadd.s32 @p6 s25, s28;
	s28 =	simm.s32 @p6 $0x0;
	p0 =	sne.s32 s18, $0x0  }
0x2a: {  	[hbm4b:s25+s28] =	stream.linear.scatter @p6 [tilespmem:s22], [sflag:s20], $0x4000, $0x200038;
	[tilespmem:$0x8100] =	vst v63  }
0x2b: {  	s20 =	sadd.s32 @!p1 $0x3, s15;
	s15 =	simm.s32 @!p0 $0x0  }
0x2c: {  	s26 =	simm.s32 $0x1;
	[smem:$0x7FC] =	sst s24;
	s15 =	simm.s32 @p0 $0x1  }
0x2d: {  	s26 =	simm.s32 @!p6 $0x0;
	_ =	strace @p6 $0x9000004C;
	[smem:$0x7FD] =	sst s15  }
0x2e: {  	p5 =	por !p5, !p5;
	s19 =	sadd.s32 s26, s19;
	_ =	strace @!p1 $0x8000004D  }
0x2f: {  	s24 =	sand.u32 @!p2 $0x1, s13;
	s22 =	sand.u32 @p5 $0x1, s14;
	_ =	swait.ge @!p1 [sflag:s20], $0x4000  }
0x30: {  	s15 =	smov.u32 s24;
	s24 =	sadd.s32 @p5 s4, s17;
	[sflag:s20] =	ssyncset.done @!p1 $0x0  }
0x31: {  	s25 =	sshll.u32 @p5 s22, $0x7;
	s24 =	sshll.u32 @p5 s24, $0x4;
	[sflag:s20] =	ssyncadd.s32 @!p1 $0xFFFFC000  }
0x32: {  	s20 =	sadd.s32 @p5 $0x1, s22;
	s22 =	sand.u32 @p5 $0x1FFFFFF0, s24;
	_ =	strace @!p1 $0x9000004D  }
0x33: {  	s24 =	simm.s32 @p5 $0x0;
	s22 =	sadd.s32 @p5 s3, s22;
	_ =	strace @p5 $0x80000049  }
0x34: {  	[tilespmem:s25], [sflag:s20] =	stream.linear.gather @p5 [hbm4b:s22+s24], $0x80, $0x200038;
	[tilespmem:$0x8100] =	vst v63  }
0x35: {  	s16 =	sadd.s32 s26, s16;
	s26 =	sand.u32 $0x1, s19;
	_ =	strace @p5 $0x90000049  }
0x36: {  	s24 =	sadd.s32 $0x1, s26;
	_ =	strace $0x8000004A  }
0x37: {  	_ =	swait.ge [sflag:s24], $0x80  }
0x38: {  	[sflag:s24] =	ssyncset.done $0x0  }
0x39: {  	s20 =	simm.s32 $0x1;
	[sflag:s24] =	ssyncadd.s32 $0xFFFFFF80  }
0x3a: {  	s20 =	simm.s32 @!p5 $0x0;
	_ =	strace $0x9000004A  }
0x3b: {  	s14 =	sadd.s32 s20, s14;
	s20 =	sand.u32 $0x1, s16;
	_ =	strace $0x8000004B  }
0x3c: {  	s29 =	sshll.u32 s19, $0x7;
	s25 =	sshll.u32 s20, $0xE;
	s26 =	rddreg [dreg:$0x4]  }
0x3d: {  	s29 =	sand.u32 $0x80, s29;
	s22 =	sor.u32 $0x100, s25;
	s30 =	rddreg [dreg:$0x3]  }
0x3e: {  	[tilespmem:s22], [sflag:$0x5] =	stream.indirect.gather [hbm4b:s30+s26], $0x80, s29, s26, $0x2000b8;
	[tilespmem:$0x8100] =	vst v63  }
0x3f: {  	_ =	swait.ge [sflag:s8], $0x4000  }
0x40: {  	s31 =	sadd.s32 $0x1, s17;
	[sflag:s8] =	ssyncset.done $0x0  }
0x41: {  	s23 =	sadd.s32 s4, s11;
	s11 =	smov.u32 s17;
	[sflag:s8] =	ssyncadd.s32 $0xFFFFC000  }
0x42: {  	p3 =	seq.s32 s31, $0x40;
	s17 =	smov.u32 s31;
	_ =	strace $0x9000004B  }
0x43: {  	s17 =	simm.s32 @p3 $0x0;
	s31 =	sld [smem:$0x7FD]  }
0x44: {  	p6 =	sne.s32 s12, $0x1;
	p0 =	sne.s32 s21, $0x40;
	p3 =	sne.s32 s11, s17  }
0x45: {  	p5 =	por !p6, !p3;
	p6 =	seq.s32 s21, $0x1;
	s21 =	simm.s32 $0x1  }
0x46: {  	s21 =	simm.s32 @!p0 $0x0;
	p0 =	seq.s32 s31, $0x1  }
.Ltmp0:
0x47: {  	s30 =	sld [smem:$0x7FC];
	(pc) =	sbr.rel @p0 .LBB2_2-.Ltmp0, $4  }
0x48: {  	_ = 	snop  }
0x49: {  	p4 =	seq.s32 s12, $0x40  }
0x4a: {  	p1 =	por p2, p2;
	p2 =	por p4, p4;
	p4 =	seq.s32 s30, $0x1  }
0x4b: {  	p6 =	por p6, p4  }
0x4c: {  	_ =	strace @p6 $0x8000004C;
	s23 =	sshll.u32 @p6 s23, $0xB  }
0x4d: {  	s18 =	rddreg [dreg:$0x5];
	s23 =	sand.u32 @p6 $0x1FFFF800, s23  }
0x4e: {  	s20 =	sadd.s32 @p6 $0x3, s20;
	s18 =	sadd.s32 @p6 s18, s23;
	s23 =	simm.s32 @p6 $0x0  }
0x4f: {  	[hbm4b:s18+s23] =	stream.linear.scatter @p6 [tilespmem:s22], [sflag:s20], $0x4000, $0x200038;
	[tilespmem:$0x8100] =	vst v63  }
0x50: {  	p0 =	por !p5, !p5;
	_ =	strace @p6 $0x9000004C  }
0x51: {  	s15 =	sadd.s32 @!p1 $0x3, s15;
	s17 =	sadd.s32 @p0 s4, s17;
	_ =	strace @!p1 $0x8000004D  }
0x52: {  	s14 =	sand.u32 @p0 $0x1, s14;
	s17 =	sshll.u32 @p0 s17, $0x4;
	_ =	swait.ge @!p1 [sflag:s15], $0x4000  }
0x53: {  	s18 =	simm.s32 $0x1;
	s20 =	sshll.u32 @p0 s14, $0x7;
	[sflag:s15] =	ssyncset.done @!p1 $0x0  }
0x54: {  	s14 =	sadd.s32 @p0 $0x1, s14;
	s18 =	simm.s32 @!p6 $0x0;
	[sflag:s15] =	ssyncadd.s32 @!p1 $0xFFFFC000  }
0x55: {  	s19 =	sadd.s32 s18, s19;
	s15 =	sand.u32 @p0 $0x1FFFFFF0, s17;
	_ =	strace @!p1 $0x9000004D  }
0x56: {  	s17 =	simm.s32 @p0 $0x0;
	s15 =	sadd.s32 @p0 s3, s15;
	_ =	strace @p0 $0x80000049  }
0x57: {  	[tilespmem:s20], [sflag:s14] =	stream.linear.gather @p0 [hbm4b:s15+s17], $0x80, $0x200038;
	[tilespmem:$0x8100] =	vst v63  }
0x58: {  	s25 =	sand.u32 $0x1, s19;
	_ =	strace @p0 $0x90000049  }
0x59: {  	s14 =	sadd.s32 $0x1, s25;
	_ =	strace $0x8000004A  }
0x5a: {  	_ =	swait.ge [sflag:s14], $0x80  }
0x5b: {  	[sflag:s14] =	ssyncset.done $0x0  }
0x5c: {  	[sflag:s14] =	ssyncadd.s32 $0xFFFFFF80  }
0x5d: {  	s26 =	sadd.s32 s18, s16;
	_ =	strace $0x9000004A  }
0x5e: {  	s14 =	sand.u32 $0x1, s26;
	_ =	strace $0x8000004B  }
0x5f: {  	s30 =	sshll.u32 s19, $0x7;
	s31 =	sshll.u32 s14, $0xE;
	s28 =	rddreg [dreg:$0x4]  }
0x60: {  	s17 =	sand.u32 $0x80, s30;
	s18 =	sor.u32 $0x100, s31;
	s29 =	rddreg [dreg:$0x3]  }
0x61: {  	[tilespmem:s18], [sflag:$0x5] =	stream.indirect.gather [hbm4b:s29+s28], $0x80, s17, s28, $0x2000b8;
	[tilespmem:$0x8100] =	vst v63  }
0x62: {  	_ =	swait.ge [sflag:s8], $0x4000  }
0x63: {  	[sflag:s8] =	ssyncset.done $0x0  }
0x64: {  	p5 =	por p3, p3;
	p6 =	seq.s32 s12, $0x1;
	[sflag:s8] =	ssyncadd.s32 $0xFFFFC000  }
0x65: {  	s11 =	sadd.s32 s4, s11;
	p0 =	por p6, p5;
	_ =	strace $0x9000004B  }
0x66: {  	s11 =	sshll.u32 @p0 s11, $0xB;
	_ =	strace @p0 $0x8000004C  }
0x67: {  	s13 =	sadd.s32 s21, s13;
	s11 =	sand.u32 @p0 $0x1FFFF800, s11;
	s12 =	rddreg [dreg:$0x5]  }
0x68: {  	s14 =	sadd.s32 @p0 $0x3, s14;
	s11 =	sadd.s32 @p0 s12, s11;
	s12 =	simm.s32 @p0 $0x0  }
0x69: {  	[hbm4b:s11+s12] =	stream.linear.scatter @p0 [tilespmem:s18], [sflag:s14], $0x4000, $0x200038;
	[tilespmem:$0x8100] =	vst v63  }
0x6a: {  	p1 =	por p2, p2;
	s11 =	sand.u32 @!p2 $0x1, s13;
	_ =	strace @p0 $0x9000004C  }
0x6b: {  	s11 =	sadd.s32 @!p1 $0x3, s11;
	_ =	strace @!p1 $0x8000004D  }
0x6c: {  	_ =	swait.ge @!p1 [sflag:s11], $0x4000  }
0x6d: {  	[sflag:s11] =	ssyncset.done @!p1 $0x0  }
0x6e: {  	s10 =	sadd.s32 $0x1, s10;
	[sflag:s11] =	ssyncadd.s32 @!p1 $0xFFFFC000  }
0x6f: {  	p0 =	sne.s32 s10, s6;
	_ =	strace @!p1 $0x9000004D  }
.Ltmp1:
0x70: {  	_ =	strace $0x8000004E;
	(pc) =	sbr.rel @p0 .LBB2_1-.Ltmp1, $4  }
0x71: {  	_ =	swait.ge [sflag:s9], $0x4000  }
0x72: {  	[sflag:s9] =	ssyncset.done $0x0  }
0x73: {  	[sflag:s9] =	ssyncadd.s32 $0xFFFFC000  }
0x74: {  	_ =	strace $0x9000004E  }
0x75: {  	_ =	sfence.sel $0x180000  }
0x76: {  	[bflag:$0x0] =	sbarrier.arrive $0xFFFF  }
0x77: {  	p0 =	sne.s32 s2, $0x0;
	_ =	strace $0x90000047  }
0x78: {  	s0 =	sadd.s32 @!p0 $0x100000, s0;
	[bflag:$0x2] =	sbarrier.arrive $0xFFFF  }
0x79: {  	[sflag:s0] =	ssyncadd.tile.s32 @!p0 $0x1;
	_ =	shalt  }
.Lfunc_end2:
_tile_overlayer_lowered:
.L_overlay_start_2:
0x7a: {  	(tag) =	ssettag $0x2  }
0x7b: {  	s0 =	rddreg [dreg:$0x0];
	s2 =	stileid.u32  }
0x7c: {  	s1 =	rddreg [dreg:$0x1];
	p0 =	sne.s32 s2, $0x0  }
0x7d: {  	s3 =	rddreg [dreg:$0x2];
	[bflag:$0x3] =	sbarrier.arrive $0xFFFF;
	s2 =	simm.s32 @!p0 $0x1C01  }
0x7e: {  	[timem:s3], [sflag:s2] =	dma.local @!p0 [hbm:s0], s1  }
0x7f: {  	s0 =	simm.s32 @!p0 $0x1  }
0x80: {  	_ =	swait.ge @!p0 [sflag:s0], s1  }
0x81: {  	s1 =	ssub.s32 @!p0 $0x0, s1;
	[sflag:s0] =	ssyncset.done @!p0 $0x0  }
0x82: {  	[sflag:s0] =	ssyncadd.s32 @!p0 s1  }
0x83: {  	[bflag:$0x3] =	sbarrier.arrive $0xFFFF  }
0x84: {  	_ =	shalt  }

// kernel: kernel.19.cloned.1.call-start
scs
__scs_entry_jumppad:
0x0: {  	(pc) =	sbr.rel $0x88, $3  }
0x1: {  	(tag) =	ssettag $0x0;
	lr =	simm.s32 $0x1  }
0x2: {  	[smem:$0x3F84] =	sst lr;
	_ =	strace $0xD0000000  }
0x3: {  	_ = 	snop  }
0x4: {  	_ = 	snop  }
0x5: {  	_ = 	snop  }
0x6: {  	_ = 	snop  }
0x7: {  	_ = 	snop  }
__scs_overlays_trampoline_lowered:
0x8: {  	[smem:$0x3F93] =	sst s0  }
0x9: {  	[smem:$0x3F94] =	sst s1  }
0xa: {  	[smem:$0x3F95] =	sst s2  }
0xb: {  	[smem:$0x3F96] =	sst s3  }
0xc: {  	[smem:$0x3F97] =	sst s4  }
0xd: {  	[smem:$0x3F98] =	sst s5  }
0xe: {  	[smem:$0x3F99] =	sst s6  }
0xf: {  	[smem:$0x3F9A] =	sst s7  }
0x10: {  	[smem:$0x3F9B] =	sst s8  }
0x11: {  	[smem:$0x3F9C] =	sst s9;
	s0 =	simm.s32 @!p0 $0x0  }
0x12: {  	s1 =	sld [smem:$0x3F82];
	s0 =	simm.s32 @p0 $0x1  }
0x13: {  	[smem:$0x3F9D] =	sst s0;
	s0 =	simm.s32 @!p1 $0x0  }
0x14: {  	s2 =	sld [smem:$0x3F81];
	s0 =	simm.s32 @p1 $0x1  }
0x15: {  	[smem:$0x3F9E] =	sst s0;
	s0 =	simm.s32 @!p2 $0x0  }
0x16: {  	s3 =	sld [smem:$0x3FDB];
	s0 =	simm.s32 @p2 $0x1  }
0x17: {  	s4 =	simm.s32 $0x1BF5;
	[smem:$0x3FA0] =	sst s0  }
0x18: {  	s0 =	sld [smem:$0x3F83];
	_ =	swait.ge [sflag:s4], $0x0  }
0x19: {  	s7 =	sld [smem:$0x3F84]  }
0x1a: {  	s8 =	sadd.s32 $0xFFFFE003, lr  }
0x1b: {  	s9 =	sadd.s32 $0xFFFFFEF7, lr;
	s5 =	simm.s32 $0xFFFFFFFF;
	p2 =	slt.u32 s8, $0xFFFFF086  }
0x1c: {  	p1 =	slt.u32 s9, $0xF7A;
	s5 =	simm.s32 @!p2 $0x0  }
0x1d: {  	s5 =	simm.s32 @p1 $0x1;
	p0 =	seq.s32 s7, s2  }
0x1e: {  	s7 =	smul.u32 @!p0 $0xF7A, s2;
	p2 =	seq.s32 @!p0 s5, $0x0  }
0x1f: {  	s9 =	smul.u32 $0xF7A, s1;
	s8 =	simm.s32 @!p0 $0x1BF5;
	p2 =	por !p2, p0  }
0x20: {  	[sflag:s8] =	ssyncset.s32 @!p0 $0xFFFFF086;
	s6 =	sadd.s32 @!p0 s3, s7;
	s7 =	simm.s32 @!p0 $0x108  }
0x21: {  	s3 =	sadd.s32 s3, s9;
	s6 =	sadd.s32 @!p0 $0x88, s6;
	s7 =	simm.s32 @p2 $0x1082  }
0x22: {  	[simem:s7], [sflag:s8] =	dma.local @!p0 [hbm:s6], $0xF7A  }
0x23: {  	s9 =	sor.u32 $0xD0000000, s2;
	s6 =	simm.s32 $0x108;
	_ =	swait.ge @!p0 [sflag:s8], $0x0  }
0x24: {  	s3 =	sadd.s32 $0x88, s3;
	s6 =	simm.s32 @!p1 $0x1082;
	[sflag:s4] =	ssyncset.s32 $0xFFFFF086  }
0x25: {  	[simem:s6], [sflag:s4] =	dma.local [hbm:s3], $0xF7A  }
0x26: {  	[smem:$0x3F84] =	sst s1;
	(tag) =	ssettag s2;
	_ =	strace s9  }
0x27: {  	s1 =	sld [smem:$0x3F94]  }
0x28: {  	s2 =	sld [smem:$0x3F95]  }
0x29: {  	s4 =	sld [smem:$0x3F97]  }
0x2a: {  	p0 =	seq.s32 s5, $0x0;
	s5 =	sld [smem:$0x3F98]  }
0x2b: {  	s6 =	sld [smem:$0x3F99]  }
0x2c: {  	s7 =	sld [smem:$0x3F9A]  }
0x2d: {  	s3 =	simm.s32 $0x108;
	s8 =	sld [smem:$0x3F9B]  }
0x2e: {  	s3 =	simm.s32 @!p0 $0x1082;
	s9 =	sld [smem:$0x3F9C]  }
0x2f: {  	lr =	sadd.s32 s0, s3;
	s0 =	sld [smem:$0x3F93]  }
0x30: {  	s3 =	sld [smem:$0x3F96]  }
0x31: {  	[smem:$0x3F9F] =	sst s10  }
0x32: {  	s10 =	sld [smem:$0x3F9D];
	_ =	sdelay $0x3  }
0x33: {  	p0 =	seq.s32 s10, $0x1;
	s10 =	sld [smem:$0x3F9F];
	_ =	sdelay $0x3  }
0x34: {  	[smem:$0x3F9F] =	sst s10  }
0x35: {  	s10 =	sld [smem:$0x3F9E];
	_ =	sdelay $0x3  }
0x36: {  	p1 =	seq.s32 s10, $0x1;
	s10 =	sld [smem:$0x3F9F];
	_ =	sdelay $0x3  }
0x37: {  	[smem:$0x3F9F] =	sst s10  }
0x38: {  	s10 =	sld [smem:$0x3FA0]  }
0x39: {  	_ = 	snop;
	(pc) =	sbr.ind lr, $3  }
0x3a: {  	_ = 	snop  }
0x3b: {  	_ = 	snop  }
0x3c: {  	p2 =	seq.s32 s10, $0x1;
	s10 =	sld [smem:$0x3F9F]  }
0x3d: {  	_ =	shalt  }
0x3e: {  	_ =	shalt  }
0x3f: {  	_ =	shalt  }
0x40: {  	_ =	shalt  }
0x41: {  	_ =	shalt  }
0x42: {  	_ =	shalt  }
0x43: {  	_ =	shalt  }
0x44: {  	_ =	shalt  }
0x45: {  	_ =	shalt  }
0x46: {  	_ =	shalt  }
0x47: {  	_ =	shalt  }
0x48: {  	_ =	shalt  }
0x49: {  	_ =	shalt  }
0x4a: {  	_ =	shalt  }
0x4b: {  	_ =	shalt  }
0x4c: {  	_ =	shalt  }
0x4d: {  	_ =	shalt  }
0x4e: {  	_ =	shalt  }
0x4f: {  	_ =	shalt  }
0x50: {  	_ =	shalt  }
0x51: {  	_ =	shalt  }
0x52: {  	_ =	shalt  }
0x53: {  	_ =	shalt  }
0x54: {  	_ =	shalt  }
0x55: {  	_ =	shalt  }
0x56: {  	_ =	shalt  }
0x57: {  	_ =	shalt  }
0x58: {  	_ =	shalt  }
0x59: {  	_ =	shalt  }
0x5a: {  	_ =	shalt  }
0x5b: {  	_ =	shalt  }
0x5c: {  	_ =	shalt  }
0x5d: {  	_ =	shalt  }
0x5e: {  	_ =	shalt  }
0x5f: {  	_ =	shalt  }
0x60: {  	_ =	shalt  }
0x61: {  	_ =	shalt  }
0x62: {  	_ =	shalt  }
0x63: {  	_ =	shalt  }
0x64: {  	_ =	shalt  }
0x65: {  	_ =	shalt  }
0x66: {  	_ =	shalt  }
0x67: {  	_ =	shalt  }
0x68: {  	_ =	shalt  }
0x69: {  	_ =	shalt  }
0x6a: {  	_ =	shalt  }
0x6b: {  	_ =	shalt  }
0x6c: {  	_ =	shalt  }
0x6d: {  	_ =	shalt  }
0x6e: {  	_ =	shalt  }
0x6f: {  	_ =	shalt  }
0x70: {  	_ =	shalt  }
0x71: {  	_ =	shalt  }
0x72: {  	_ =	shalt  }
0x73: {  	_ =	shalt  }
0x74: {  	_ =	shalt  }
0x75: {  	_ =	shalt  }
0x76: {  	_ =	shalt  }
0x77: {  	_ =	shalt  }
0x78: {  	_ =	shalt  }
0x79: {  	_ =	shalt  }
0x7a: {  	_ =	shalt  }
0x7b: {  	_ =	shalt  }
0x7c: {  	_ =	shalt  }
0x7d: {  	_ =	shalt  }
0x7e: {  	_ =	shalt  }
0x7f: {  	_ =	shalt  }
0x80: {  	_ =	shalt  }
0x81: {  	_ =	shalt  }
0x82: {  	_ =	shalt  }
0x83: {  	_ =	shalt  }
0x84: {  	_ =	shalt  }
0x85: {  	_ =	shalt  }
0x86: {  	_ =	shalt  }
0x87: {  	_ =	shalt  }
.Lfunc_end0:
.L_simem_size_0:
called_computation.1_lowered:
.L_overlay_start_0:
0x88: {  	s2 =	sld [smem:$0x3FD9]  }
0x89: {  	s3 =	sld [smem:$0x3FFE];
	_ =	sdelay $0x1  }
0x8a: {  	s1 =	srdreg.scid  }
0x8b: {  	s0 =	sand.u32 $0x1, s1  }
0x8c: {  	s17 =	sshll.u32 s0, $0xA;
	s2 =	sadd.s32 s3, s2  }
0x8d: {  	s2 =	sadd.s32 s2, s17  }
0x8e: {  	[smem:$0x3FAB] =	sst s2  }
0x8f: {  	_ = 	snop  }
0x90: {  	s2 =	sld [smem:$0x3FD0];
	(tm) =	ssettm $0x1  }
0x91: {  	s18 =	sld [smem:$0x3FFB];
	_ =	sdelay $0x3  }
0x92: {  	_ =	strace s18  }
0x93: {  	s3 =	sld [smem:$0x3FFC];
	_ =	sdelay $0x3  }
0x94: {  	_ =	strace s3  }
0x95: {  	s3 =	sld [smem:$0x3FFD];
	_ =	sdelay $0x3  }
0x96: {  	_ =	strace s3  }
0x97: {  	_ =	strace $0x8FFFFFFF  }
0x98: {  	s19 =	sld [smem:$0x3FDB];
	_ =	sdelay $0x1  }
0x99: {  	s4 =	simm.s32 $_scs_section_size  }
0x9a: {  	s5 =	simm.s32 $_size__tile_overlayer_lowered;
	s6 =	simm.s32 $_tile_overlayer_lowered  }
0x9b: {  	s22 =	simm.s32 $0x1BFF;
	s21 =	sshll.u32 s6, $0x1;
	s3 =	sadd.s32 s4, s19  }
0x9c: {  	s7 =	simm.s32 $0x0;
	s20 =	sshll.u32 s5, $0x1;
	s5 =	sadd.s32 s21, s3  }
0x9d: {  	[timem:s7], [sflag:s22] =	dma.local [hbm:s5], s20  }
0x9e: {  	_ =	swait.ge [sflag:s22], s20  }
0x9f: {  	s4 =	ssub.s32 $0x0, s20;
	[sflag:s22] =	ssyncset.done $0x0  }
0xa0: {  	[sflag:s22] =	ssyncadd.s32 s4;
	_ =	sdelay $0x1  }
0xa1: {  	s23 =	simm.s32 $0x1B8B  }
0xa2: {  	_ =	swait.ge [sflag:s23], $0x1  }
0xa3: {  	[sflag:s23] =	ssyncset.done $0x0  }
0xa4: {  	s25 =	simm.s32 $0x1B8E;
	s24 =	sld [smem:$0x3FFE];
	[sflag:s23] =	ssyncadd.s32 $0xFFFFFFFF  }
0xa5: {  	s26 =	simm.s32 $execute0_lowered;
	[smem:$0x3FD2] =	sst s25  }
0xa6: {  	s5 =	sshll.u32 s26, $0x1;
	_ =	strace $0x80000050;
	[dreg:$0x1] =	wrdreg $0xFFFFFFFF  }
0xa7: {  	s28 =	simm.s32 $_size_execute0_lowered;
	s3 =	sadd.s32 s3, s5;
	[dreg:$0x0] =	wrdreg $0x0  }
0xa8: {  	s5 =	sshll.u32 s28, $0x1;
	[dreg:$0x2] =	wrdreg s3  }
0xa9: {  	[dreg:$0x3] =	wrdreg s5  }
0xaa: {  	[dreg:$0x4] =	wrdreg $0xC0  }
0xab: {  	_ =	task [dreg:s7], $0x5FFFF  }
0xac: {  	[dreg:$0x1] =	wrdreg $0xFFFFFFFF  }
0xad: {  	[dreg:$0x0] =	wrdreg $0x60  }
0xae: {  	[dreg:$0x2] =	wrdreg s2  }
0xaf: {  	[dreg:$0x3] =	wrdreg s24  }
0xb0: {  	[dreg:$0x4] =	wrdreg $0x9  }
0xb1: {  	_ =	task.clear_ibuf [dreg:s7], $0x5FFFF;
	_ =	strace $0x90000050  }
0xb2: {  	s29 =	simm.s32 $0x9;
	_ =	strace $0x80000059  }
0xb3: {  	_ =	swait.ge [sflag:s29], $0x1  }
0xb4: {  	[sflag:s29] =	ssyncadd.s32 $0xFFFFFFFF  }
0xb5: {  	_ =	strace $0x90000059  }
0xb6: {  	_ =	sfence  }
0xb7: {  	s30 =	sld [smem:$0x0];
	_ =	sdelay $0x2  }
0xb8: {  	s31 =	sshll.u32 s1, $0xD;
	s1 =	sshrl.u32 s1, $0x2  }
0xb9: {  	s3 =	sand.u32 $0x4000, s31;
	s1 =	sadd.s32 s1, s30  }
0xba: {  	s0 =	sor.u32 s3, s0;
	s1 =	sshll.u32 s1, $0x11  }
0xbb: {  	s0 =	sor.u32 s1, s0  }
0xbc: {  	s0 =	sadd.s32 $0x8F2B, s0  }
0xbd: {  	[sflag:s0] =	ssyncadd.remote.s32 $0x1  }
0xbe: {  	_ =	sfence.sel $0xFFFF  }
0xbf: {  	[dreg:$0x0] =	wrdreg $0xFFFFFFFF;
	(pc) =	sbr.abs _section_cstart, $3  }
0xc0: {  	[dreg:$0x1] =	wrdreg $0xFFFFFFFF  }
0xc1: {  	_ =	task.clear_ibuf [dreg:s7], $0x2FFFF;
	_ =	strace $0x9FFFFFFF  }
0xc2: {  	(tm) =	ssettm $0x7FFFFFFF  }
0xc3: {  	_ =	shalt  }
tec
execute0_lowered:
.L_overlay_start_1:
0x0: {  	(tag) =	ssettag $0x1  }
0x1: {  	s0 =	rddreg [dreg:$0x0]  }
0x2: {  	s4 =	rddreg [dreg:$0x1]  }
0x3: {  	s1 =	simm.s32 $0x0;
	[dreg:$0x3] =	wrdreg s0  }
0x4: {  	s2 =	srdreg.scid;
	s8 =	simm.s32 $0x80;
	s0 =	rddreg [dreg:$0x2]  }
0x5: {  	s9 =	simm.s32 $0x4;
	s10 =	simm.s32 $0x0;
	[smem:$0x7FF] =	sst s1  }
0x6: {  	s3 =	sadd.s32 $0x28E00, s4;
	s5 =	sand.u32 $0x1, s2;
	s4 =	sadd.s32 $0x431200, s4  }
0x7: {  	s2 =	stileid.u32;
	_ =	strace $0x80000051;
	[dreg:$0x5] =	wrdreg s4  }
0x8: {  	s6 =	ssub.s32 $0x2, s5;
	s5 =	sshll.u32 s5, $0x4;
	[dreg:$0x4] =	wrdreg s8  }
0x9: {  	s8 =	simm.s32 $0x5;
	s7 =	sshrl.u32 s6, $0x1;
	s5 =	sor.u32 s2, s5  }
0xa: {  	s6 =	ssub.s32 s6, s7;
	s31 =	sshll.u32 s5, $0xA;
	s4 =	sshll.u32 s5, $0x6  }
0xb: {  	s7 =	simm.s32 $0x1;
	s5 =	sadd.s32 s3, s31;
	s6 =	smax.u32 s6, $0x1  }
.LBB2_1:
0xc: {  	_ =	strace $0x80000052;
	s11 =	simm.s32 $0x1;
	p0 =	por $0x0, $0x0  }
0xd: {  	[tilespmem:s1], [sflag:$0x1] =	stream.linear.gather [hbm4b:s5+s1], $0x80, $0x200038;
	[tilespmem:$0x8100] =	vst v63  }
0xe: {  	s11 =	simm.s32 @p0 $0x0  }
0xf: {  	p4 =	por $0x1, $0x1;
	s20 =	sand.u32 $0x1, s1;
	p1 =	sne.s32 s11, $0x0  }
0x10: {  	p2 =	por $0x1, $0x1;
	s18 =	simm.s32 $0x3E;
	p0 =	por !p4, !p1  }
0x11: {  	s16 =	simm.s32 $0x0;
	p5 =	por $0x0, $0x0;
	p0 =	por !p0, !p0  }
0x12: {  	s23 =	sadd.s32 $0x0, s4;
	s30 =	sadd.s32 $0x1, s20;
	s12 =	sadd.s32 @p0 s4, s11  }
0x13: {  	_ =	strace $0x90000052;
	s13 =	sand.u32 @p0 $0x1, s7;
	s12 =	sshll.u32 @p0 s12, $0x4  }
0x14: {  	_ =	strace @p0 $0x80000053;
	s15 =	simm.s32 @p0 $0x0;
	s12 =	sand.u32 @p0 $0x1FFFFFF0, s12  }
0x15: {  	s14 =	sshll.u32 @p0 s13, $0x7;
	s13 =	sadd.s32 @p0 $0x1, s13;
	s12 =	sadd.s32 @p0 s3, s12  }
0x16: {  	[tilespmem:s14], [sflag:s13] =	stream.linear.gather @p0 [hbm4b:s12+s15], $0x80, $0x200038;
	[tilespmem:$0x8100] =	vst v63  }
0x17: {  	p3 =	por p2, p2;
	s21 =	sshll.u32 s20, $0xE;
	_ =	strace @p0 $0x90000053  }
0x18: {  	s16 =	sand.u32 $0x80, s16;
	p2 =	por p5, p5;
	_ =	strace $0x80000054  }
0x19: {  	s17 =	sadd.s32 $0x1, s11;
	s22 =	sor.u32 $0x100, s21;
	_ =	swait.ge [sflag:s30], $0x80  }
0x1a: {  	s21 =	simm.s32 $0x1;
	p6 =	por p1, p1;
	[sflag:s30] =	ssyncset.done $0x0  }
0x1b: {  	p1 =	por p3, p3;
	p4 =	por $0x1, $0x1;
	[sflag:s30] =	ssyncadd.s32 $0xFFFFFF80  }
0x1c: {  	s12 =	simm.s32 $0x3F;
	s15 =	sand.u32 @!p3 $0x1, s1;
	_ =	strace $0x90000054  }
0x1d: {  	s13 =	simm.s32 $0x1;
	p3 =	seq.s32 s17, $0x40;
	_ =	strace $0x80000055  }
0x1e: {  	s13 =	simm.s32 @!p0 $0x0;
	s17 =	simm.s32 @p3 $0x0;
	s19 =	rddreg [dreg:$0x4]  }
0x1f: {  	p0 =	por $0x0, $0x0;
	s14 =	sadd.s32 $0x1, s13;
	s31 =	rddreg [dreg:$0x3]  }
0x20: {  	[tilespmem:s22], [sflag:$0x5] =	stream.indirect.gather [hbm4b:s31+s19], $0x80, s16, s19, $0x2000b8;
	[tilespmem:$0x8100] =	vst v63  }
0x21: {  	p3 =	sne.s32 s11, s17;
	s21 =	simm.s32 @!p0 $0x0;
	_ =	swait.ge [sflag:s8], $0x4000  }
0x22: {  	p5 =	por !p4, !p3;
	p4 =	por $0x0, $0x0;
	[sflag:s8] =	ssyncset.done $0x0  }
0x23: {  	s13 =	simm.s32 $0x0;
	p6 =	por p4, p6;
	[sflag:s8] =	ssyncadd.s32 $0xFFFFC000  }
0x24: {  	s16 =	simm.s32 $0x0;
	s19 =	simm.s32 $0x0;
	_ =	strace $0x90000055  }
.LBB2_2:
0x25: {  	_ =	strace @p6 $0x80000056;
	s13 =	sadd.s32 s21, s13;
	s21 =	smov.u32 s12  }
0x26: {  	s12 =	smov.u32 s18;
	s18 =	sadd.s32 $0xFFFFFFFF, s18;
	p0 =	por p3, p3  }
0x27: {  	s28 =	sshll.u32 @p6 s23, $0xB;
	s20 =	sadd.s32 @p6 $0x3, s20;
	s24 =	simm.s32 @!p0 $0x0  }
0x28: {  	s25 =	rddreg [dreg:$0x5];
	s28 =	sand.u32 @p6 $0x1FFFF800, s28;
	s24 =	simm.s32 @p0 $0x1  }
0x29: {  	s25 =	sadd.s32 @p6 s25, s28;
	s28 =	simm.s32 @p6 $0x0;
	p0 =	sne.s32 s18, $0x0  }
0x2a: {  	[hbm4b:s25+s28] =	stream.linear.scatter @p6 [tilespmem:s22], [sflag:s20], $0x4000, $0x200038;
	[tilespmem:$0x8100] =	vst v63  }
0x2b: {  	s20 =	sadd.s32 @!p1 $0x3, s15;
	s15 =	simm.s32 @!p0 $0x0  }
0x2c: {  	s26 =	simm.s32 $0x1;
	[smem:$0x7FC] =	sst s24;
	s15 =	simm.s32 @p0 $0x1  }
0x2d: {  	s26 =	simm.s32 @!p6 $0x0;
	_ =	strace @p6 $0x90000056;
	[smem:$0x7FD] =	sst s15  }
0x2e: {  	p5 =	por !p5, !p5;
	s19 =	sadd.s32 s26, s19;
	_ =	strace @!p1 $0x80000057  }
0x2f: {  	s24 =	sand.u32 @!p2 $0x1, s13;
	s22 =	sand.u32 @p5 $0x1, s14;
	_ =	swait.ge @!p1 [sflag:s20], $0x4000  }
0x30: {  	s15 =	smov.u32 s24;
	s24 =	sadd.s32 @p5 s4, s17;
	[sflag:s20] =	ssyncset.done @!p1 $0x0  }
0x31: {  	s25 =	sshll.u32 @p5 s22, $0x7;
	s24 =	sshll.u32 @p5 s24, $0x4;
	[sflag:s20] =	ssyncadd.s32 @!p1 $0xFFFFC000  }
0x32: {  	s20 =	sadd.s32 @p5 $0x1, s22;
	s22 =	sand.u32 @p5 $0x1FFFFFF0, s24;
	_ =	strace @!p1 $0x90000057  }
0x33: {  	s24 =	simm.s32 @p5 $0x0;
	s22 =	sadd.s32 @p5 s3, s22;
	_ =	strace @p5 $0x80000053  }
0x34: {  	[tilespmem:s25], [sflag:s20] =	stream.linear.gather @p5 [hbm4b:s22+s24], $0x80, $0x200038;
	[tilespmem:$0x8100] =	vst v63  }
0x35: {  	s16 =	sadd.s32 s26, s16;
	s26 =	sand.u32 $0x1, s19;
	_ =	strace @p5 $0x90000053  }
0x36: {  	s24 =	sadd.s32 $0x1, s26;
	_ =	strace $0x80000054  }
0x37: {  	_ =	swait.ge [sflag:s24], $0x80  }
0x38: {  	[sflag:s24] =	ssyncset.done $0x0  }
0x39: {  	s20 =	simm.s32 $0x1;
	[sflag:s24] =	ssyncadd.s32 $0xFFFFFF80  }
0x3a: {  	s20 =	simm.s32 @!p5 $0x0;
	_ =	strace $0x90000054  }
0x3b: {  	s14 =	sadd.s32 s20, s14;
	s20 =	sand.u32 $0x1, s16;
	_ =	strace $0x80000055  }
0x3c: {  	s29 =	sshll.u32 s19, $0x7;
	s25 =	sshll.u32 s20, $0xE;
	s26 =	rddreg [dreg:$0x4]  }
0x3d: {  	s29 =	sand.u32 $0x80, s29;
	s22 =	sor.u32 $0x100, s25;
	s30 =	rddreg [dreg:$0x3]  }
0x3e: {  	[tilespmem:s22], [sflag:$0x5] =	stream.indirect.gather [hbm4b:s30+s26], $0x80, s29, s26, $0x2000b8;
	[tilespmem:$0x8100] =	vst v63  }
0x3f: {  	_ =	swait.ge [sflag:s8], $0x4000  }
0x40: {  	s31 =	sadd.s32 $0x1, s17;
	[sflag:s8] =	ssyncset.done $0x0  }
0x41: {  	s23 =	sadd.s32 s4, s11;
	s11 =	smov.u32 s17;
	[sflag:s8] =	ssyncadd.s32 $0xFFFFC000  }
0x42: {  	p3 =	seq.s32 s31, $0x40;
	s17 =	smov.u32 s31;
	_ =	strace $0x90000055  }
0x43: {  	s17 =	simm.s32 @p3 $0x0;
	s31 =	sld [smem:$0x7FD]  }
0x44: {  	p6 =	sne.s32 s12, $0x1;
	p0 =	sne.s32 s21, $0x40;
	p3 =	sne.s32 s11, s17  }
0x45: {  	p5 =	por !p6, !p3;
	p6 =	seq.s32 s21, $0x1;
	s21 =	simm.s32 $0x1  }
0x46: {  	s21 =	simm.s32 @!p0 $0x0;
	p0 =	seq.s32 s31, $0x1  }
.Ltmp0:
0x47: {  	s30 =	sld [smem:$0x7FC];
	(pc) =	sbr.rel @p0 .LBB2_2-.Ltmp0, $4  }
0x48: {  	_ = 	snop  }
0x49: {  	p4 =	seq.s32 s12, $0x40  }
0x4a: {  	p1 =	por p2, p2;
	p2 =	por p4, p4;
	p4 =	seq.s32 s30, $0x1  }
0x4b: {  	p6 =	por p6, p4  }
0x4c: {  	_ =	strace @p6 $0x80000056;
	s23 =	sshll.u32 @p6 s23, $0xB  }
0x4d: {  	s18 =	rddreg [dreg:$0x5];
	s23 =	sand.u32 @p6 $0x1FFFF800, s23  }
0x4e: {  	s20 =	sadd.s32 @p6 $0x3, s20;
	s18 =	sadd.s32 @p6 s18, s23;
	s23 =	simm.s32 @p6 $0x0  }
0x4f: {  	[hbm4b:s18+s23] =	stream.linear.scatter @p6 [tilespmem:s22], [sflag:s20], $0x4000, $0x200038;
	[tilespmem:$0x8100] =	vst v63  }
0x50: {  	p0 =	por !p5, !p5;
	_ =	strace @p6 $0x90000056  }
0x51: {  	s15 =	sadd.s32 @!p1 $0x3, s15;
	s17 =	sadd.s32 @p0 s4, s17;
	_ =	strace @!p1 $0x80000057  }
0x52: {  	s14 =	sand.u32 @p0 $0x1, s14;
	s17 =	sshll.u32 @p0 s17, $0x4;
	_ =	swait.ge @!p1 [sflag:s15], $0x4000  }
0x53: {  	s18 =	simm.s32 $0x1;
	s20 =	sshll.u32 @p0 s14, $0x7;
	[sflag:s15] =	ssyncset.done @!p1 $0x0  }
0x54: {  	s14 =	sadd.s32 @p0 $0x1, s14;
	s18 =	simm.s32 @!p6 $0x0;
	[sflag:s15] =	ssyncadd.s32 @!p1 $0xFFFFC000  }
0x55: {  	s19 =	sadd.s32 s18, s19;
	s15 =	sand.u32 @p0 $0x1FFFFFF0, s17;
	_ =	strace @!p1 $0x90000057  }
0x56: {  	s17 =	simm.s32 @p0 $0x0;
	s15 =	sadd.s32 @p0 s3, s15;
	_ =	strace @p0 $0x80000053  }
0x57: {  	[tilespmem:s20], [sflag:s14] =	stream.linear.gather @p0 [hbm4b:s15+s17], $0x80, $0x200038;
	[tilespmem:$0x8100] =	vst v63  }
0x58: {  	s25 =	sand.u32 $0x1, s19;
	_ =	strace @p0 $0x90000053  }
0x59: {  	s14 =	sadd.s32 $0x1, s25;
	_ =	strace $0x80000054  }
0x5a: {  	_ =	swait.ge [sflag:s14], $0x80  }
0x5b: {  	[sflag:s14] =	ssyncset.done $0x0  }
0x5c: {  	[sflag:s14] =	ssyncadd.s32 $0xFFFFFF80  }
0x5d: {  	s26 =	sadd.s32 s18, s16;
	_ =	strace $0x90000054  }
0x5e: {  	s14 =	sand.u32 $0x1, s26;
	_ =	strace $0x80000055  }
0x5f: {  	s30 =	sshll.u32 s19, $0x7;
	s31 =	sshll.u32 s14, $0xE;
	s28 =	rddreg [dreg:$0x4]  }
0x60: {  	s17 =	sand.u32 $0x80, s30;
	s18 =	sor.u32 $0x100, s31;
	s29 =	rddreg [dreg:$0x3]  }
0x61: {  	[tilespmem:s18], [sflag:$0x5] =	stream.indirect.gather [hbm4b:s29+s28], $0x80, s17, s28, $0x2000b8;
	[tilespmem:$0x8100] =	vst v63  }
0x62: {  	_ =	swait.ge [sflag:s8], $0x4000  }
0x63: {  	[sflag:s8] =	ssyncset.done $0x0  }
0x64: {  	p5 =	por p3, p3;
	p6 =	seq.s32 s12, $0x1;
	[sflag:s8] =	ssyncadd.s32 $0xFFFFC000  }
0x65: {  	s11 =	sadd.s32 s4, s11;
	p0 =	por p6, p5;
	_ =	strace $0x90000055  }
0x66: {  	s11 =	sshll.u32 @p0 s11, $0xB;
	_ =	strace @p0 $0x80000056  }
0x67: {  	s13 =	sadd.s32 s21, s13;
	s11 =	sand.u32 @p0 $0x1FFFF800, s11;
	s12 =	rddreg [dreg:$0x5]  }
0x68: {  	s14 =	sadd.s32 @p0 $0x3, s14;
	s11 =	sadd.s32 @p0 s12, s11;
	s12 =	simm.s32 @p0 $0x0  }
0x69: {  	[hbm4b:s11+s12] =	stream.linear.scatter @p0 [tilespmem:s18], [sflag:s14], $0x4000, $0x200038;
	[tilespmem:$0x8100] =	vst v63  }
0x6a: {  	p1 =	por p2, p2;
	s11 =	sand.u32 @!p2 $0x1, s13;
	_ =	strace @p0 $0x90000056  }
0x6b: {  	s11 =	sadd.s32 @!p1 $0x3, s11;
	_ =	strace @!p1 $0x80000057  }
0x6c: {  	_ =	swait.ge @!p1 [sflag:s11], $0x4000  }
0x6d: {  	[sflag:s11] =	ssyncset.done @!p1 $0x0  }
0x6e: {  	s10 =	sadd.s32 $0x1, s10;
	[sflag:s11] =	ssyncadd.s32 @!p1 $0xFFFFC000  }
0x6f: {  	p0 =	sne.s32 s10, s6;
	_ =	strace @!p1 $0x90000057  }
.Ltmp1:
0x70: {  	_ =	strace $0x80000058;
	(pc) =	sbr.rel @p0 .LBB2_1-.Ltmp1, $4  }
0x71: {  	_ =	swait.ge [sflag:s9], $0x4000  }
0x72: {  	[sflag:s9] =	ssyncset.done $0x0  }
0x73: {  	[sflag:s9] =	ssyncadd.s32 $0xFFFFC000  }
0x74: {  	_ =	strace $0x90000058  }
0x75: {  	_ =	sfence.sel $0x180000  }
0x76: {  	[bflag:$0x0] =	sbarrier.arrive $0xFFFF  }
0x77: {  	p0 =	sne.s32 s2, $0x0;
	_ =	strace $0x90000051  }
0x78: {  	s0 =	sadd.s32 @!p0 $0x100000, s0;
	[bflag:$0x2] =	sbarrier.arrive $0xFFFF  }
0x79: {  	[sflag:s0] =	ssyncadd.tile.s32 @!p0 $0x1;
	_ =	shalt  }
.Lfunc_end2:
_tile_overlayer_lowered:
.L_overlay_start_2:
0x7a: {  	(tag) =	ssettag $0x2  }
0x7b: {  	s0 =	rddreg [dreg:$0x0];
	s2 =	stileid.u32  }
0x7c: {  	s1 =	rddreg [dreg:$0x1];
	p0 =	sne.s32 s2, $0x0  }
0x7d: {  	s3 =	rddreg [dreg:$0x2];
	[bflag:$0x3] =	sbarrier.arrive $0xFFFF;
	s2 =	simm.s32 @!p0 $0x1C01  }
0x7e: {  	[timem:s3], [sflag:s2] =	dma.local @!p0 [hbm:s0], s1  }
0x7f: {  	s0 =	simm.s32 @!p0 $0x1  }
0x80: {  	_ =	swait.ge @!p0 [sflag:s0], s1  }
0x81: {  	s1 =	ssub.s32 @!p0 $0x0, s1;
	[sflag:s0] =	ssyncset.done @!p0 $0x0  }
0x82: {  	[sflag:s0] =	ssyncadd.s32 @!p0 s1  }
0x83: {  	[bflag:$0x3] =	sbarrier.arrive $0xFFFF  }
0x84: {  	_ =	shalt  }

// kernel: kernel.22.cloned.1.call-start
scs
__scs_entry_jumppad:
0x0: {  	(pc) =	sbr.rel $0x88, $3  }
0x1: {  	(tag) =	ssettag $0x0;
	lr =	simm.s32 $0x1  }
0x2: {  	[smem:$0x3F84] =	sst lr;
	_ =	strace $0xD0000000  }
0x3: {  	_ = 	snop  }
0x4: {  	_ = 	snop  }
0x5: {  	_ = 	snop  }
0x6: {  	_ = 	snop  }
0x7: {  	_ = 	snop  }
__scs_overlays_trampoline_lowered:
0x8: {  	[smem:$0x3F93] =	sst s0  }
0x9: {  	[smem:$0x3F94] =	sst s1  }
0xa: {  	[smem:$0x3F95] =	sst s2  }
0xb: {  	[smem:$0x3F96] =	sst s3  }
0xc: {  	[smem:$0x3F97] =	sst s4  }
0xd: {  	[smem:$0x3F98] =	sst s5  }
0xe: {  	[smem:$0x3F99] =	sst s6  }
0xf: {  	[smem:$0x3F9A] =	sst s7  }
0x10: {  	[smem:$0x3F9B] =	sst s8  }
0x11: {  	[smem:$0x3F9C] =	sst s9;
	s0 =	simm.s32 @!p0 $0x0  }
0x12: {  	s1 =	sld [smem:$0x3F82];
	s0 =	simm.s32 @p0 $0x1  }
0x13: {  	[smem:$0x3F9D] =	sst s0;
	s0 =	simm.s32 @!p1 $0x0  }
0x14: {  	s2 =	sld [smem:$0x3F81];
	s0 =	simm.s32 @p1 $0x1  }
0x15: {  	[smem:$0x3F9E] =	sst s0;
	s0 =	simm.s32 @!p2 $0x0  }
0x16: {  	s3 =	sld [smem:$0x3FDB];
	s0 =	simm.s32 @p2 $0x1  }
0x17: {  	s4 =	simm.s32 $0x1BF5;
	[smem:$0x3FA0] =	sst s0  }
0x18: {  	s0 =	sld [smem:$0x3F83];
	_ =	swait.ge [sflag:s4], $0x0  }
0x19: {  	s7 =	sld [smem:$0x3F84]  }
0x1a: {  	s8 =	sadd.s32 $0xFFFFE003, lr  }
0x1b: {  	s9 =	sadd.s32 $0xFFFFFEF7, lr;
	s5 =	simm.s32 $0xFFFFFFFF;
	p2 =	slt.u32 s8, $0xFFFFF086  }
0x1c: {  	p1 =	slt.u32 s9, $0xF7A;
	s5 =	simm.s32 @!p2 $0x0  }
0x1d: {  	s5 =	simm.s32 @p1 $0x1;
	p0 =	seq.s32 s7, s2  }
0x1e: {  	s7 =	smul.u32 @!p0 $0xF7A, s2;
	p2 =	seq.s32 @!p0 s5, $0x0  }
0x1f: {  	s9 =	smul.u32 $0xF7A, s1;
	s8 =	simm.s32 @!p0 $0x1BF5;
	p2 =	por !p2, p0  }
0x20: {  	[sflag:s8] =	ssyncset.s32 @!p0 $0xFFFFF086;
	s6 =	sadd.s32 @!p0 s3, s7;
	s7 =	simm.s32 @!p0 $0x108  }
0x21: {  	s3 =	sadd.s32 s3, s9;
	s6 =	sadd.s32 @!p0 $0x88, s6;
	s7 =	simm.s32 @p2 $0x1082  }
0x22: {  	[simem:s7], [sflag:s8] =	dma.local @!p0 [hbm:s6], $0xF7A  }
0x23: {  	s9 =	sor.u32 $0xD0000000, s2;
	s6 =	simm.s32 $0x108;
	_ =	swait.ge @!p0 [sflag:s8], $0x0  }
0x24: {  	s3 =	sadd.s32 $0x88, s3;
	s6 =	simm.s32 @!p1 $0x1082;
	[sflag:s4] =	ssyncset.s32 $0xFFFFF086  }
0x25: {  	[simem:s6], [sflag:s4] =	dma.local [hbm:s3], $0xF7A  }
0x26: {  	[smem:$0x3F84] =	sst s1;
	(tag) =	ssettag s2;
	_ =	strace s9  }
0x27: {  	s1 =	sld [smem:$0x3F94]  }
0x28: {  	s2 =	sld [smem:$0x3F95]  }
0x29: {  	s4 =	sld [smem:$0x3F97]  }
0x2a: {  	p0 =	seq.s32 s5, $0x0;
	s5 =	sld [smem:$0x3F98]  }
0x2b: {  	s6 =	sld [smem:$0x3F99]  }
0x2c: {  	s7 =	sld [smem:$0x3F9A]  }
0x2d: {  	s3 =	simm.s32 $0x108;
	s8 =	sld [smem:$0x3F9B]  }
0x2e: {  	s3 =	simm.s32 @!p0 $0x1082;
	s9 =	sld [smem:$0x3F9C]  }
0x2f: {  	lr =	sadd.s32 s0, s3;
	s0 =	sld [smem:$0x3F93]  }
0x30: {  	s3 =	sld [smem:$0x3F96]  }
0x31: {  	[smem:$0x3F9F] =	sst s10  }
0x32: {  	s10 =	sld [smem:$0x3F9D];
	_ =	sdelay $0x3  }
0x33: {  	p0 =	seq.s32 s10, $0x1;
	s10 =	sld [smem:$0x3F9F];
	_ =	sdelay $0x3  }
0x34: {  	[smem:$0x3F9F] =	sst s10  }
0x35: {  	s10 =	sld [smem:$0x3F9E];
	_ =	sdelay $0x3  }
0x36: {  	p1 =	seq.s32 s10, $0x1;
	s10 =	sld [smem:$0x3F9F];
	_ =	sdelay $0x3  }
0x37: {  	[smem:$0x3F9F] =	sst s10  }
0x38: {  	s10 =	sld [smem:$0x3FA0]  }
0x39: {  	_ = 	snop;
	(pc) =	sbr.ind lr, $3  }
0x3a: {  	_ = 	snop  }
0x3b: {  	_ = 	snop  }
0x3c: {  	p2 =	seq.s32 s10, $0x1;
	s10 =	sld [smem:$0x3F9F]  }
0x3d: {  	_ =	shalt  }
0x3e: {  	_ =	shalt  }
0x3f: {  	_ =	shalt  }
0x40: {  	_ =	shalt  }
0x41: {  	_ =	shalt  }
0x42: {  	_ =	shalt  }
0x43: {  	_ =	shalt  }
0x44: {  	_ =	shalt  }
0x45: {  	_ =	shalt  }
0x46: {  	_ =	shalt  }
0x47: {  	_ =	shalt  }
0x48: {  	_ =	shalt  }
0x49: {  	_ =	shalt  }
0x4a: {  	_ =	shalt  }
0x4b: {  	_ =	shalt  }
0x4c: {  	_ =	shalt  }
0x4d: {  	_ =	shalt  }
0x4e: {  	_ =	shalt  }
0x4f: {  	_ =	shalt  }
0x50: {  	_ =	shalt  }
0x51: {  	_ =	shalt  }
0x52: {  	_ =	shalt  }
0x53: {  	_ =	shalt  }
0x54: {  	_ =	shalt  }
0x55: {  	_ =	shalt  }
0x56: {  	_ =	shalt  }
0x57: {  	_ =	shalt  }
0x58: {  	_ =	shalt  }
0x59: {  	_ =	shalt  }
0x5a: {  	_ =	shalt  }
0x5b: {  	_ =	shalt  }
0x5c: {  	_ =	shalt  }
0x5d: {  	_ =	shalt  }
0x5e: {  	_ =	shalt  }
0x5f: {  	_ =	shalt  }
0x60: {  	_ =	shalt  }
0x61: {  	_ =	shalt  }
0x62: {  	_ =	shalt  }
0x63: {  	_ =	shalt  }
0x64: {  	_ =	shalt  }
0x65: {  	_ =	shalt  }
0x66: {  	_ =	shalt  }
0x67: {  	_ =	shalt  }
0x68: {  	_ =	shalt  }
0x69: {  	_ =	shalt  }
0x6a: {  	_ =	shalt  }
0x6b: {  	_ =	shalt  }
0x6c: {  	_ =	shalt  }
0x6d: {  	_ =	shalt  }
0x6e: {  	_ =	shalt  }
0x6f: {  	_ =	shalt  }
0x70: {  	_ =	shalt  }
0x71: {  	_ =	shalt  }
0x72: {  	_ =	shalt  }
0x73: {  	_ =	shalt  }
0x74: {  	_ =	shalt  }
0x75: {  	_ =	shalt  }
0x76: {  	_ =	shalt  }
0x77: {  	_ =	shalt  }
0x78: {  	_ =	shalt  }
0x79: {  	_ =	shalt  }
0x7a: {  	_ =	shalt  }
0x7b: {  	_ =	shalt  }
0x7c: {  	_ =	shalt  }
0x7d: {  	_ =	shalt  }
0x7e: {  	_ =	shalt  }
0x7f: {  	_ =	shalt  }
0x80: {  	_ =	shalt  }
0x81: {  	_ =	shalt  }
0x82: {  	_ =	shalt  }
0x83: {  	_ =	shalt  }
0x84: {  	_ =	shalt  }
0x85: {  	_ =	shalt  }
0x86: {  	_ =	shalt  }
0x87: {  	_ =	shalt  }
.Lfunc_end0:
.L_simem_size_0:
called_computation.2_lowered:
.L_overlay_start_0:
0x88: {  	s2 =	sld [smem:$0x3FD9]  }
0x89: {  	s3 =	sld [smem:$0x3FFE];
	_ =	sdelay $0x1  }
0x8a: {  	s1 =	srdreg.scid  }
0x8b: {  	s0 =	sand.u32 $0x1, s1  }
0x8c: {  	s17 =	sshll.u32 s0, $0xA;
	s2 =	sadd.s32 s3, s2  }
0x8d: {  	s2 =	sadd.s32 s2, s17  }
0x8e: {  	[smem:$0x3FAB] =	sst s2  }
0x8f: {  	_ = 	snop  }
0x90: {  	s2 =	sld [smem:$0x3FD0];
	(tm) =	ssettm $0x1  }
0x91: {  	s18 =	sld [smem:$0x3FFB];
	_ =	sdelay $0x3  }
0x92: {  	_ =	strace s18  }
0x93: {  	s3 =	sld [smem:$0x3FFC];
	_ =	sdelay $0x3  }
0x94: {  	_ =	strace s3  }
0x95: {  	s3 =	sld [smem:$0x3FFD];
	_ =	sdelay $0x3  }
0x96: {  	_ =	strace s3  }
0x97: {  	_ =	strace $0x8FFFFFFF  }
0x98: {  	s19 =	sld [smem:$0x3FDB];
	_ =	sdelay $0x1  }
0x99: {  	s4 =	simm.s32 $_scs_section_size  }
0x9a: {  	s5 =	simm.s32 $_size__tile_overlayer_lowered;
	s6 =	simm.s32 $_tile_overlayer_lowered  }
0x9b: {  	s22 =	simm.s32 $0x1BFF;
	s21 =	sshll.u32 s6, $0x1;
	s3 =	sadd.s32 s4, s19  }
0x9c: {  	s7 =	simm.s32 $0x0;
	s20 =	sshll.u32 s5, $0x1;
	s5 =	sadd.s32 s21, s3  }
0x9d: {  	[timem:s7], [sflag:s22] =	dma.local [hbm:s5], s20  }
0x9e: {  	_ =	swait.ge [sflag:s22], s20  }
0x9f: {  	s4 =	ssub.s32 $0x0, s20;
	[sflag:s22] =	ssyncset.done $0x0  }
0xa0: {  	[sflag:s22] =	ssyncadd.s32 s4;
	_ =	sdelay $0x1  }
0xa1: {  	s23 =	simm.s32 $0x1B8B  }
0xa2: {  	_ =	swait.ge [sflag:s23], $0x1  }
0xa3: {  	[sflag:s23] =	ssyncset.done $0x0  }
0xa4: {  	s25 =	simm.s32 $0x1B8E;
	s24 =	sld [smem:$0x3FFE];
	[sflag:s23] =	ssyncadd.s32 $0xFFFFFFFF  }
0xa5: {  	s26 =	simm.s32 $execute0_lowered;
	[smem:$0x3FD2] =	sst s25  }
0xa6: {  	s5 =	sshll.u32 s26, $0x1;
	_ =	strace $0x8000005A;
	[dreg:$0x1] =	wrdreg $0xFFFFFFFF  }
0xa7: {  	s28 =	simm.s32 $_size_execute0_lowered;
	s3 =	sadd.s32 s3, s5;
	[dreg:$0x0] =	wrdreg $0x0  }
0xa8: {  	s5 =	sshll.u32 s28, $0x1;
	[dreg:$0x2] =	wrdreg s3  }
0xa9: {  	[dreg:$0x3] =	wrdreg s5  }
0xaa: {  	[dreg:$0x4] =	wrdreg $0xC0  }
0xab: {  	_ =	task [dreg:s7], $0x5FFFF  }
0xac: {  	[dreg:$0x1] =	wrdreg $0xFFFFFFFF  }
0xad: {  	[dreg:$0x0] =	wrdreg $0x60  }
0xae: {  	[dreg:$0x2] =	wrdreg s2  }
0xaf: {  	[dreg:$0x3] =	wrdreg s24  }
0xb0: {  	[dreg:$0x4] =	wrdreg $0x9  }
0xb1: {  	_ =	task.clear_ibuf [dreg:s7], $0x5FFFF;
	_ =	strace $0x9000005A  }
0xb2: {  	s29 =	simm.s32 $0x9;
	_ =	strace $0x80000063  }
0xb3: {  	_ =	swait.ge [sflag:s29], $0x1  }
0xb4: {  	[sflag:s29] =	ssyncadd.s32 $0xFFFFFFFF  }
0xb5: {  	_ =	strace $0x90000063  }
0xb6: {  	_ =	sfence  }
0xb7: {  	s30 =	sld [smem:$0x0];
	_ =	sdelay $0x2  }
0xb8: {  	s31 =	sshll.u32 s1, $0xD;
	s1 =	sshrl.u32 s1, $0x2  }
0xb9: {  	s3 =	sand.u32 $0x4000, s31;
	s1 =	sadd.s32 s1, s30  }
0xba: {  	s0 =	sor.u32 s3, s0;
	s1 =	sshll.u32 s1, $0x11  }
0xbb: {  	s0 =	sor.u32 s1, s0  }
0xbc: {  	s0 =	sadd.s32 $0x8F2B, s0  }
0xbd: {  	[sflag:s0] =	ssyncadd.remote.s32 $0x1  }
0xbe: {  	_ =	sfence.sel $0xFFFF  }
0xbf: {  	[dreg:$0x0] =	wrdreg $0xFFFFFFFF;
	(pc) =	sbr.abs _section_cstart, $3  }
0xc0: {  	[dreg:$0x1] =	wrdreg $0xFFFFFFFF  }
0xc1: {  	_ =	task.clear_ibuf [dreg:s7], $0x2FFFF;
	_ =	strace $0x9FFFFFFF  }
0xc2: {  	(tm) =	ssettm $0x7FFFFFFF  }
0xc3: {  	_ =	shalt  }
tec
execute0_lowered:
.L_overlay_start_1:
0x0: {  	(tag) =	ssettag $0x1  }
0x1: {  	s0 =	rddreg [dreg:$0x0]  }
0x2: {  	s4 =	rddreg [dreg:$0x1]  }
0x3: {  	s1 =	simm.s32 $0x0;
	[dreg:$0x3] =	wrdreg s0  }
0x4: {  	s2 =	srdreg.scid;
	s8 =	simm.s32 $0x80;
	s0 =	rddreg [dreg:$0x2]  }
0x5: {  	s9 =	simm.s32 $0x4;
	s10 =	simm.s32 $0x0;
	[smem:$0x7FF] =	sst s1  }
0x6: {  	s3 =	sadd.s32 $0x28E00, s4;
	s5 =	sand.u32 $0x1, s2;
	s4 =	sadd.s32 $0x431200, s4  }
0x7: {  	s2 =	stileid.u32;
	_ =	strace $0x8000005B;
	[dreg:$0x5] =	wrdreg s4  }
0x8: {  	s6 =	ssub.s32 $0x2, s5;
	s5 =	sshll.u32 s5, $0x4;
	[dreg:$0x4] =	wrdreg s8  }
0x9: {  	s8 =	simm.s32 $0x5;
	s7 =	sshrl.u32 s6, $0x1;
	s5 =	sor.u32 s2, s5  }
0xa: {  	s6 =	ssub.s32 s6, s7;
	s31 =	sshll.u32 s5, $0xA;
	s4 =	sshll.u32 s5, $0x6  }
0xb: {  	s7 =	simm.s32 $0x1;
	s5 =	sadd.s32 s3, s31;
	s6 =	smax.u32 s6, $0x1  }
.LBB2_1:
0xc: {  	_ =	strace $0x8000005C;
	s11 =	simm.s32 $0x1;
	p0 =	por $0x0, $0x0  }
0xd: {  	[tilespmem:s1], [sflag:$0x1] =	stream.linear.gather [hbm4b:s5+s1], $0x80, $0x200038;
	[tilespmem:$0x8100] =	vst v63  }
0xe: {  	s11 =	simm.s32 @p0 $0x0  }
0xf: {  	p4 =	por $0x1, $0x1;
	s20 =	sand.u32 $0x1, s1;
	p1 =	sne.s32 s11, $0x0  }
0x10: {  	p2 =	por $0x1, $0x1;
	s18 =	simm.s32 $0x3E;
	p0 =	por !p4, !p1  }
0x11: {  	s16 =	simm.s32 $0x0;
	p5 =	por $0x0, $0x0;
	p0 =	por !p0, !p0  }
0x12: {  	s23 =	sadd.s32 $0x0, s4;
	s30 =	sadd.s32 $0x1, s20;
	s12 =	sadd.s32 @p0 s4, s11  }
0x13: {  	_ =	strace $0x9000005C;
	s13 =	sand.u32 @p0 $0x1, s7;
	s12 =	sshll.u32 @p0 s12, $0x4  }
0x14: {  	_ =	strace @p0 $0x8000005D;
	s15 =	simm.s32 @p0 $0x0;
	s12 =	sand.u32 @p0 $0x1FFFFFF0, s12  }
0x15: {  	s14 =	sshll.u32 @p0 s13, $0x7;
	s13 =	sadd.s32 @p0 $0x1, s13;
	s12 =	sadd.s32 @p0 s3, s12  }
0x16: {  	[tilespmem:s14], [sflag:s13] =	stream.linear.gather @p0 [hbm4b:s12+s15], $0x80, $0x200038;
	[tilespmem:$0x8100] =	vst v63  }
0x17: {  	p3 =	por p2, p2;
	s21 =	sshll.u32 s20, $0xE;
	_ =	strace @p0 $0x9000005D  }
0x18: {  	s16 =	sand.u32 $0x80, s16;
	p2 =	por p5, p5;
	_ =	strace $0x8000005E  }
0x19: {  	s17 =	sadd.s32 $0x1, s11;
	s22 =	sor.u32 $0x100, s21;
	_ =	swait.ge [sflag:s30], $0x80  }
0x1a: {  	s21 =	simm.s32 $0x1;
	p6 =	por p1, p1;
	[sflag:s30] =	ssyncset.done $0x0  }
0x1b: {  	p1 =	por p3, p3;
	p4 =	por $0x1, $0x1;
	[sflag:s30] =	ssyncadd.s32 $0xFFFFFF80  }
0x1c: {  	s12 =	simm.s32 $0x3F;
	s15 =	sand.u32 @!p3 $0x1, s1;
	_ =	strace $0x9000005E  }
0x1d: {  	s13 =	simm.s32 $0x1;
	p3 =	seq.s32 s17, $0x40;
	_ =	strace $0x8000005F  }
0x1e: {  	s13 =	simm.s32 @!p0 $0x0;
	s17 =	simm.s32 @p3 $0x0;
	s19 =	rddreg [dreg:$0x4]  }
0x1f: {  	p0 =	por $0x0, $0x0;
	s14 =	sadd.s32 $0x1, s13;
	s31 =	rddreg [dreg:$0x3]  }
0x20: {  	[tilespmem:s22], [sflag:$0x5] =	stream.indirect.gather [hbm4b:s31+s19], $0x80, s16, s19, $0x2000b8;
	[tilespmem:$0x8100] =	vst v63  }
0x21: {  	p3 =	sne.s32 s11, s17;
	s21 =	simm.s32 @!p0 $0x0;
	_ =	swait.ge [sflag:s8], $0x4000  }
0x22: {  	p5 =	por !p4, !p3;
	p4 =	por $0x0, $0x0;
	[sflag:s8] =	ssyncset.done $0x0  }
0x23: {  	s13 =	simm.s32 $0x0;
	p6 =	por p4, p6;
	[sflag:s8] =	ssyncadd.s32 $0xFFFFC000  }
0x24: {  	s16 =	simm.s32 $0x0;
	s19 =	simm.s32 $0x0;
	_ =	strace $0x9000005F  }
.LBB2_2:
0x25: {  	_ =	strace @p6 $0x80000060;
	s13 =	sadd.s32 s21, s13;
	s21 =	smov.u32 s12  }
0x26: {  	s12 =	smov.u32 s18;
	s18 =	sadd.s32 $0xFFFFFFFF, s18;
	p0 =	por p3, p3  }
0x27: {  	s28 =	sshll.u32 @p6 s23, $0xB;
	s20 =	sadd.s32 @p6 $0x3, s20;
	s24 =	simm.s32 @!p0 $0x0  }
0x28: {  	s25 =	rddreg [dreg:$0x5];
	s28 =	sand.u32 @p6 $0x1FFFF800, s28;
	s24 =	simm.s32 @p0 $0x1  }
0x29: {  	s25 =	sadd.s32 @p6 s25, s28;
	s28 =	simm.s32 @p6 $0x0;
	p0 =	sne.s32 s18, $0x0  }
0x2a: {  	[hbm4b:s25+s28] =	stream.linear.scatter @p6 [tilespmem:s22], [sflag:s20], $0x4000, $0x200038;
	[tilespmem:$0x8100] =	vst v63  }
0x2b: {  	s20 =	sadd.s32 @!p1 $0x3, s15;
	s15 =	simm.s32 @!p0 $0x0  }
0x2c: {  	s26 =	simm.s32 $0x1;
	[smem:$0x7FC] =	sst s24;
	s15 =	simm.s32 @p0 $0x1  }
0x2d: {  	s26 =	simm.s32 @!p6 $0x0;
	_ =	strace @p6 $0x90000060;
	[smem:$0x7FD] =	sst s15  }
0x2e: {  	p5 =	por !p5, !p5;
	s19 =	sadd.s32 s26, s19;
	_ =	strace @!p1 $0x80000061  }
0x2f: {  	s24 =	sand.u32 @!p2 $0x1, s13;
	s22 =	sand.u32 @p5 $0x1, s14;
	_ =	swait.ge @!p1 [sflag:s20], $0x4000  }
0x30: {  	s15 =	smov.u32 s24;
	s24 =	sadd.s32 @p5 s4, s17;
	[sflag:s20] =	ssyncset.done @!p1 $0x0  }
0x31: {  	s25 =	sshll.u32 @p5 s22, $0x7;
	s24 =	sshll.u32 @p5 s24, $0x4;
	[sflag:s20] =	ssyncadd.s32 @!p1 $0xFFFFC000  }
0x32: {  	s20 =	sadd.s32 @p5 $0x1, s22;
	s22 =	sand.u32 @p5 $0x1FFFFFF0, s24;
	_ =	strace @!p1 $0x90000061  }
0x33: {  	s24 =	simm.s32 @p5 $0x0;
	s22 =	sadd.s32 @p5 s3, s22;
	_ =	strace @p5 $0x8000005D  }
0x34: {  	[tilespmem:s25], [sflag:s20] =	stream.linear.gather @p5 [hbm4b:s22+s24], $0x80, $0x200038;
	[tilespmem:$0x8100] =	vst v63  }
0x35: {  	s16 =	sadd.s32 s26, s16;
	s26 =	sand.u32 $0x1, s19;
	_ =	strace @p5 $0x9000005D  }
0x36: {  	s24 =	sadd.s32 $0x1, s26;
	_ =	strace $0x8000005E  }
0x37: {  	_ =	swait.ge [sflag:s24], $0x80  }
0x38: {  	[sflag:s24] =	ssyncset.done $0x0  }
0x39: {  	s20 =	simm.s32 $0x1;
	[sflag:s24] =	ssyncadd.s32 $0xFFFFFF80  }
0x3a: {  	s20 =	simm.s32 @!p5 $0x0;
	_ =	strace $0x9000005E  }
0x3b: {  	s14 =	sadd.s32 s20, s14;
	s20 =	sand.u32 $0x1, s16;
	_ =	strace $0x8000005F  }
0x3c: {  	s29 =	sshll.u32 s19, $0x7;
	s25 =	sshll.u32 s20, $0xE;
	s26 =	rddreg [dreg:$0x4]  }
0x3d: {  	s29 =	sand.u32 $0x80, s29;
	s22 =	sor.u32 $0x100, s25;
	s30 =	rddreg [dreg:$0x3]  }
0x3e: {  	[tilespmem:s22], [sflag:$0x5] =	stream.indirect.gather [hbm4b:s30+s26], $0x80, s29, s26, $0x2000b8;
	[tilespmem:$0x8100] =	vst v63  }
0x3f: {  	_ =	swait.ge [sflag:s8], $0x4000  }
0x40: {  	s31 =	sadd.s32 $0x1, s17;
	[sflag:s8] =	ssyncset.done $0x0  }
0x41: {  	s23 =	sadd.s32 s4, s11;
	s11 =	smov.u32 s17;
	[sflag:s8] =	ssyncadd.s32 $0xFFFFC000  }
0x42: {  	p3 =	seq.s32 s31, $0x40;
	s17 =	smov.u32 s31;
	_ =	strace $0x9000005F  }
0x43: {  	s17 =	simm.s32 @p3 $0x0;
	s31 =	sld [smem:$0x7FD]  }
0x44: {  	p6 =	sne.s32 s12, $0x1;
	p0 =	sne.s32 s21, $0x40;
	p3 =	sne.s32 s11, s17  }
0x45: {  	p5 =	por !p6, !p3;
	p6 =	seq.s32 s21, $0x1;
	s21 =	simm.s32 $0x1  }
0x46: {  	s21 =	simm.s32 @!p0 $0x0;
	p0 =	seq.s32 s31, $0x1  }
.Ltmp0:
0x47: {  	s30 =	sld [smem:$0x7FC];
	(pc) =	sbr.rel @p0 .LBB2_2-.Ltmp0, $4  }
0x48: {  	_ = 	snop  }
0x49: {  	p4 =	seq.s32 s12, $0x40  }
0x4a: {  	p1 =	por p2, p2;
	p2 =	por p4, p4;
	p4 =	seq.s32 s30, $0x1  }
0x4b: {  	p6 =	por p6, p4  }
0x4c: {  	_ =	strace @p6 $0x80000060;
	s23 =	sshll.u32 @p6 s23, $0xB  }
0x4d: {  	s18 =	rddreg [dreg:$0x5];
	s23 =	sand.u32 @p6 $0x1FFFF800, s23  }
0x4e: {  	s20 =	sadd.s32 @p6 $0x3, s20;
	s18 =	sadd.s32 @p6 s18, s23;
	s23 =	simm.s32 @p6 $0x0  }
0x4f: {  	[hbm4b:s18+s23] =	stream.linear.scatter @p6 [tilespmem:s22], [sflag:s20], $0x4000, $0x200038;
	[tilespmem:$0x8100] =	vst v63  }
0x50: {  	p0 =	por !p5, !p5;
	_ =	strace @p6 $0x90000060  }
0x51: {  	s15 =	sadd.s32 @!p1 $0x3, s15;
	s17 =	sadd.s32 @p0 s4, s17;
	_ =	strace @!p1 $0x80000061  }
0x52: {  	s14 =	sand.u32 @p0 $0x1, s14;
	s17 =	sshll.u32 @p0 s17, $0x4;
	_ =	swait.ge @!p1 [sflag:s15], $0x4000  }
0x53: {  	s18 =	simm.s32 $0x1;
	s20 =	sshll.u32 @p0 s14, $0x7;
	[sflag:s15] =	ssyncset.done @!p1 $0x0  }
0x54: {  	s14 =	sadd.s32 @p0 $0x1, s14;
	s18 =	simm.s32 @!p6 $0x0;
	[sflag:s15] =	ssyncadd.s32 @!p1 $0xFFFFC000  }
0x55: {  	s19 =	sadd.s32 s18, s19;
	s15 =	sand.u32 @p0 $0x1FFFFFF0, s17;
	_ =	strace @!p1 $0x90000061  }
0x56: {  	s17 =	simm.s32 @p0 $0x0;
	s15 =	sadd.s32 @p0 s3, s15;
	_ =	strace @p0 $0x8000005D  }
0x57: {  	[tilespmem:s20], [sflag:s14] =	stream.linear.gather @p0 [hbm4b:s15+s17], $0x80, $0x200038;
	[tilespmem:$0x8100] =	vst v63  }
0x58: {  	s25 =	sand.u32 $0x1, s19;
	_ =	strace @p0 $0x9000005D  }
0x59: {  	s14 =	sadd.s32 $0x1, s25;
	_ =	strace $0x8000005E  }
0x5a: {  	_ =	swait.ge [sflag:s14], $0x80  }
0x5b: {  	[sflag:s14] =	ssyncset.done $0x0  }
0x5c: {  	[sflag:s14] =	ssyncadd.s32 $0xFFFFFF80  }
0x5d: {  	s26 =	sadd.s32 s18, s16;
	_ =	strace $0x9000005E  }
0x5e: {  	s14 =	sand.u32 $0x1, s26;
	_ =	strace $0x8000005F  }
0x5f: {  	s30 =	sshll.u32 s19, $0x7;
	s31 =	sshll.u32 s14, $0xE;
	s28 =	rddreg [dreg:$0x4]  }
0x60: {  	s17 =	sand.u32 $0x80, s30;
	s18 =	sor.u32 $0x100, s31;
	s29 =	rddreg [dreg:$0x3]  }
0x61: {  	[tilespmem:s18], [sflag:$0x5] =	stream.indirect.gather [hbm4b:s29+s28], $0x80, s17, s28, $0x2000b8;
	[tilespmem:$0x8100] =	vst v63  }
0x62: {  	_ =	swait.ge [sflag:s8], $0x4000  }
0x63: {  	[sflag:s8] =	ssyncset.done $0x0  }
0x64: {  	p5 =	por p3, p3;
	p6 =	seq.s32 s12, $0x1;
	[sflag:s8] =	ssyncadd.s32 $0xFFFFC000  }
0x65: {  	s11 =	sadd.s32 s4, s11;
	p0 =	por p6, p5;
	_ =	strace $0x9000005F  }
0x66: {  	s11 =	sshll.u32 @p0 s11, $0xB;
	_ =	strace @p0 $0x80000060  }
0x67: {  	s13 =	sadd.s32 s21, s13;
	s11 =	sand.u32 @p0 $0x1FFFF800, s11;
	s12 =	rddreg [dreg:$0x5]  }
0x68: {  	s14 =	sadd.s32 @p0 $0x3, s14;
	s11 =	sadd.s32 @p0 s12, s11;
	s12 =	simm.s32 @p0 $0x0  }
0x69: {  	[hbm4b:s11+s12] =	stream.linear.scatter @p0 [tilespmem:s18], [sflag:s14], $0x4000, $0x200038;
	[tilespmem:$0x8100] =	vst v63  }
0x6a: {  	p1 =	por p2, p2;
	s11 =	sand.u32 @!p2 $0x1, s13;
	_ =	strace @p0 $0x90000060  }
0x6b: {  	s11 =	sadd.s32 @!p1 $0x3, s11;
	_ =	strace @!p1 $0x80000061  }
0x6c: {  	_ =	swait.ge @!p1 [sflag:s11], $0x4000  }
0x6d: {  	[sflag:s11] =	ssyncset.done @!p1 $0x0  }
0x6e: {  	s10 =	sadd.s32 $0x1, s10;
	[sflag:s11] =	ssyncadd.s32 @!p1 $0xFFFFC000  }
0x6f: {  	p0 =	sne.s32 s10, s6;
	_ =	strace @!p1 $0x90000061  }
.Ltmp1:
0x70: {  	_ =	strace $0x80000062;
	(pc) =	sbr.rel @p0 .LBB2_1-.Ltmp1, $4  }
0x71: {  	_ =	swait.ge [sflag:s9], $0x4000  }
0x72: {  	[sflag:s9] =	ssyncset.done $0x0  }
0x73: {  	[sflag:s9] =	ssyncadd.s32 $0xFFFFC000  }
0x74: {  	_ =	strace $0x90000062  }
0x75: {  	_ =	sfence.sel $0x180000  }
0x76: {  	[bflag:$0x0] =	sbarrier.arrive $0xFFFF  }
0x77: {  	p0 =	sne.s32 s2, $0x0;
	_ =	strace $0x9000005B  }
0x78: {  	s0 =	sadd.s32 @!p0 $0x100000, s0;
	[bflag:$0x2] =	sbarrier.arrive $0xFFFF  }
0x79: {  	[sflag:s0] =	ssyncadd.tile.s32 @!p0 $0x1;
	_ =	shalt  }
.Lfunc_end2:
_tile_overlayer_lowered:
.L_overlay_start_2:
0x7a: {  	(tag) =	ssettag $0x2  }
0x7b: {  	s0 =	rddreg [dreg:$0x0];
	s2 =	stileid.u32  }
0x7c: {  	s1 =	rddreg [dreg:$0x1];
	p0 =	sne.s32 s2, $0x0  }
0x7d: {  	s3 =	rddreg [dreg:$0x2];
	[bflag:$0x3] =	sbarrier.arrive $0xFFFF;
	s2 =	simm.s32 @!p0 $0x1C01  }
0x7e: {  	[timem:s3], [sflag:s2] =	dma.local @!p0 [hbm:s0], s1  }
0x7f: {  	s0 =	simm.s32 @!p0 $0x1  }
0x80: {  	_ =	swait.ge @!p0 [sflag:s0], s1  }
0x81: {  	s1 =	ssub.s32 @!p0 $0x0, s1;
	[sflag:s0] =	ssyncset.done @!p0 $0x0  }
0x82: {  	[sflag:s0] =	ssyncadd.s32 @!p0 s1  }
0x83: {  	[bflag:$0x3] =	sbarrier.arrive $0xFFFF  }
0x84: {  	_ =	shalt  }

</sc_bundles>
